<compile_context>
chip_gen: v7x
topology: tpu7x:2x2x1
jax: 0.10.2.dev20260603
libtpu: 0.0.44.dev20260713+nightly
codegen_flags: <defaults>
</compile_context>

<pallas_src>
import jax
import jax.numpy as jnp
from jax import lax
from jax.experimental import pallas as pl
from jax.experimental.pallas import tpu as pltpu
from jax.experimental.pallas import tpu_sc as plsc

N_NODES = 10000
N_EDGES = 320000
D_IN = 128
D_HID = 128
D_OUT = 64

NC = 2
NS = 16
NW = NC * NS
N_ACC = 10048
RPT = N_ACC // NS
CHUNK = 128
NCHUNK = 80
EPW = NCHUNK * CHUNK
E_PAD = NW * EPW
N_FAKE = E_PAD - N_EDGES


def _seg_sum_kernel(d_feat, with_deg):
    mesh = plsc.VectorSubcoreMesh(core_axis_name="c", subcore_axis_name="s",
                                  num_cores=NC, num_subcores=NS)
    nidx = NCHUNK if d_feat <= 64 else NCHUNK // 4
    nbuf = 2 if with_deg else 4
    out_type = [jax.ShapeDtypeStruct((NC, N_ACC, d_feat), jnp.float32)]
    scratch = [
        pltpu.VMEM_SHARED((N_ACC, d_feat), jnp.float32),
        pltpu.VMEM((nidx, CHUNK), jnp.int32),
        pltpu.VMEM((nidx, CHUNK), jnp.int32),
    ]
    scratch += [pltpu.VMEM((CHUNK, d_feat), jnp.float32)
                for _ in range(nbuf)]
    scratch += [pltpu.SemaphoreType.DMA for _ in range(nbuf)]
    scratch += [pltpu.SemaphoreType.DMA for _ in range(nbuf)]
    scratch += [pltpu.VMEM((CHUNK, 16), jnp.float32)]
    if with_deg:
        out_type.append(jax.ShapeDtypeStruct((NC, N_ACC, 16), jnp.float32))
        scratch.append(pltpu.VMEM_SHARED((N_ACC, 16), jnp.float32))

    def body(table, edges, *rest):
        if with_deg:
            (acc_out, deg_out, acc_sh, srcv, dstv, *rs) = rest
            deg_sh = rest[-1]
        else:
            (acc_out, acc_sh, srcv, dstv, *rs) = rest
        rows = tuple(rs[:nbuf])
        sems = tuple(rs[nbuf:2 * nbuf])
        ssems = tuple(rs[2 * nbuf:3 * nbuf])
        onesv = rs[3 * nbuf]
        rows0 = rows[0]
        cid = lax.axis_index("c")
        sid = lax.axis_index("s")
        wid = sid * NC + cid
        r0 = sid * RPT

        zvec = jnp.zeros((16,), jnp.float32)

        def zrow(i, _):
            for j in range(d_feat // 16):
                rows0[i, pl.ds(j * 16, 16)] = zvec
            return 0

        lax.fori_loop(0, CHUNK, zrow, 0)
        nfull = RPT // CHUNK
        for c in range(nfull):
            pltpu.sync_copy(rows0, acc_sh.at[pl.ds(r0 + c * CHUNK, CHUNK)])
        rem = RPT - nfull * CHUNK
        if rem:
            pltpu.sync_copy(rows0.at[pl.ds(0, rem)],
                            acc_sh.at[pl.ds(r0 + nfull * CHUNK, rem)])
        if with_deg:
            def z16row(i, _):
                onesv[i, pl.ds(0, 16)] = zvec
                return 0

            lax.fori_loop(0, CHUNK, z16row, 0)
            for c in range(nfull):
                pltpu.sync_copy(onesv,
                                deg_sh.at[pl.ds(r0 + c * CHUNK, CHUNK)])
            if rem:
                pltpu.sync_copy(onesv.at[pl.ds(0, rem)],
                                deg_sh.at[pl.ds(r0 + nfull * CHUNK, rem)])
            one = jnp.full((16,), 1.0, dtype=jnp.float32)

            def orow(i, _):
                onesv[i, pl.ds(0, 16)] = one
                return 0

            lax.fori_loop(0, CHUNK, orow, 0)
        plsc.subcore_barrier()

        def gather(k, b):
            pltpu.async_copy(table.at[srcv.at[k]], rows[b], sems[b])

        def gather_wait(b):
            pltpu.make_async_copy(table.at[srcv.at[0]], rows[b],
                                  sems[b]).wait()

        def scat(k, b):
            pltpu.async_copy(rows[b], acc_sh.at[dstv.at[k]], ssems[b],
                             add=True)
            if with_deg:
                pltpu.async_copy(onesv, deg_sh.at[dstv.at[k]], ssems[b],
                                 add=True)

        def scat_wait(b):
            pltpu.make_async_copy(rows[b], acc_sh.at[dstv.at[0]],
                                  ssems[b]).wait()
            if with_deg:
                pltpu.make_async_copy(onesv, deg_sh.at[dstv.at[0]],
                                      ssems[b]).wait()

        for h in range(NCHUNK // nidx):
            pltpu.sync_copy(edges.at[0, wid, pl.ds(h * nidx, nidx)], srcv)
            pltpu.sync_copy(edges.at[1, wid, pl.ds(h * nidx, nidx)], dstv)
            if nbuf == 2:
                gather(0, 0)

                def pair(p, _):
                    k0 = 2 * p
                    gather_wait(0)

                    @pl.when(p > 0)
                    def _():
                        scat_wait(1)
                    gather(k0 + 1, 1)
                    scat(k0, 0)
                    gather_wait(1)
                    scat_wait(0)

                    @pl.when(p + 1 < nidx // 2)
                    def _():
                        gather(k0 + 2, 0)
                    scat(k0 + 1, 1)
                    return 0

                lax.fori_loop(0, nidx // 2, pair, 0)
                scat_wait(1)
            else:
                gather(0, 0)
                gather(1, 1)

                def quad(q, _):
                    for j in range(4):
                        k = 4 * q + j
                        b = j
                        gather_wait(b)
                        scat(k, b)
                        bn = (j + 2) % 4

                        @pl.when(k >= 2)
                        def _():
                            scat_wait(bn)

                        @pl.when(k + 2 < nidx)
                        def _():
                            gather(k + 2, bn)
                    return 0

                lax.fori_loop(0, nidx // 4, quad, 0)
                scat_wait(2)
                scat_wait(3)
        plsc.subcore_barrier()

        pltpu.sync_copy(acc_sh.at[pl.ds(r0, RPT)],
                        acc_out.at[cid, pl.ds(r0, RPT)])
        if with_deg:
            pltpu.sync_copy(deg_sh.at[pl.ds(r0, RPT)],
                            deg_out.at[cid, pl.ds(r0, RPT)])

    return pl.kernel(body, out_type=out_type, mesh=mesh,
                     scratch_types=scratch,
                     compiler_params=pltpu.CompilerParams(
                         use_tc_tiling_on_sc=False),
                     name=f"sage_seg_sum_d{d_feat}")


_seg_sum_l0 = _seg_sum_kernel(D_IN, with_deg=True)
_seg_sum_l1 = _seg_sum_kernel(D_OUT, with_deg=False)

_BLK = 1280


def _rowmap(n_out, n_in, idx_of_out):
    i = lax.broadcasted_iota(jnp.int32, (n_out, n_in), 0)
    j = lax.broadcasted_iota(jnp.int32, (n_out, n_in), 1)
    return (j == idx_of_out(i)).astype(jnp.float32)


def _dot(a, b):
    return jax.lax.dot(a, b, preferred_element_type=jnp.float32)


def _tc_layer_body(x_ref, accp_ref, accd_ref, ws0_ref, wn0_ref, b0_ref,
                   ws1_ref, wn1_ref, b1_ref, p1_ref, s1e_ref):
    blk = x_ref.shape[0]
    sum_p = accp_ref[0] + accp_ref[1]
    dpack = accd_ref[0] + accd_ref[1]
    repl = _dot(_rowmap(blk, blk // 8, lambda i: i // 8), dpack)
    lane = lax.broadcasted_iota(jnp.int32, (blk, 128), 1)
    node = lax.broadcasted_iota(jnp.int32, (blk, 128), 0)
    sel = jnp.where((lane // 16) == (node % 8), repl, 0.0)
    deg = jnp.sum(sel, axis=1, keepdims=True) * (1.0 / 16.0)
    d = jnp.maximum(deg, 1.0)
    agg0 = sum_p / d
    x = x_ref[...]
    h = x @ ws0_ref[...] + agg0 @ wn0_ref[...] + b0_ref[...]
    h = jnp.maximum(h, 0.0)
    p1 = jnp.dot(h, wn1_ref[...],
                 preferred_element_type=jnp.float32)
    even = _dot(_rowmap(blk // 2, blk, lambda i: 2 * i), p1)
    odd = _dot(_rowmap(blk // 2, blk, lambda i: 2 * i + 1), p1)
    p1_ref[...] = jnp.concatenate([even, odd], axis=1)
    s1 = jnp.dot(h, ws1_ref[...],
                 preferred_element_type=jnp.float32) + b1_ref[...]
    s1e_ref[...] = jnp.concatenate(
        [s1, jnp.broadcast_to(deg, (s1.shape[0], D_OUT))], axis=1)


def _tc_final_body(s1e_ref, accq_ref, out_ref):
    blk = s1e_ref.shape[0]
    deg = jnp.maximum(s1e_ref[:, D_OUT:D_OUT + 1], 1.0)
    qpack = accq_ref[0] + accq_ref[1]
    node = lax.broadcasted_iota(jnp.int32, (blk, blk // 2), 0)
    half = lax.broadcasted_iota(jnp.int32, (blk, blk // 2), 1)
    a_even = ((node % 2 == 0) & (half == node // 2)).astype(jnp.float32)
    a_odd = ((node % 2 == 1) & (half == node // 2)).astype(jnp.float32)
    q = _dot(a_even, qpack[:, :D_OUT]) + _dot(a_odd, qpack[:, D_OUT:])
    out_ref[...] = s1e_ref[:, :D_OUT] + q / deg


def kernel(x, edge_index, W_self0, W_neigh0, b0, W_self1, W_neigh1, b1):
    i = jnp.arange(N_FAKE, dtype=jnp.int32)
    fake = jnp.stack([(i * 131) % N_NODES, N_NODES + (i % 16)])
    edges = jnp.concatenate([edge_index, fake], axis=1)
    edges = edges.reshape(2, NW, NCHUNK, CHUNK)

    accp, accd = _seg_sum_l0(x, edges)
    accd = accd.reshape(NC, N_ACC // 8, 128)

    nblk = (N_NODES + _BLK - 1) // _BLK
    p1, s1e = pl.pallas_call(
        _tc_layer_body,
        grid=(nblk,),
        in_specs=[
            pl.BlockSpec((_BLK, D_IN), lambda i: (i, 0)),
            pl.BlockSpec((NC, _BLK, D_IN), lambda i: (0, i, 0)),
            pl.BlockSpec((NC, _BLK // 8, 128), lambda i: (0, i, 0)),
            pl.BlockSpec((D_IN, D_HID), lambda i: (0, 0)),
            pl.BlockSpec((D_IN, D_HID), lambda i: (0, 0)),
            pl.BlockSpec((1, D_HID), lambda i: (0, 0)),
            pl.BlockSpec((D_HID, D_OUT), lambda i: (0, 0)),
            pl.BlockSpec((D_HID, D_OUT), lambda i: (0, 0)),
            pl.BlockSpec((1, D_OUT), lambda i: (0, 0)),
        ],
        out_specs=[
            pl.BlockSpec((_BLK // 2, 2 * D_OUT), lambda i: (i, 0)),
            pl.BlockSpec((_BLK, 2 * D_OUT), lambda i: (i, 0)),
        ],
        out_shape=[
            jax.ShapeDtypeStruct((N_NODES // 2, 2 * D_OUT), jnp.float32),
            jax.ShapeDtypeStruct((N_NODES, 2 * D_OUT), jnp.float32),
        ],
        name="sage_tc_layer",
    )(x, accp, accd, W_self0, W_neigh0, b0.reshape(1, D_HID),
      W_self1, W_neigh1, b1.reshape(1, D_OUT))

    (accq,) = _seg_sum_l1(p1.reshape(N_NODES, D_OUT), edges)
    accq = accq.reshape(NC, N_ACC // 2, 128)

    out = pl.pallas_call(
        _tc_final_body,
        grid=(nblk,),
        in_specs=[
            pl.BlockSpec((_BLK, 2 * D_OUT), lambda i: (i, 0)),
            pl.BlockSpec((NC, _BLK // 2, 128), lambda i: (0, i, 0)),
        ],
        out_specs=pl.BlockSpec((_BLK, D_OUT), lambda i: (i, 0)),
        out_shape=jax.ShapeDtypeStruct((N_NODES, D_OUT), jnp.float32),
        name="sage_tc_final",
    )(s1e, accq)
    return out

# --- scband reference (transcript-rebuilt; emitter-appended) ---
"""Pipeline reference for scband-sage-23940147708109 (READ-ONLY COPY).

The authoritative reference and input builder live on the scoring server;
editing this copy changes nothing except your own understanding.
"""

import jax, jax.numpy as jnp
import numpy as np

N_NODES = 10000
N_EDGES = 320000
D_IN = 128
D_HID = 128
D_OUT = 64


def setup_inputs(seed: int = 0) -> dict:
    key = jax.random.key(seed)
    ks = jax.random.split(key, 8)
    x = jax.random.normal(ks[0], (N_NODES, D_IN), dtype=jnp.float32)
    edge_index = jax.random.randint(ks[1], (2, N_EDGES), 0, N_NODES, dtype=jnp.int64 if jax.config.jax_enable_x64 else jnp.int32).astype(jnp.int32)
    s_in = 1.0 / np.sqrt(D_IN)
    s_hid = 1.0 / np.sqrt(D_HID)
    W_self0 = jax.random.normal(ks[2], (D_IN, D_HID), dtype=jnp.float32) * s_in
    W_neigh0 = jax.random.normal(ks[3], (D_IN, D_HID), dtype=jnp.float32) * s_in
    b0 = jnp.zeros((D_HID,), dtype=jnp.float32)
    W_self1 = jax.random.normal(ks[4], (D_HID, D_OUT), dtype=jnp.float32) * s_hid
    W_neigh1 = jax.random.normal(ks[5], (D_HID, D_OUT), dtype=jnp.float32) * s_hid
    b1 = jnp.zeros((D_OUT,), dtype=jnp.float32)
    return {"x": x, "edge_index": edge_index, "W_self0": W_self0, "W_neigh0": W_neigh0, "b0": b0, "W_self1": W_self1, "W_neigh1": W_neigh1, "b1": b1}


def _sage_conv(h, src, dst, W_self, W_neigh, b):
    # DGL SAGEConv with 'mean' aggregator: fc_self(h_dst) + fc_neigh(mean_{src->dst} h_src) + bias
    msgs = jnp.take(h, src, axis=0)
    agg_sum = jax.ops.segment_sum(msgs, dst, num_segments=N_NODES)
    deg = jax.ops.segment_sum(jnp.ones((msgs.shape[0],), dtype=h.dtype), dst, num_segments=N_NODES)
    agg = agg_sum / jnp.maximum(deg, 1.0)[:, None]
    return h @ W_self + agg @ W_neigh + b


def reference(x, edge_index, W_self0, W_neigh0, b0, W_self1, W_neigh1, b1):
    src = edge_index[0]
    dst = edge_index[1]
    h = _sage_conv(x, src, dst, W_self0, W_neigh0, b0)
    h = jax.nn.relu(h)  # activation between layers; dropout=0.0 (identity in eval)
    h = _sage_conv(h, src, dst, W_self1, W_neigh1, b1)
    return h

if __name__ == "__main__":
    import jax
    _d = setup_inputs()
    print(jax.jit(kernel)(*tuple(_d.values())))

</pallas_src>

<mosaic_0001>
#map = affine_map<(d0, d1) -> (0, 0)>
#map1 = affine_map<(d0, d1) -> (0, 0, 0, 0)>
#map2 = affine_map<(d0, d1) -> (0, 0, 0)>
module attributes {stable_mosaic.version = 14 : i64} {
  func.func @sage_seg_sum_d128(%arg0: i32, %arg1: i32, %arg2: memref<10000x128xf32, #tpu.memory_space<hbm>>, %arg3: memref<2x32x80x128xi32, #tpu.memory_space<hbm>>, %arg4: memref<2x10048x128xf32, #tpu.memory_space<hbm>>, %arg5: memref<2x10048x16xf32, #tpu.memory_space<hbm>>, %arg6: memref<10048x128xf32, #tpu.memory_space<vmem_shared>>, %arg7: memref<20x128xi32, #tpu.memory_space<vmem>>, %arg8: memref<20x128xi32, #tpu.memory_space<vmem>>, %arg9: memref<128x128xf32, #tpu.memory_space<vmem>>, %arg10: memref<128x128xf32, #tpu.memory_space<vmem>>, %arg11: memref<!tpu.dma_semaphore, #tpu.memory_space<semaphore_mem>>, %arg12: memref<!tpu.dma_semaphore, #tpu.memory_space<semaphore_mem>>, %arg13: memref<!tpu.dma_semaphore, #tpu.memory_space<semaphore_mem>>, %arg14: memref<!tpu.dma_semaphore, #tpu.memory_space<semaphore_mem>>, %arg15: memref<128x16xf32, #tpu.memory_space<vmem>>, %arg16: memref<10048x16xf32, #tpu.memory_space<vmem_shared>>) attributes {dimension_semantics = [#tpu.dimension_semantics<core_parallel>, #tpu.dimension_semantics<subcore_parallel>], iteration_bounds = array<i64: 2, 16>, scalar_prefetch = 0 : i64, scratch_operands = 11 : i64, tpu.core_type = #tpu.core_type<sc_vector_subcore>, window_params = [{transform_indices = #map}, {transform_indices = #map1}, {transform_indices = #map2}, {transform_indices = #map2}]} {
    %mul3A = arith.constant 2 : i32
    %mul3A_0 = arith.muli %arg1, %mul3A : i32
    %add3A = arith.addi %mul3A_0, %arg0 : i32
    %mul3A_1 = arith.constant 628 : i32
    %mul3A_2 = arith.muli %arg1, %mul3A_1 : i32
    %broadcast_in_dim3A = arith.constant 0.000000e+00 : f32
    %broadcast_in_dim3A_3 = vector.broadcast %broadcast_in_dim3A : f32 to vector<16xf32>
    %scan3A = arith.constant 0 : i32
    %scan3A_4 = arith.constant 0 : i32
    %scan3A_5 = arith.constant 128 : i32
    %scan3A_6 = arith.addi %scan3A_4, %scan3A_5 : i32
    %scan3A_7 = arith.constant 1 : i32
    %scan3A_8 = scf.for %scan3A_164 = %scan3A_4 to %scan3A_6 step %scan3A_7 iter_args(%scan3A_165 = %scan3A) -> (i32)  : i32 {
      %swap3A = arith.index_cast %scan3A_164 : i32 to index
      %swap3A_166 = arith.constant 0 : index
      %swap3A_167 = tpu.vector_load %arg9[%swap3A, %swap3A_166] {strides = array<i32>} : memref<128x128xf32, #tpu.memory_space<vmem>>, vector<1x16xf32>,
      %swap3A_168 = vector.shape_cast %swap3A_167 : vector<1x16xf32> to vector<16xf32>
      %swap3A_169 = vector.shape_cast %broadcast_in_dim3A_3 : vector<16xf32> to vector<1x16xf32>
      tpu.vector_store %arg9[%swap3A, %swap3A_166], %swap3A_169 {strides = array<i32>} : memref<128x128xf32, #tpu.memory_space<vmem>>, vector<1x16xf32>,
      %swap3A_170 = arith.index_cast %scan3A_164 : i32 to index
      %swap3A_171 = arith.constant 16 : index
      %swap3A_172 = tpu.vector_load %arg9[%swap3A_170, %swap3A_171] {strides = array<i32>} : memref<128x128xf32, #tpu.memory_space<vmem>>, vector<1x16xf32>,
      %swap3A_173 = vector.shape_cast %swap3A_172 : vector<1x16xf32> to vector<16xf32>
      %swap3A_174 = vector.shape_cast %broadcast_in_dim3A_3 : vector<16xf32> to vector<1x16xf32>
      tpu.vector_store %arg9[%swap3A_170, %swap3A_171], %swap3A_174 {strides = array<i32>} : memref<128x128xf32, #tpu.memory_space<vmem>>, vector<1x16xf32>,
      %swap3A_175 = arith.index_cast %scan3A_164 : i32 to index
      %swap3A_176 = arith.constant 32 : index
      %swap3A_177 = tpu.vector_load %arg9[%swap3A_175, %swap3A_176] {strides = array<i32>} : memref<128x128xf32, #tpu.memory_space<vmem>>, vector<1x16xf32>,
      %swap3A_178 = vector.shape_cast %swap3A_177 : vector<1x16xf32> to vector<16xf32>
      %swap3A_179 = vector.shape_cast %broadcast_in_dim3A_3 : vector<16xf32> to vector<1x16xf32>
      tpu.vector_store %arg9[%swap3A_175, %swap3A_176], %swap3A_179 {strides = array<i32>} : memref<128x128xf32, #tpu.memory_space<vmem>>, vector<1x16xf32>,
      %swap3A_180 = arith.index_cast %scan3A_164 : i32 to index
      %swap3A_181 = arith.constant 48 : index
      %swap3A_182 = tpu.vector_load %arg9[%swap3A_180, %swap3A_181] {strides = array<i32>} : memref<128x128xf32, #tpu.memory_space<vmem>>, vector<1x16xf32>,
      %swap3A_183 = vector.shape_cast %swap3A_182 : vector<1x16xf32> to vector<16xf32>
      %swap3A_184 = vector.shape_cast %broadcast_in_dim3A_3 : vector<16xf32> to vector<1x16xf32>
      tpu.vector_store %arg9[%swap3A_180, %swap3A_181], %swap3A_184 {strides = array<i32>} : memref<128x128xf32, #tpu.memory_space<vmem>>, vector<1x16xf32>,
      %swap3A_185 = arith.index_cast %scan3A_164 : i32 to index
      %swap3A_186 = arith.constant 64 : index
      %swap3A_187 = tpu.vector_load %arg9[%swap3A_185, %swap3A_186] {strides = array<i32>} : memref<128x128xf32, #tpu.memory_space<vmem>>, vector<1x16xf32>,
      %swap3A_188 = vector.shape_cast %swap3A_187 : vector<1x16xf32> to vector<16xf32>
      %swap3A_189 = vector.shape_cast %broadcast_in_dim3A_3 : vector<16xf32> to vector<1x16xf32>
      tpu.vector_store %arg9[%swap3A_185, %swap3A_186], %swap3A_189 {strides = array<i32>} : memref<128x128xf32, #tpu.memory_space<vmem>>, vector<1x16xf32>,
      %swap3A_190 = arith.index_cast %scan3A_164 : i32 to index
      %swap3A_191 = arith.constant 80 : index
      %swap3A_192 = tpu.vector_load %arg9[%swap3A_190, %swap3A_191] {strides = array<i32>} : memref<128x128xf32, #tpu.memory_space<vmem>>, vector<1x16xf32>,
      %swap3A_193 = vector.shape_cast %swap3A_192 : vector<1x16xf32> to vector<16xf32>
      %swap3A_194 = vector.shape_cast %broadcast_in_dim3A_3 : vector<16xf32> to vector<1x16xf32>
      tpu.vector_store %arg9[%swap3A_190, %swap3A_191], %swap3A_194 {strides = array<i32>} : memref<128x128xf32, #tpu.memory_space<vmem>>, vector<1x16xf32>,
      %swap3A_195 = arith.index_cast %scan3A_164 : i32 to index
      %swap3A_196 = arith.constant 96 : index
      %swap3A_197 = tpu.vector_load %arg9[%swap3A_195, %swap3A_196] {strides = array<i32>} : memref<128x128xf32, #tpu.memory_space<vmem>>, vector<1x16xf32>,
      %swap3A_198 = vector.shape_cast %swap3A_197 : vector<1x16xf32> to vector<16xf32>
      %swap3A_199 = vector.shape_cast %broadcast_in_dim3A_3 : vector<16xf32> to vector<1x16xf32>
      tpu.vector_store %arg9[%swap3A_195, %swap3A_196], %swap3A_199 {strides = array<i32>} : memref<128x128xf32, #tpu.memory_space<vmem>>, vector<1x16xf32>,
      %swap3A_200 = arith.index_cast %scan3A_164 : i32 to index
      %swap3A_201 = arith.constant 112 : index
      %swap3A_202 = tpu.vector_load %arg9[%swap3A_200, %swap3A_201] {strides = array<i32>} : memref<128x128xf32, #tpu.memory_space<vmem>>, vector<1x16xf32>,
      %swap3A_203 = vector.shape_cast %swap3A_202 : vector<1x16xf32> to vector<16xf32>
      %swap3A_204 = vector.shape_cast %broadcast_in_dim3A_3 : vector<16xf32> to vector<1x16xf32>
      tpu.vector_store %arg9[%swap3A_200, %swap3A_201], %swap3A_204 {strides = array<i32>} : memref<128x128xf32, #tpu.memory_space<vmem>>, vector<1x16xf32>,
      %scan3A_205 = arith.constant 0 : i32
      scf.yield %scan3A_205 : i32
    }
    %scan3A_9 = arith.constant 128 : i32
    %add3A_10 = arith.constant 0 : i32
    %add3A_11 = arith.addi %mul3A_2, %add3A_10 : i32
    "tpu.region"() ({
      %run_scoped3A_164 = tpu.sem_alloc : memref<!tpu.dma_semaphore, #tpu.memory_space<semaphore_mem>>
      %dma_start3A_165 = arith.constant 0 : i32
      %dma_start3A_166 = tpu.memref_slice %arg6[%add3A_11, %dma_start3A_165] : memref<10048x128xf32, #tpu.memory_space<vmem_shared>> -> memref<128x128xf32, #tpu.memory_space<vmem_shared>>
      %dma_start3A_167 = arith.constant 0 : i32
      %dma_start3A_168 = tpu.memref_slice %arg6[%add3A_11, %dma_start3A_167] : memref<10048x128xf32, #tpu.memory_space<vmem_shared>> -> memref<128x128xf32, #tpu.memory_space<vmem_shared>>
      tpu.enqueue_dma source(%arg9 : memref<128x128xf32, #tpu.memory_space<vmem>>) target(%dma_start3A_168 : memref<128x128xf32, #tpu.memory_space<vmem_shared>>) target_semaphore(%run_scoped3A_164 : memref<!tpu.dma_semaphore, #tpu.memory_space<semaphore_mem>>)
      %dma_wait3A_169 = arith.constant 0 : i32
      %dma_wait3A_170 = tpu.memref_slice %arg6[%add3A_11, %dma_wait3A_169] : memref<10048x128xf32, #tpu.memory_space<vmem_shared>> -> memref<128x128xf32, #tpu.memory_space<vmem_shared>>
      %dma_wait3A_171 = arith.constant 0 : i32
      %dma_wait3A_172 = tpu.memref_slice %arg6[%add3A_11, %dma_wait3A_171] : memref<10048x128xf32, #tpu.memory_space<vmem_shared>> -> memref<128x128xf32, #tpu.memory_space<vmem_shared>>
      tpu.wait_dma2 semaphore(%run_scoped3A_164 : memref<!tpu.dma_semaphore, #tpu.memory_space<semaphore_mem>>) src(%arg9 : memref<128x128xf32, #tpu.memory_space<vmem>>) dst(%dma_wait3A_172 : memref<128x128xf32, #tpu.memory_space<vmem_shared>>)
      tpu.yield
    }) : () -> ()
    %add3A_12 = arith.constant 128 : i32
    %add3A_13 = arith.addi %mul3A_2, %add3A_12 : i32
    "tpu.region"() ({
      %run_scoped3A_164 = tpu.sem_alloc : memref<!tpu.dma_semaphore, #tpu.memory_space<semaphore_mem>>
      %dma_start3A_165 = arith.constant 0 : i32
      %dma_start3A_166 = tpu.memref_slice %arg6[%add3A_13, %dma_start3A_165] : memref<10048x128xf32, #tpu.memory_space<vmem_shared>> -> memref<128x128xf32, #tpu.memory_space<vmem_shared>>
      %dma_start3A_167 = arith.constant 0 : i32
      %dma_start3A_168 = tpu.memref_slice %arg6[%add3A_13, %dma_start3A_167] : memref<10048x128xf32, #tpu.memory_space<vmem_shared>> -> memref<128x128xf32, #tpu.memory_space<vmem_shared>>
      tpu.enqueue_dma source(%arg9 : memref<128x128xf32, #tpu.memory_space<vmem>>) target(%dma_start3A_168 : memref<128x128xf32, #tpu.memory_space<vmem_shared>>) target_semaphore(%run_scoped3A_164 : memref<!tpu.dma_semaphore, #tpu.memory_space<semaphore_mem>>)
      %dma_wait3A_169 = arith.constant 0 : i32
      %dma_wait3A_170 = tpu.memref_slice %arg6[%add3A_13, %dma_wait3A_169] : memref<10048x128xf32, #tpu.memory_space<vmem_shared>> -> memref<128x128xf32, #tpu.memory_space<vmem_shared>>
      %dma_wait3A_171 = arith.constant 0 : i32
      %dma_wait3A_172 = tpu.memref_slice %arg6[%add3A_13, %dma_wait3A_171] : memref<10048x128xf32, #tpu.memory_space<vmem_shared>> -> memref<128x128xf32, #tpu.memory_space<vmem_shared>>
      tpu.wait_dma2 semaphore(%run_scoped3A_164 : memref<!tpu.dma_semaphore, #tpu.memory_space<semaphore_mem>>) src(%arg9 : memref<128x128xf32, #tpu.memory_space<vmem>>) dst(%dma_wait3A_172 : memref<128x128xf32, #tpu.memory_space<vmem_shared>>)
      tpu.yield
    }) : () -> ()
    %add3A_14 = arith.constant 256 : i32
    %add3A_15 = arith.addi %mul3A_2, %add3A_14 : i32
    "tpu.region"() ({
      %run_scoped3A_164 = tpu.sem_alloc : memref<!tpu.dma_semaphore, #tpu.memory_space<semaphore_mem>>
      %dma_start3A_165 = arith.constant 0 : i32
      %dma_start3A_166 = tpu.memref_slice %arg6[%add3A_15, %dma_start3A_165] : memref<10048x128xf32, #tpu.memory_space<vmem_shared>> -> memref<128x128xf32, #tpu.memory_space<vmem_shared>>
      %dma_start3A_167 = arith.constant 0 : i32
      %dma_start3A_168 = tpu.memref_slice %arg6[%add3A_15, %dma_start3A_167] : memref<10048x128xf32, #tpu.memory_space<vmem_shared>> -> memref<128x128xf32, #tpu.memory_space<vmem_shared>>
      tpu.enqueue_dma source(%arg9 : memref<128x128xf32, #tpu.memory_space<vmem>>) target(%dma_start3A_168 : memref<128x128xf32, #tpu.memory_space<vmem_shared>>) target_semaphore(%run_scoped3A_164 : memref<!tpu.dma_semaphore, #tpu.memory_space<semaphore_mem>>)
      %dma_wait3A_169 = arith.constant 0 : i32
      %dma_wait3A_170 = tpu.memref_slice %arg6[%add3A_15, %dma_wait3A_169] : memref<10048x128xf32, #tpu.memory_space<vmem_shared>> -> memref<128x128xf32, #tpu.memory_space<vmem_shared>>
      %dma_wait3A_171 = arith.constant 0 : i32
      %dma_wait3A_172 = tpu.memref_slice %arg6[%add3A_15, %dma_wait3A_171] : memref<10048x128xf32, #tpu.memory_space<vmem_shared>> -> memref<128x128xf32, #tpu.memory_space<vmem_shared>>
      tpu.wait_dma2 semaphore(%run_scoped3A_164 : memref<!tpu.dma_semaphore, #tpu.memory_space<semaphore_mem>>) src(%arg9 : memref<128x128xf32, #tpu.memory_space<vmem>>) dst(%dma_wait3A_172 : memref<128x128xf32, #tpu.memory_space<vmem_shared>>)
      tpu.yield
    }) : () -> ()
    %add3A_16 = arith.constant 384 : i32
    %add3A_17 = arith.addi %mul3A_2, %add3A_16 : i32
    "tpu.region"() ({
      %run_scoped3A_164 = tpu.sem_alloc : memref<!tpu.dma_semaphore, #tpu.memory_space<semaphore_mem>>
      %dma_start3A_165 = arith.constant 0 : i32
      %dma_start3A_166 = tpu.memref_slice %arg6[%add3A_17, %dma_start3A_165] : memref<10048x128xf32, #tpu.memory_space<vmem_shared>> -> memref<128x128xf32, #tpu.memory_space<vmem_shared>>
      %dma_start3A_167 = arith.constant 0 : i32
      %dma_start3A_168 = tpu.memref_slice %arg6[%add3A_17, %dma_start3A_167] : memref<10048x128xf32, #tpu.memory_space<vmem_shared>> -> memref<128x128xf32, #tpu.memory_space<vmem_shared>>
      tpu.enqueue_dma source(%arg9 : memref<128x128xf32, #tpu.memory_space<vmem>>) target(%dma_start3A_168 : memref<128x128xf32, #tpu.memory_space<vmem_shared>>) target_semaphore(%run_scoped3A_164 : memref<!tpu.dma_semaphore, #tpu.memory_space<semaphore_mem>>)
      %dma_wait3A_169 = arith.constant 0 : i32
      %dma_wait3A_170 = tpu.memref_slice %arg6[%add3A_17, %dma_wait3A_169] : memref<10048x128xf32, #tpu.memory_space<vmem_shared>> -> memref<128x128xf32, #tpu.memory_space<vmem_shared>>
      %dma_wait3A_171 = arith.constant 0 : i32
      %dma_wait3A_172 = tpu.memref_slice %arg6[%add3A_17, %dma_wait3A_171] : memref<10048x128xf32, #tpu.memory_space<vmem_shared>> -> memref<128x128xf32, #tpu.memory_space<vmem_shared>>
      tpu.wait_dma2 semaphore(%run_scoped3A_164 : memref<!tpu.dma_semaphore, #tpu.memory_space<semaphore_mem>>) src(%arg9 : memref<128x128xf32, #tpu.memory_space<vmem>>) dst(%dma_wait3A_172 : memref<128x128xf32, #tpu.memory_space<vmem_shared>>)
      tpu.yield
    }) : () -> ()
    %add3A_18 = arith.constant 512 : i32
    %add3A_19 = arith.addi %mul3A_2, %add3A_18 : i32
    "tpu.region"() ({
      %run_scoped3A_164 = tpu.sem_alloc : memref<!tpu.dma_semaphore, #tpu.memory_space<semaphore_mem>>
      %dma_start3A_165 = arith.constant 0 : i32
      %dma_start3A_166 = arith.constant 0 : i32
      %dma_start3A_167 = tpu.memref_slice %arg9[%dma_start3A_165, %dma_start3A_166] : memref<128x128xf32, #tpu.memory_space<vmem>> -> memref<116x128xf32, #tpu.memory_space<vmem>>
      %dma_start3A_168 = arith.constant 0 : i32
      %dma_start3A_169 = tpu.memref_slice %arg6[%add3A_19, %dma_start3A_168] : memref<10048x128xf32, #tpu.memory_space<vmem_shared>> -> memref<116x128xf32, #tpu.memory_space<vmem_shared>>
      %dma_start3A_170 = arith.constant 0 : i32
      %dma_start3A_171 = tpu.memref_slice %arg6[%add3A_19, %dma_start3A_170] : memref<10048x128xf32, #tpu.memory_space<vmem_shared>> -> memref<116x128xf32, #tpu.memory_space<vmem_shared>>
      %dma_start3A_172 = arith.constant 0 : i32
      %dma_start3A_173 = arith.constant 0 : i32
      %dma_start3A_174 = tpu.memref_slice %arg9[%dma_start3A_172, %dma_start3A_173] : memref<128x128xf32, #tpu.memory_space<vmem>> -> memref<116x128xf32, #tpu.memory_space<vmem>>
      tpu.enqueue_dma source(%dma_start3A_174 : memref<116x128xf32, #tpu.memory_space<vmem>>) target(%dma_start3A_171 : memref<116x128xf32, #tpu.memory_space<vmem_shared>>) target_semaphore(%run_scoped3A_164 : memref<!tpu.dma_semaphore, #tpu.memory_space<semaphore_mem>>)
      %dma_wait3A_175 = arith.constant 0 : i32
      %dma_wait3A_176 = arith.constant 0 : i32
      %dma_wait3A_177 = tpu.memref_slice %arg9[%dma_wait3A_175, %dma_wait3A_176] : memref<128x128xf32, #tpu.memory_space<vmem>> -> memref<116x128xf32, #tpu.memory_space<vmem>>
      %dma_wait3A_178 = arith.constant 0 : i32
      %dma_wait3A_179 = tpu.memref_slice %arg6[%add3A_19, %dma_wait3A_178] : memref<10048x128xf32, #tpu.memory_space<vmem_shared>> -> memref<116x128xf32, #tpu.memory_space<vmem_shared>>
      %dma_wait3A_180 = arith.constant 0 : i32
      %dma_wait3A_181 = tpu.memref_slice %arg6[%add3A_19, %dma_wait3A_180] : memref<10048x128xf32, #tpu.memory_space<vmem_shared>> -> memref<116x128xf32, #tpu.memory_space<vmem_shared>>
      %dma_wait3A_182 = arith.constant 0 : i32
      %dma_wait3A_183 = arith.constant 0 : i32
      %dma_wait3A_184 = tpu.memref_slice %arg9[%dma_wait3A_182, %dma_wait3A_183] : memref<128x128xf32, #tpu.memory_space<vmem>> -> memref<116x128xf32, #tpu.memory_space<vmem>>
      tpu.wait_dma2 semaphore(%run_scoped3A_164 : memref<!tpu.dma_semaphore, #tpu.memory_space<semaphore_mem>>) src(%dma_wait3A_184 : memref<116x128xf32, #tpu.memory_space<vmem>>) dst(%dma_wait3A_181 : memref<116x128xf32, #tpu.memory_space<vmem_shared>>)
      tpu.yield
    }) : () -> ()
    %scan3A_20 = arith.constant 0 : i32
    %scan3A_21 = arith.constant 0 : i32
    %scan3A_22 = arith.constant 128 : i32
    %scan3A_23 = arith.addi %scan3A_21, %scan3A_22 : i32
    %scan3A_24 = arith.constant 1 : i32
    %scan3A_25 = scf.for %scan3A_164 = %scan3A_21 to %scan3A_23 step %scan3A_24 iter_args(%scan3A_165 = %scan3A_20) -> (i32)  : i32 {
      %swap3A = arith.index_cast %scan3A_164 : i32 to index
      %swap3A_166 = arith.constant 0 : index
      %swap3A_167 = tpu.vector_load %arg15[%swap3A, %swap3A_166] {strides = array<i32>} : memref<128x16xf32, #tpu.memory_space<vmem>>, vector<1x16xf32>,
      %swap3A_168 = vector.shape_cast %swap3A_167 : vector<1x16xf32> to vector<16xf32>
      %swap3A_169 = vector.shape_cast %broadcast_in_dim3A_3 : vector<16xf32> to vector<1x16xf32>
      tpu.vector_store %arg15[%swap3A, %swap3A_166], %swap3A_169 {strides = array<i32>} : memref<128x16xf32, #tpu.memory_space<vmem>>, vector<1x16xf32>,
      %scan3A_170 = arith.constant 0 : i32
      scf.yield %scan3A_170 : i32
    }
    %scan3A_26 = arith.constant 128 : i32
    %add3A_27 = arith.constant 0 : i32
    %add3A_28 = arith.addi %mul3A_2, %add3A_27 : i32
    "tpu.region"() ({
      %run_scoped3A_164 = tpu.sem_alloc : memref<!tpu.dma_semaphore, #tpu.memory_space<semaphore_mem>>
      %dma_start3A_165 = arith.constant 0 : i32
      %dma_start3A_166 = tpu.memref_slice %arg16[%add3A_28, %dma_start3A_165] : memref<10048x16xf32, #tpu.memory_space<vmem_shared>> -> memref<128x16xf32, #tpu.memory_space<vmem_shared>>
      %dma_start3A_167 = arith.constant 0 : i32
      %dma_start3A_168 = tpu.memref_slice %arg16[%add3A_28, %dma_start3A_167] : memref<10048x16xf32, #tpu.memory_space<vmem_shared>> -> memref<128x16xf32, #tpu.memory_space<vmem_shared>>
      tpu.enqueue_dma source(%arg15 : memref<128x16xf32, #tpu.memory_space<vmem>>) target(%dma_start3A_168 : memref<128x16xf32, #tpu.memory_space<vmem_shared>>) target_semaphore(%run_scoped3A_164 : memref<!tpu.dma_semaphore, #tpu.memory_space<semaphore_mem>>)
      %dma_wait3A_169 = arith.constant 0 : i32
      %dma_wait3A_170 = tpu.memref_slice %arg16[%add3A_28, %dma_wait3A_169] : memref<10048x16xf32, #tpu.memory_space<vmem_shared>> -> memref<128x16xf32, #tpu.memory_space<vmem_shared>>
      %dma_wait3A_171 = arith.constant 0 : i32
      %dma_wait3A_172 = tpu.memref_slice %arg16[%add3A_28, %dma_wait3A_171] : memref<10048x16xf32, #tpu.memory_space<vmem_shared>> -> memref<128x16xf32, #tpu.memory_space<vmem_shared>>
      tpu.wait_dma2 semaphore(%run_scoped3A_164 : memref<!tpu.dma_semaphore, #tpu.memory_space<semaphore_mem>>) src(%arg15 : memref<128x16xf32, #tpu.memory_space<vmem>>) dst(%dma_wait3A_172 : memref<128x16xf32, #tpu.memory_space<vmem_shared>>)
      tpu.yield
    }) : () -> ()
    %add3A_29 = arith.constant 128 : i32
    %add3A_30 = arith.addi %mul3A_2, %add3A_29 : i32
    "tpu.region"() ({
      %run_scoped3A_164 = tpu.sem_alloc : memref<!tpu.dma_semaphore, #tpu.memory_space<semaphore_mem>>
      %dma_start3A_165 = arith.constant 0 : i32
      %dma_start3A_166 = tpu.memref_slice %arg16[%add3A_30, %dma_start3A_165] : memref<10048x16xf32, #tpu.memory_space<vmem_shared>> -> memref<128x16xf32, #tpu.memory_space<vmem_shared>>
      %dma_start3A_167 = arith.constant 0 : i32
      %dma_start3A_168 = tpu.memref_slice %arg16[%add3A_30, %dma_start3A_167] : memref<10048x16xf32, #tpu.memory_space<vmem_shared>> -> memref<128x16xf32, #tpu.memory_space<vmem_shared>>
      tpu.enqueue_dma source(%arg15 : memref<128x16xf32, #tpu.memory_space<vmem>>) target(%dma_start3A_168 : memref<128x16xf32, #tpu.memory_space<vmem_shared>>) target_semaphore(%run_scoped3A_164 : memref<!tpu.dma_semaphore, #tpu.memory_space<semaphore_mem>>)
      %dma_wait3A_169 = arith.constant 0 : i32
      %dma_wait3A_170 = tpu.memref_slice %arg16[%add3A_30, %dma_wait3A_169] : memref<10048x16xf32, #tpu.memory_space<vmem_shared>> -> memref<128x16xf32, #tpu.memory_space<vmem_shared>>
      %dma_wait3A_171 = arith.constant 0 : i32
      %dma_wait3A_172 = tpu.memref_slice %arg16[%add3A_30, %dma_wait3A_171] : memref<10048x16xf32, #tpu.memory_space<vmem_shared>> -> memref<128x16xf32, #tpu.memory_space<vmem_shared>>
      tpu.wait_dma2 semaphore(%run_scoped3A_164 : memref<!tpu.dma_semaphore, #tpu.memory_space<semaphore_mem>>) src(%arg15 : memref<128x16xf32, #tpu.memory_space<vmem>>) dst(%dma_wait3A_172 : memref<128x16xf32, #tpu.memory_space<vmem_shared>>)
      tpu.yield
    }) : () -> ()
    %add3A_31 = arith.constant 256 : i32
    %add3A_32 = arith.addi %mul3A_2, %add3A_31 : i32
    "tpu.region"() ({
      %run_scoped3A_164 = tpu.sem_alloc : memref<!tpu.dma_semaphore, #tpu.memory_space<semaphore_mem>>
      %dma_start3A_165 = arith.constant 0 : i32
      %dma_start3A_166 = tpu.memref_slice %arg16[%add3A_32, %dma_start3A_165] : memref<10048x16xf32, #tpu.memory_space<vmem_shared>> -> memref<128x16xf32, #tpu.memory_space<vmem_shared>>
      %dma_start3A_167 = arith.constant 0 : i32
      %dma_start3A_168 = tpu.memref_slice %arg16[%add3A_32, %dma_start3A_167] : memref<10048x16xf32, #tpu.memory_space<vmem_shared>> -> memref<128x16xf32, #tpu.memory_space<vmem_shared>>
      tpu.enqueue_dma source(%arg15 : memref<128x16xf32, #tpu.memory_space<vmem>>) target(%dma_start3A_168 : memref<128x16xf32, #tpu.memory_space<vmem_shared>>) target_semaphore(%run_scoped3A_164 : memref<!tpu.dma_semaphore, #tpu.memory_space<semaphore_mem>>)
      %dma_wait3A_169 = arith.constant 0 : i32
      %dma_wait3A_170 = tpu.memref_slice %arg16[%add3A_32, %dma_wait3A_169] : memref<10048x16xf32, #tpu.memory_space<vmem_shared>> -> memref<128x16xf32, #tpu.memory_space<vmem_shared>>
      %dma_wait3A_171 = arith.constant 0 : i32
      %dma_wait3A_172 = tpu.memref_slice %arg16[%add3A_32, %dma_wait3A_171] : memref<10048x16xf32, #tpu.memory_space<vmem_shared>> -> memref<128x16xf32, #tpu.memory_space<vmem_shared>>
      tpu.wait_dma2 semaphore(%run_scoped3A_164 : memref<!tpu.dma_semaphore, #tpu.memory_space<semaphore_mem>>) src(%arg15 : memref<128x16xf32, #tpu.memory_space<vmem>>) dst(%dma_wait3A_172 : memref<128x16xf32, #tpu.memory_space<vmem_shared>>)
      tpu.yield
    }) : () -> ()
    %add3A_33 = arith.constant 384 : i32
    %add3A_34 = arith.addi %mul3A_2, %add3A_33 : i32
    "tpu.region"() ({
      %run_scoped3A_164 = tpu.sem_alloc : memref<!tpu.dma_semaphore, #tpu.memory_space<semaphore_mem>>
      %dma_start3A_165 = arith.constant 0 : i32
      %dma_start3A_166 = tpu.memref_slice %arg16[%add3A_34, %dma_start3A_165] : memref<10048x16xf32, #tpu.memory_space<vmem_shared>> -> memref<128x16xf32, #tpu.memory_space<vmem_shared>>
      %dma_start3A_167 = arith.constant 0 : i32
      %dma_start3A_168 = tpu.memref_slice %arg16[%add3A_34, %dma_start3A_167] : memref<10048x16xf32, #tpu.memory_space<vmem_shared>> -> memref<128x16xf32, #tpu.memory_space<vmem_shared>>
      tpu.enqueue_dma source(%arg15 : memref<128x16xf32, #tpu.memory_space<vmem>>) target(%dma_start3A_168 : memref<128x16xf32, #tpu.memory_space<vmem_shared>>) target_semaphore(%run_scoped3A_164 : memref<!tpu.dma_semaphore, #tpu.memory_space<semaphore_mem>>)
      %dma_wait3A_169 = arith.constant 0 : i32
      %dma_wait3A_170 = tpu.memref_slice %arg16[%add3A_34, %dma_wait3A_169] : memref<10048x16xf32, #tpu.memory_space<vmem_shared>> -> memref<128x16xf32, #tpu.memory_space<vmem_shared>>
      %dma_wait3A_171 = arith.constant 0 : i32
      %dma_wait3A_172 = tpu.memref_slice %arg16[%add3A_34, %dma_wait3A_171] : memref<10048x16xf32, #tpu.memory_space<vmem_shared>> -> memref<128x16xf32, #tpu.memory_space<vmem_shared>>
      tpu.wait_dma2 semaphore(%run_scoped3A_164 : memref<!tpu.dma_semaphore, #tpu.memory_space<semaphore_mem>>) src(%arg15 : memref<128x16xf32, #tpu.memory_space<vmem>>) dst(%dma_wait3A_172 : memref<128x16xf32, #tpu.memory_space<vmem_shared>>)
      tpu.yield
    }) : () -> ()
    %add3A_35 = arith.constant 512 : i32
    %add3A_36 = arith.addi %mul3A_2, %add3A_35 : i32
    "tpu.region"() ({
      %run_scoped3A_164 = tpu.sem_alloc : memref<!tpu.dma_semaphore, #tpu.memory_space<semaphore_mem>>
      %dma_start3A_165 = arith.constant 0 : i32
      %dma_start3A_166 = arith.constant 0 : i32
      %dma_start3A_167 = tpu.memref_slice %arg15[%dma_start3A_165, %dma_start3A_166] : memref<128x16xf32, #tpu.memory_space<vmem>> -> memref<116x16xf32, #tpu.memory_space<vmem>>
      %dma_start3A_168 = arith.constant 0 : i32
      %dma_start3A_169 = tpu.memref_slice %arg16[%add3A_36, %dma_start3A_168] : memref<10048x16xf32, #tpu.memory_space<vmem_shared>> -> memref<116x16xf32, #tpu.memory_space<vmem_shared>>
      %dma_start3A_170 = arith.constant 0 : i32
      %dma_start3A_171 = tpu.memref_slice %arg16[%add3A_36, %dma_start3A_170] : memref<10048x16xf32, #tpu.memory_space<vmem_shared>> -> memref<116x16xf32, #tpu.memory_space<vmem_shared>>
      %dma_start3A_172 = arith.constant 0 : i32
      %dma_start3A_173 = arith.constant 0 : i32
      %dma_start3A_174 = tpu.memref_slice %arg15[%dma_start3A_172, %dma_start3A_173] : memref<128x16xf32, #tpu.memory_space<vmem>> -> memref<116x16xf32, #tpu.memory_space<vmem>>
      tpu.enqueue_dma source(%dma_start3A_174 : memref<116x16xf32, #tpu.memory_space<vmem>>) target(%dma_start3A_171 : memref<116x16xf32, #tpu.memory_space<vmem_shared>>) target_semaphore(%run_scoped3A_164 : memref<!tpu.dma_semaphore, #tpu.memory_space<semaphore_mem>>)
      %dma_wait3A_175 = arith.constant 0 : i32
      %dma_wait3A_176 = arith.constant 0 : i32
      %dma_wait3A_177 = tpu.memref_slice %arg15[%dma_wait3A_175, %dma_wait3A_176] : memref<128x16xf32, #tpu.memory_space<vmem>> -> memref<116x16xf32, #tpu.memory_space<vmem>>
      %dma_wait3A_178 = arith.constant 0 : i32
      %dma_wait3A_179 = tpu.memref_slice %arg16[%add3A_36, %dma_wait3A_178] : memref<10048x16xf32, #tpu.memory_space<vmem_shared>> -> memref<116x16xf32, #tpu.memory_space<vmem_shared>>
      %dma_wait3A_180 = arith.constant 0 : i32
      %dma_wait3A_181 = tpu.memref_slice %arg16[%add3A_36, %dma_wait3A_180] : memref<10048x16xf32, #tpu.memory_space<vmem_shared>> -> memref<116x16xf32, #tpu.memory_space<vmem_shared>>
      %dma_wait3A_182 = arith.constant 0 : i32
      %dma_wait3A_183 = arith.constant 0 : i32
      %dma_wait3A_184 = tpu.memref_slice %arg15[%dma_wait3A_182, %dma_wait3A_183] : memref<128x16xf32, #tpu.memory_space<vmem>> -> memref<116x16xf32, #tpu.memory_space<vmem>>
      tpu.wait_dma2 semaphore(%run_scoped3A_164 : memref<!tpu.dma_semaphore, #tpu.memory_space<semaphore_mem>>) src(%dma_wait3A_184 : memref<116x16xf32, #tpu.memory_space<vmem>>) dst(%dma_wait3A_181 : memref<116x16xf32, #tpu.memory_space<vmem_shared>>)
      tpu.yield
    }) : () -> ()
    %broadcast_in_dim3A_37 = arith.constant 1.000000e+00 : f32
    %broadcast_in_dim3A_38 = vector.broadcast %broadcast_in_dim3A_37 : f32 to vector<16xf32>
    %scan3A_39 = arith.constant 0 : i32
    %scan3A_40 = arith.constant 0 : i32
    %scan3A_41 = arith.constant 128 : i32
    %scan3A_42 = arith.addi %scan3A_40, %scan3A_41 : i32
    %scan3A_43 = arith.constant 1 : i32
    %scan3A_44 = scf.for %scan3A_164 = %scan3A_40 to %scan3A_42 step %scan3A_43 iter_args(%scan3A_165 = %scan3A_39) -> (i32)  : i32 {
      %swap3A = arith.index_cast %scan3A_164 : i32 to index
      %swap3A_166 = arith.constant 0 : index
      %swap3A_167 = tpu.vector_load %arg15[%swap3A, %swap3A_166] {strides = array<i32>} : memref<128x16xf32, #tpu.memory_space<vmem>>, vector<1x16xf32>,
      %swap3A_168 = vector.shape_cast %swap3A_167 : vector<1x16xf32> to vector<16xf32>
      %swap3A_169 = vector.shape_cast %broadcast_in_dim3A_38 : vector<16xf32> to vector<1x16xf32>
      tpu.vector_store %arg15[%swap3A, %swap3A_166], %swap3A_169 {strides = array<i32>} : memref<128x16xf32, #tpu.memory_space<vmem>>, vector<1x16xf32>,
      %scan3A_170 = arith.constant 0 : i32
      scf.yield %scan3A_170 : i32
    }
    %scan3A_45 = arith.constant 128 : i32
    %barrier3A = arith.constant 0 : index
    tpu.barrier barrier_id(%barrier3A)
    %run_scoped3A = arith.constant 0 : i32
    "tpu.region"() ({
      %run_scoped3A_164 = tpu.sem_alloc : memref<!tpu.dma_semaphore, #tpu.memory_space<semaphore_mem>>
      %dma_start3A_165 = arith.constant 0 : i32
      %dma_start3A_166 = arith.constant 0 : i32
      %dma_start3A_167 = tpu.memref_slice %arg3[%run_scoped3A, %add3A, %dma_start3A_165, %dma_start3A_166] : memref<2x32x80x128xi32, #tpu.memory_space<hbm>> -> memref<1x1x20x128xi32, #tpu.memory_space<hbm>>
      %dma_start3A_168 = tpu.memref_squeeze %dma_start3A_167 : memref<1x1x20x128xi32, #tpu.memory_space<hbm>> -> memref<20x128xi32, #tpu.memory_space<hbm>>
      %dma_start3A_169 = arith.constant 0 : i32
      %dma_start3A_170 = arith.constant 0 : i32
      %dma_start3A_171 = tpu.memref_slice %arg3[%run_scoped3A, %add3A, %dma_start3A_169, %dma_start3A_170] : memref<2x32x80x128xi32, #tpu.memory_space<hbm>> -> memref<1x1x20x128xi32, #tpu.memory_space<hbm>>
      %dma_start3A_172 = tpu.memref_squeeze %dma_start3A_171 : memref<1x1x20x128xi32, #tpu.memory_space<hbm>> -> memref<20x128xi32, #tpu.memory_space<hbm>>
      tpu.enqueue_dma source(%dma_start3A_172 : memref<20x128xi32, #tpu.memory_space<hbm>>) target(%arg7 : memref<20x128xi32, #tpu.memory_space<vmem>>) target_semaphore(%run_scoped3A_164 : memref<!tpu.dma_semaphore, #tpu.memory_space<semaphore_mem>>)
      %dma_wait3A_173 = arith.constant 0 : i32
      %dma_wait3A_174 = arith.constant 0 : i32
      %dma_wait3A_175 = tpu.memref_slice %arg3[%run_scoped3A, %add3A, %dma_wait3A_173, %dma_wait3A_174] : memref<2x32x80x128xi32, #tpu.memory_space<hbm>> -> memref<1x1x20x128xi32, #tpu.memory_space<hbm>>
      %dma_wait3A_176 = tpu.memref_squeeze %dma_wait3A_175 : memref<1x1x20x128xi32, #tpu.memory_space<hbm>> -> memref<20x128xi32, #tpu.memory_space<hbm>>
      %dma_wait3A_177 = arith.constant 0 : i32
      %dma_wait3A_178 = arith.constant 0 : i32
      %dma_wait3A_179 = tpu.memref_slice %arg3[%run_scoped3A, %add3A, %dma_wait3A_177, %dma_wait3A_178] : memref<2x32x80x128xi32, #tpu.memory_space<hbm>> -> memref<1x1x20x128xi32, #tpu.memory_space<hbm>>
      %dma_wait3A_180 = tpu.memref_squeeze %dma_wait3A_179 : memref<1x1x20x128xi32, #tpu.memory_space<hbm>> -> memref<20x128xi32, #tpu.memory_space<hbm>>
      tpu.wait_dma2 semaphore(%run_scoped3A_164 : memref<!tpu.dma_semaphore, #tpu.memory_space<semaphore_mem>>) src(%dma_wait3A_180 : memref<20x128xi32, #tpu.memory_space<hbm>>) dst(%arg7 : memref<20x128xi32, #tpu.memory_space<vmem>>)
      tpu.yield
    }) : () -> ()
    %run_scoped3A_46 = arith.constant 1 : i32
    "tpu.region"() ({
      %run_scoped3A_164 = tpu.sem_alloc : memref<!tpu.dma_semaphore, #tpu.memory_space<semaphore_mem>>
      %dma_start3A_165 = arith.constant 0 : i32
      %dma_start3A_166 = arith.constant 0 : i32
      %dma_start3A_167 = tpu.memref_slice %arg3[%run_scoped3A_46, %add3A, %dma_start3A_165, %dma_start3A_166] : memref<2x32x80x128xi32, #tpu.memory_space<hbm>> -> memref<1x1x20x128xi32, #tpu.memory_space<hbm>>
      %dma_start3A_168 = tpu.memref_squeeze %dma_start3A_167 : memref<1x1x20x128xi32, #tpu.memory_space<hbm>> -> memref<20x128xi32, #tpu.memory_space<hbm>>
      %dma_start3A_169 = arith.constant 0 : i32
      %dma_start3A_170 = arith.constant 0 : i32
      %dma_start3A_171 = tpu.memref_slice %arg3[%run_scoped3A_46, %add3A, %dma_start3A_169, %dma_start3A_170] : memref<2x32x80x128xi32, #tpu.memory_space<hbm>> -> memref<1x1x20x128xi32, #tpu.memory_space<hbm>>
      %dma_start3A_172 = tpu.memref_squeeze %dma_start3A_171 : memref<1x1x20x128xi32, #tpu.memory_space<hbm>> -> memref<20x128xi32, #tpu.memory_space<hbm>>
      tpu.enqueue_dma source(%dma_start3A_172 : memref<20x128xi32, #tpu.memory_space<hbm>>) target(%arg8 : memref<20x128xi32, #tpu.memory_space<vmem>>) target_semaphore(%run_scoped3A_164 : memref<!tpu.dma_semaphore, #tpu.memory_space<semaphore_mem>>)
      %dma_wait3A_173 = arith.constant 0 : i32
      %dma_wait3A_174 = arith.constant 0 : i32
      %dma_wait3A_175 = tpu.memref_slice %arg3[%run_scoped3A_46, %add3A, %dma_wait3A_173, %dma_wait3A_174] : memref<2x32x80x128xi32, #tpu.memory_space<hbm>> -> memref<1x1x20x128xi32, #tpu.memory_space<hbm>>
      %dma_wait3A_176 = tpu.memref_squeeze %dma_wait3A_175 : memref<1x1x20x128xi32, #tpu.memory_space<hbm>> -> memref<20x128xi32, #tpu.memory_space<hbm>>
      %dma_wait3A_177 = arith.constant 0 : i32
      %dma_wait3A_178 = arith.constant 0 : i32
      %dma_wait3A_179 = tpu.memref_slice %arg3[%run_scoped3A_46, %add3A, %dma_wait3A_177, %dma_wait3A_178] : memref<2x32x80x128xi32, #tpu.memory_space<hbm>> -> memref<1x1x20x128xi32, #tpu.memory_space<hbm>>
      %dma_wait3A_180 = tpu.memref_squeeze %dma_wait3A_179 : memref<1x1x20x128xi32, #tpu.memory_space<hbm>> -> memref<20x128xi32, #tpu.memory_space<hbm>>
      tpu.wait_dma2 semaphore(%run_scoped3A_164 : memref<!tpu.dma_semaphore, #tpu.memory_space<semaphore_mem>>) src(%dma_wait3A_180 : memref<20x128xi32, #tpu.memory_space<hbm>>) dst(%arg8 : memref<20x128xi32, #tpu.memory_space<vmem>>)
      tpu.yield
    }) : () -> ()
    %dma_start3A = arith.constant 0 : i32
    %dma_start3A_47 = arith.constant 0 : i32
    %dma_start3A_48 = tpu.memref_slice %arg7[%dma_start3A, %dma_start3A_47] : memref<20x128xi32, #tpu.memory_space<vmem>> -> memref<1x128xi32, #tpu.memory_space<vmem>>
    %dma_start3A_49 = tpu.memref_squeeze %dma_start3A_48 : memref<1x128xi32, #tpu.memory_space<vmem>> -> memref<128xi32, #tpu.memory_space<vmem>>
    %dma_start3A_50 = arith.constant 0 : i32
    %dma_start3A_51 = arith.constant 0 : i32
    %dma_start3A_52 = tpu.memref_slice %arg2[%dma_start3A_50, %dma_start3A_51] : memref<10000x128xf32, #tpu.memory_space<hbm>> -> memref<10000x128xf32, #tpu.memory_space<hbm>>
    tpu.enqueue_indirect_dma source(%dma_start3A_52 : memref<10000x128xf32, #tpu.memory_space<hbm>>) target(%arg9 : memref<128x128xf32, #tpu.memory_space<vmem>>) offsets(%dma_start3A_49 : memref<128xi32, #tpu.memory_space<vmem>>) semaphore(%arg11 : memref<!tpu.dma_semaphore, #tpu.memory_space<semaphore_mem>>)
    %scan3A_53 = arith.constant 0 : i32
    %scan3A_54 = arith.constant 0 : i32
    %scan3A_55 = arith.constant 10 : i32
    %scan3A_56 = arith.addi %scan3A_54, %scan3A_55 : i32
    %scan3A_57 = arith.constant 1 : i32
    %scan3A_58 = scf.for %scan3A_164 = %scan3A_54 to %scan3A_56 step %scan3A_57 iter_args(%scan3A_165 = %scan3A_53) -> (i32)  : i32 {
      %mul3A_166 = arith.constant 2 : i32
      %mul3A_167 = arith.muli %mul3A_166, %scan3A_164 : i32
      %dma_wait3A_168 = arith.constant 0 : i32
      %dma_wait3A_169 = arith.constant 0 : i32
      %dma_wait3A_170 = tpu.memref_slice %arg7[%dma_wait3A_168, %dma_wait3A_169] : memref<20x128xi32, #tpu.memory_space<vmem>> -> memref<1x128xi32, #tpu.memory_space<vmem>>
      %dma_wait3A_171 = tpu.memref_squeeze %dma_wait3A_170 : memref<1x128xi32, #tpu.memory_space<vmem>> -> memref<128xi32, #tpu.memory_space<vmem>>
      %dma_wait3A_172 = arith.constant 0 : i32
      %dma_wait3A_173 = arith.constant 0 : i32
      %dma_wait3A_174 = tpu.memref_slice %arg2[%dma_wait3A_172, %dma_wait3A_173] : memref<10000x128xf32, #tpu.memory_space<hbm>> -> memref<10000x128xf32, #tpu.memory_space<hbm>>
      tpu.wait_indirect_dma semaphore(%arg11 : memref<!tpu.dma_semaphore, #tpu.memory_space<semaphore_mem>>) src(%dma_wait3A_174 : memref<10000x128xf32, #tpu.memory_space<hbm>>) dst(%arg9 : memref<128x128xf32, #tpu.memory_space<vmem>>)
      %gt3A = arith.constant 0 : i32
      %gt3A_175 = arith.cmpi sgt, %scan3A_164, %gt3A : i32
      %convert_element_type3A = arith.extui %gt3A_175 : i1 to i32
      %cond3A = arith.constant 0 : i32
      %cond3A_176 = arith.cmpi ne, %convert_element_type3A, %cond3A : i32
      scf.if %cond3A_176 {
        %dma_wait3A_239 = arith.constant 0 : i32
        %dma_wait3A_240 = arith.constant 0 : i32
        %dma_wait3A_241 = tpu.memref_slice %arg8[%dma_wait3A_239, %dma_wait3A_240] : memref<20x128xi32, #tpu.memory_space<vmem>> -> memref<1x128xi32, #tpu.memory_space<vmem>>
        %dma_wait3A_242 = tpu.memref_squeeze %dma_wait3A_241 : memref<1x128xi32, #tpu.memory_space<vmem>> -> memref<128xi32, #tpu.memory_space<vmem>>
        %dma_wait3A_243 = arith.constant 0 : i32
        %dma_wait3A_244 = arith.constant 0 : i32
        %dma_wait3A_245 = tpu.memref_slice %arg6[%dma_wait3A_243, %dma_wait3A_244] : memref<10048x128xf32, #tpu.memory_space<vmem_shared>> -> memref<10048x128xf32, #tpu.memory_space<vmem_shared>>
        tpu.wait_indirect_dma semaphore(%arg14 : memref<!tpu.dma_semaphore, #tpu.memory_space<semaphore_mem>>) src(%arg10 : memref<128x128xf32, #tpu.memory_space<vmem>>) dst(%dma_wait3A_245 : memref<10048x128xf32, #tpu.memory_space<vmem_shared>>)
        %dma_wait3A_246 = arith.constant 0 : i32
        %dma_wait3A_247 = arith.constant 0 : i32
        %dma_wait3A_248 = tpu.memref_slice %arg8[%dma_wait3A_246, %dma_wait3A_247] : memref<20x128xi32, #tpu.memory_space<vmem>> -> memref<1x128xi32, #tpu.memory_space<vmem>>
        %dma_wait3A_249 = tpu.memref_squeeze %dma_wait3A_248 : memref<1x128xi32, #tpu.memory_space<vmem>> -> memref<128xi32, #tpu.memory_space<vmem>>
        %dma_wait3A_250 = arith.constant 0 : i32
        %dma_wait3A_251 = arith.constant 0 : i32
        %dma_wait3A_252 = tpu.memref_slice %arg16[%dma_wait3A_250, %dma_wait3A_251] : memref<10048x16xf32, #tpu.memory_space<vmem_shared>> -> memref<10048x16xf32, #tpu.memory_space<vmem_shared>>
        tpu.wait_indirect_dma semaphore(%arg14 : memref<!tpu.dma_semaphore, #tpu.memory_space<semaphore_mem>>) src(%arg15 : memref<128x16xf32, #tpu.memory_space<vmem>>) dst(%dma_wait3A_252 : memref<10048x16xf32, #tpu.memory_space<vmem_shared>>)
      } else {
      }
      %add3A_177 = arith.constant 1 : i32
      %add3A_178 = arith.addi %mul3A_167, %add3A_177 : i32
      %dma_start3A_179 = arith.constant 0 : i32
      %dma_start3A_180 = tpu.memref_slice %arg7[%add3A_178, %dma_start3A_179] : memref<20x128xi32, #tpu.memory_space<vmem>> -> memref<1x128xi32, #tpu.memory_space<vmem>>
      %dma_start3A_181 = tpu.memref_squeeze %dma_start3A_180 : memref<1x128xi32, #tpu.memory_space<vmem>> -> memref<128xi32, #tpu.memory_space<vmem>>
      %dma_start3A_182 = arith.constant 0 : i32
      %dma_start3A_183 = arith.constant 0 : i32
      %dma_start3A_184 = tpu.memref_slice %arg2[%dma_start3A_182, %dma_start3A_183] : memref<10000x128xf32, #tpu.memory_space<hbm>> -> memref<10000x128xf32, #tpu.memory_space<hbm>>
      tpu.enqueue_indirect_dma source(%dma_start3A_184 : memref<10000x128xf32, #tpu.memory_space<hbm>>) target(%arg10 : memref<128x128xf32, #tpu.memory_space<vmem>>) offsets(%dma_start3A_181 : memref<128xi32, #tpu.memory_space<vmem>>) semaphore(%arg12 : memref<!tpu.dma_semaphore, #tpu.memory_space<semaphore_mem>>)
      %dma_start3A_185 = arith.constant 0 : i32
      %dma_start3A_186 = tpu.memref_slice %arg8[%mul3A_167, %dma_start3A_185] : memref<20x128xi32, #tpu.memory_space<vmem>> -> memref<1x128xi32, #tpu.memory_space<vmem>>
      %dma_start3A_187 = tpu.memref_squeeze %dma_start3A_186 : memref<1x128xi32, #tpu.memory_space<vmem>> -> memref<128xi32, #tpu.memory_space<vmem>>
      %dma_start3A_188 = arith.constant 0 : i32
      %dma_start3A_189 = arith.constant 0 : i32
      %dma_start3A_190 = tpu.memref_slice %arg6[%dma_start3A_188, %dma_start3A_189] : memref<10048x128xf32, #tpu.memory_space<vmem_shared>> -> memref<10048x128xf32, #tpu.memory_space<vmem_shared>>
      tpu.enqueue_indirect_dma source(%arg9 : memref<128x128xf32, #tpu.memory_space<vmem>>) target(%dma_start3A_190 : memref<10048x128xf32, #tpu.memory_space<vmem_shared>>) offsets(%dma_start3A_187 : memref<128xi32, #tpu.memory_space<vmem>>) semaphore(%arg13 : memref<!tpu.dma_semaphore, #tpu.memory_space<semaphore_mem>>) {add = true}
      %dma_start3A_191 = arith.constant 0 : i32
      %dma_start3A_192 = tpu.memref_slice %arg8[%mul3A_167, %dma_start3A_191] : memref<20x128xi32, #tpu.memory_space<vmem>> -> memref<1x128xi32, #tpu.memory_space<vmem>>
      %dma_start3A_193 = tpu.memref_squeeze %dma_start3A_192 : memref<1x128xi32, #tpu.memory_space<vmem>> -> memref<128xi32, #tpu.memory_space<vmem>>
      %dma_start3A_194 = arith.constant 0 : i32
      %dma_start3A_195 = arith.constant 0 : i32
      %dma_start3A_196 = tpu.memref_slice %arg16[%dma_start3A_194, %dma_start3A_195] : memref<10048x16xf32, #tpu.memory_space<vmem_shared>> -> memref<10048x16xf32, #tpu.memory_space<vmem_shared>>
      tpu.enqueue_indirect_dma source(%arg15 : memref<128x16xf32, #tpu.memory_space<vmem>>) target(%dma_start3A_196 : memref<10048x16xf32, #tpu.memory_space<vmem_shared>>) offsets(%dma_start3A_193 : memref<128xi32, #tpu.memory_space<vmem>>) semaphore(%arg13 : memref<!tpu.dma_semaphore, #tpu.memory_space<semaphore_mem>>) {add = true}
      %dma_wait3A_197 = arith.constant 0 : i32
      %dma_wait3A_198 = arith.constant 0 : i32
      %dma_wait3A_199 = tpu.memref_slice %arg7[%dma_wait3A_197, %dma_wait3A_198] : memref<20x128xi32, #tpu.memory_space<vmem>> -> memref<1x128xi32, #tpu.memory_space<vmem>>
      %dma_wait3A_200 = tpu.memref_squeeze %dma_wait3A_199 : memref<1x128xi32, #tpu.memory_space<vmem>> -> memref<128xi32, #tpu.memory_space<vmem>>
      %dma_wait3A_201 = arith.constant 0 : i32
      %dma_wait3A_202 = arith.constant 0 : i32
      %dma_wait3A_203 = tpu.memref_slice %arg2[%dma_wait3A_201, %dma_wait3A_202] : memref<10000x128xf32, #tpu.memory_space<hbm>> -> memref<10000x128xf32, #tpu.memory_space<hbm>>
      tpu.wait_indirect_dma semaphore(%arg12 : memref<!tpu.dma_semaphore, #tpu.memory_space<semaphore_mem>>) src(%dma_wait3A_203 : memref<10000x128xf32, #tpu.memory_space<hbm>>) dst(%arg10 : memref<128x128xf32, #tpu.memory_space<vmem>>)
      %dma_wait3A_204 = arith.constant 0 : i32
      %dma_wait3A_205 = arith.constant 0 : i32
      %dma_wait3A_206 = tpu.memref_slice %arg8[%dma_wait3A_204, %dma_wait3A_205] : memref<20x128xi32, #tpu.memory_space<vmem>> -> memref<1x128xi32, #tpu.memory_space<vmem>>
      %dma_wait3A_207 = tpu.memref_squeeze %dma_wait3A_206 : memref<1x128xi32, #tpu.memory_space<vmem>> -> memref<128xi32, #tpu.memory_space<vmem>>
      %dma_wait3A_208 = arith.constant 0 : i32
      %dma_wait3A_209 = arith.constant 0 : i32
      %dma_wait3A_210 = tpu.memref_slice %arg6[%dma_wait3A_208, %dma_wait3A_209] : memref<10048x128xf32, #tpu.memory_space<vmem_shared>> -> memref<10048x128xf32, #tpu.memory_space<vmem_shared>>
      tpu.wait_indirect_dma semaphore(%arg13 : memref<!tpu.dma_semaphore, #tpu.memory_space<semaphore_mem>>) src(%arg9 : memref<128x128xf32, #tpu.memory_space<vmem>>) dst(%dma_wait3A_210 : memref<10048x128xf32, #tpu.memory_space<vmem_shared>>)
      %dma_wait3A_211 = arith.constant 0 : i32
      %dma_wait3A_212 = arith.constant 0 : i32
      %dma_wait3A_213 = tpu.memref_slice %arg8[%dma_wait3A_211, %dma_wait3A_212] : memref<20x128xi32, #tpu.memory_space<vmem>> -> memref<1x128xi32, #tpu.memory_space<vmem>>
      %dma_wait3A_214 = tpu.memref_squeeze %dma_wait3A_213 : memref<1x128xi32, #tpu.memory_space<vmem>> -> memref<128xi32, #tpu.memory_space<vmem>>
      %dma_wait3A_215 = arith.constant 0 : i32
      %dma_wait3A_216 = arith.constant 0 : i32
      %dma_wait3A_217 = tpu.memref_slice %arg16[%dma_wait3A_215, %dma_wait3A_216] : memref<10048x16xf32, #tpu.memory_space<vmem_shared>> -> memref<10048x16xf32, #tpu.memory_space<vmem_shared>>
      tpu.wait_indirect_dma semaphore(%arg13 : memref<!tpu.dma_semaphore, #tpu.memory_space<semaphore_mem>>) src(%arg15 : memref<128x16xf32, #tpu.memory_space<vmem>>) dst(%dma_wait3A_217 : memref<10048x16xf32, #tpu.memory_space<vmem_shared>>)
      %add3A_218 = arith.constant 1 : i32
      %add3A_219 = arith.addi %scan3A_164, %add3A_218 : i32
      %lt3A = arith.constant 10 : i32
      %lt3A_220 = arith.cmpi slt, %add3A_219, %lt3A : i32
      %convert_element_type3A_221 = arith.extui %lt3A_220 : i1 to i32
      %cond3A_222 = arith.constant 0 : i32
      %cond3A_223 = arith.cmpi ne, %convert_element_type3A_221, %cond3A_222 : i32
      scf.if %cond3A_223 {
        %add3A_239 = arith.constant 2 : i32
        %add3A_240 = arith.addi %mul3A_167, %add3A_239 : i32
        %dma_start3A_241 = arith.constant 0 : i32
        %dma_start3A_242 = tpu.memref_slice %arg7[%add3A_240, %dma_start3A_241] : memref<20x128xi32, #tpu.memory_space<vmem>> -> memref<1x128xi32, #tpu.memory_space<vmem>>
        %dma_start3A_243 = tpu.memref_squeeze %dma_start3A_242 : memref<1x128xi32, #tpu.memory_space<vmem>> -> memref<128xi32, #tpu.memory_space<vmem>>
        %dma_start3A_244 = arith.constant 0 : i32
        %dma_start3A_245 = arith.constant 0 : i32
        %dma_start3A_246 = tpu.memref_slice %arg2[%dma_start3A_244, %dma_start3A_245] : memref<10000x128xf32, #tpu.memory_space<hbm>> -> memref<10000x128xf32, #tpu.memory_space<hbm>>
        tpu.enqueue_indirect_dma source(%dma_start3A_246 : memref<10000x128xf32, #tpu.memory_space<hbm>>) target(%arg9 : memref<128x128xf32, #tpu.memory_space<vmem>>) offsets(%dma_start3A_243 : memref<128xi32, #tpu.memory_space<vmem>>) semaphore(%arg11 : memref<!tpu.dma_semaphore, #tpu.memory_space<semaphore_mem>>)
      } else {
      }
      %add3A_224 = arith.constant 1 : i32
      %add3A_225 = arith.addi %mul3A_167, %add3A_224 : i32
      %dma_start3A_226 = arith.constant 0 : i32
      %dma_start3A_227 = tpu.memref_slice %arg8[%add3A_225, %dma_start3A_226] : memref<20x128xi32, #tpu.memory_space<vmem>> -> memref<1x128xi32, #tpu.memory_space<vmem>>
      %dma_start3A_228 = tpu.memref_squeeze %dma_start3A_227 : memref<1x128xi32, #tpu.memory_space<vmem>> -> memref<128xi32, #tpu.memory_space<vmem>>
      %dma_start3A_229 = arith.constant 0 : i32
      %dma_start3A_230 = arith.constant 0 : i32
      %dma_start3A_231 = tpu.memref_slice %arg6[%dma_start3A_229, %dma_start3A_230] : memref<10048x128xf32, #tpu.memory_space<vmem_shared>> -> memref<10048x128xf32, #tpu.memory_space<vmem_shared>>
      tpu.enqueue_indirect_dma source(%arg10 : memref<128x128xf32, #tpu.memory_space<vmem>>) target(%dma_start3A_231 : memref<10048x128xf32, #tpu.memory_space<vmem_shared>>) offsets(%dma_start3A_228 : memref<128xi32, #tpu.memory_space<vmem>>) semaphore(%arg14 : memref<!tpu.dma_semaphore, #tpu.memory_space<semaphore_mem>>) {add = true}
      %dma_start3A_232 = arith.constant 0 : i32
      %dma_start3A_233 = tpu.memref_slice %arg8[%add3A_225, %dma_start3A_232] : memref<20x128xi32, #tpu.memory_space<vmem>> -> memref<1x128xi32, #tpu.memory_space<vmem>>
      %dma_start3A_234 = tpu.memref_squeeze %dma_start3A_233 : memref<1x128xi32, #tpu.memory_space<vmem>> -> memref<128xi32, #tpu.memory_space<vmem>>
      %dma_start3A_235 = arith.constant 0 : i32
      %dma_start3A_236 = arith.constant 0 : i32
      %dma_start3A_237 = tpu.memref_slice %arg16[%dma_start3A_235, %dma_start3A_236] : memref<10048x16xf32, #tpu.memory_space<vmem_shared>> -> memref<10048x16xf32, #tpu.memory_space<vmem_shared>>
      tpu.enqueue_indirect_dma source(%arg15 : memref<128x16xf32, #tpu.memory_space<vmem>>) target(%dma_start3A_237 : memref<10048x16xf32, #tpu.memory_space<vmem_shared>>) offsets(%dma_start3A_234 : memref<128xi32, #tpu.memory_space<vmem>>) semaphore(%arg14 : memref<!tpu.dma_semaphore, #tpu.memory_space<semaphore_mem>>) {add = true}
      %scan3A_238 = arith.constant 0 : i32
      scf.yield %scan3A_238 : i32
    }
    %scan3A_59 = arith.constant 10 : i32
    %dma_wait3A = arith.constant 0 : i32
    %dma_wait3A_60 = arith.constant 0 : i32
    %dma_wait3A_61 = tpu.memref_slice %arg8[%dma_wait3A, %dma_wait3A_60] : memref<20x128xi32, #tpu.memory_space<vmem>> -> memref<1x128xi32, #tpu.memory_space<vmem>>
    %dma_wait3A_62 = tpu.memref_squeeze %dma_wait3A_61 : memref<1x128xi32, #tpu.memory_space<vmem>> -> memref<128xi32, #tpu.memory_space<vmem>>
    %dma_wait3A_63 = arith.constant 0 : i32
    %dma_wait3A_64 = arith.constant 0 : i32
    %dma_wait3A_65 = tpu.memref_slice %arg6[%dma_wait3A_63, %dma_wait3A_64] : memref<10048x128xf32, #tpu.memory_space<vmem_shared>> -> memref<10048x128xf32, #tpu.memory_space<vmem_shared>>
    tpu.wait_indirect_dma semaphore(%arg14 : memref<!tpu.dma_semaphore, #tpu.memory_space<semaphore_mem>>) src(%arg10 : memref<128x128xf32, #tpu.memory_space<vmem>>) dst(%dma_wait3A_65 : memref<10048x128xf32, #tpu.memory_space<vmem_shared>>)
    %dma_wait3A_66 = arith.constant 0 : i32
    %dma_wait3A_67 = arith.constant 0 : i32
    %dma_wait3A_68 = tpu.memref_slice %arg8[%dma_wait3A_66, %dma_wait3A_67] : memref<20x128xi32, #tpu.memory_space<vmem>> -> memref<1x128xi32, #tpu.memory_space<vmem>>
    %dma_wait3A_69 = tpu.memref_squeeze %dma_wait3A_68 : memref<1x128xi32, #tpu.memory_space<vmem>> -> memref<128xi32, #tpu.memory_space<vmem>>
    %dma_wait3A_70 = arith.constant 0 : i32
    %dma_wait3A_71 = arith.constant 0 : i32
    %dma_wait3A_72 = tpu.memref_slice %arg16[%dma_wait3A_70, %dma_wait3A_71] : memref<10048x16xf32, #tpu.memory_space<vmem_shared>> -> memref<10048x16xf32, #tpu.memory_space<vmem_shared>>
    tpu.wait_indirect_dma semaphore(%arg14 : memref<!tpu.dma_semaphore, #tpu.memory_space<semaphore_mem>>) src(%arg15 : memref<128x16xf32, #tpu.memory_space<vmem>>) dst(%dma_wait3A_72 : memref<10048x16xf32, #tpu.memory_space<vmem_shared>>)
    %run_scoped3A_73 = arith.constant 0 : i32
    "tpu.region"() ({
      %run_scoped3A_164 = tpu.sem_alloc : memref<!tpu.dma_semaphore, #tpu.memory_space<semaphore_mem>>
      %dma_start3A_165 = arith.constant 20 : i32
      %dma_start3A_166 = arith.constant 0 : i32
      %dma_start3A_167 = tpu.memref_slice %arg3[%run_scoped3A_73, %add3A, %dma_start3A_165, %dma_start3A_166] : memref<2x32x80x128xi32, #tpu.memory_space<hbm>> -> memref<1x1x20x128xi32, #tpu.memory_space<hbm>>
      %dma_start3A_168 = tpu.memref_squeeze %dma_start3A_167 : memref<1x1x20x128xi32, #tpu.memory_space<hbm>> -> memref<20x128xi32, #tpu.memory_space<hbm>>
      %dma_start3A_169 = arith.constant 20 : i32
      %dma_start3A_170 = arith.constant 0 : i32
      %dma_start3A_171 = tpu.memref_slice %arg3[%run_scoped3A_73, %add3A, %dma_start3A_169, %dma_start3A_170] : memref<2x32x80x128xi32, #tpu.memory_space<hbm>> -> memref<1x1x20x128xi32, #tpu.memory_space<hbm>>
      %dma_start3A_172 = tpu.memref_squeeze %dma_start3A_171 : memref<1x1x20x128xi32, #tpu.memory_space<hbm>> -> memref<20x128xi32, #tpu.memory_space<hbm>>
      tpu.enqueue_dma source(%dma_start3A_172 : memref<20x128xi32, #tpu.memory_space<hbm>>) target(%arg7 : memref<20x128xi32, #tpu.memory_space<vmem>>) target_semaphore(%run_scoped3A_164 : memref<!tpu.dma_semaphore, #tpu.memory_space<semaphore_mem>>)
      %dma_wait3A_173 = arith.constant 20 : i32
      %dma_wait3A_174 = arith.constant 0 : i32
      %dma_wait3A_175 = tpu.memref_slice %arg3[%run_scoped3A_73, %add3A, %dma_wait3A_173, %dma_wait3A_174] : memref<2x32x80x128xi32, #tpu.memory_space<hbm>> -> memref<1x1x20x128xi32, #tpu.memory_space<hbm>>
      %dma_wait3A_176 = tpu.memref_squeeze %dma_wait3A_175 : memref<1x1x20x128xi32, #tpu.memory_space<hbm>> -> memref<20x128xi32, #tpu.memory_space<hbm>>
      %dma_wait3A_177 = arith.constant 20 : i32
      %dma_wait3A_178 = arith.constant 0 : i32
      %dma_wait3A_179 = tpu.memref_slice %arg3[%run_scoped3A_73, %add3A, %dma_wait3A_177, %dma_wait3A_178] : memref<2x32x80x128xi32, #tpu.memory_space<hbm>> -> memref<1x1x20x128xi32, #tpu.memory_space<hbm>>
      %dma_wait3A_180 = tpu.memref_squeeze %dma_wait3A_179 : memref<1x1x20x128xi32, #tpu.memory_space<hbm>> -> memref<20x128xi32, #tpu.memory_space<hbm>>
      tpu.wait_dma2 semaphore(%run_scoped3A_164 : memref<!tpu.dma_semaphore, #tpu.memory_space<semaphore_mem>>) src(%dma_wait3A_180 : memref<20x128xi32, #tpu.memory_space<hbm>>) dst(%arg7 : memref<20x128xi32, #tpu.memory_space<vmem>>)
      tpu.yield
    }) : () -> ()
    %run_scoped3A_74 = arith.constant 1 : i32
    "tpu.region"() ({
      %run_scoped3A_164 = tpu.sem_alloc : memref<!tpu.dma_semaphore, #tpu.memory_space<semaphore_mem>>
      %dma_start3A_165 = arith.constant 20 : i32
      %dma_start3A_166 = arith.constant 0 : i32
      %dma_start3A_167 = tpu.memref_slice %arg3[%run_scoped3A_74, %add3A, %dma_start3A_165, %dma_start3A_166] : memref<2x32x80x128xi32, #tpu.memory_space<hbm>> -> memref<1x1x20x128xi32, #tpu.memory_space<hbm>>
      %dma_start3A_168 = tpu.memref_squeeze %dma_start3A_167 : memref<1x1x20x128xi32, #tpu.memory_space<hbm>> -> memref<20x128xi32, #tpu.memory_space<hbm>>
      %dma_start3A_169 = arith.constant 20 : i32
      %dma_start3A_170 = arith.constant 0 : i32
      %dma_start3A_171 = tpu.memref_slice %arg3[%run_scoped3A_74, %add3A, %dma_start3A_169, %dma_start3A_170] : memref<2x32x80x128xi32, #tpu.memory_space<hbm>> -> memref<1x1x20x128xi32, #tpu.memory_space<hbm>>
      %dma_start3A_172 = tpu.memref_squeeze %dma_start3A_171 : memref<1x1x20x128xi32, #tpu.memory_space<hbm>> -> memref<20x128xi32, #tpu.memory_space<hbm>>
      tpu.enqueue_dma source(%dma_start3A_172 : memref<20x128xi32, #tpu.memory_space<hbm>>) target(%arg8 : memref<20x128xi32, #tpu.memory_space<vmem>>) target_semaphore(%run_scoped3A_164 : memref<!tpu.dma_semaphore, #tpu.memory_space<semaphore_mem>>)
      %dma_wait3A_173 = arith.constant 20 : i32
      %dma_wait3A_174 = arith.constant 0 : i32
      %dma_wait3A_175 = tpu.memref_slice %arg3[%run_scoped3A_74, %add3A, %dma_wait3A_173, %dma_wait3A_174] : memref<2x32x80x128xi32, #tpu.memory_space<hbm>> -> memref<1x1x20x128xi32, #tpu.memory_space<hbm>>
      %dma_wait3A_176 = tpu.memref_squeeze %dma_wait3A_175 : memref<1x1x20x128xi32, #tpu.memory_space<hbm>> -> memref<20x128xi32, #tpu.memory_space<hbm>>
      %dma_wait3A_177 = arith.constant 20 : i32
      %dma_wait3A_178 = arith.constant 0 : i32
      %dma_wait3A_179 = tpu.memref_slice %arg3[%run_scoped3A_74, %add3A, %dma_wait3A_177, %dma_wait3A_178] : memref<2x32x80x128xi32, #tpu.memory_space<hbm>> -> memref<1x1x20x128xi32, #tpu.memory_space<hbm>>
      %dma_wait3A_180 = tpu.memref_squeeze %dma_wait3A_179 : memref<1x1x20x128xi32, #tpu.memory_space<hbm>> -> memref<20x128xi32, #tpu.memory_space<hbm>>
      tpu.wait_dma2 semaphore(%run_scoped3A_164 : memref<!tpu.dma_semaphore, #tpu.memory_space<semaphore_mem>>) src(%dma_wait3A_180 : memref<20x128xi32, #tpu.memory_space<hbm>>) dst(%arg8 : memref<20x128xi32, #tpu.memory_space<vmem>>)
      tpu.yield
    }) : () -> ()
    %dma_start3A_75 = arith.constant 0 : i32
    %dma_start3A_76 = arith.constant 0 : i32
    %dma_start3A_77 = tpu.memref_slice %arg7[%dma_start3A_75, %dma_start3A_76] : memref<20x128xi32, #tpu.memory_space<vmem>> -> memref<1x128xi32, #tpu.memory_space<vmem>>
    %dma_start3A_78 = tpu.memref_squeeze %dma_start3A_77 : memref<1x128xi32, #tpu.memory_space<vmem>> -> memref<128xi32, #tpu.memory_space<vmem>>
    %dma_start3A_79 = arith.constant 0 : i32
    %dma_start3A_80 = arith.constant 0 : i32
    %dma_start3A_81 = tpu.memref_slice %arg2[%dma_start3A_79, %dma_start3A_80] : memref<10000x128xf32, #tpu.memory_space<hbm>> -> memref<10000x128xf32, #tpu.memory_space<hbm>>
    tpu.enqueue_indirect_dma source(%dma_start3A_81 : memref<10000x128xf32, #tpu.memory_space<hbm>>) target(%arg9 : memref<128x128xf32, #tpu.memory_space<vmem>>) offsets(%dma_start3A_78 : memref<128xi32, #tpu.memory_space<vmem>>) semaphore(%arg11 : memref<!tpu.dma_semaphore, #tpu.memory_space<semaphore_mem>>)
    %scan3A_82 = arith.constant 0 : i32
    %scan3A_83 = arith.constant 0 : i32
    %scan3A_84 = arith.constant 10 : i32
    %scan3A_85 = arith.addi %scan3A_83, %scan3A_84 : i32
    %scan3A_86 = arith.constant 1 : i32
    %scan3A_87 = scf.for %scan3A_164 = %scan3A_83 to %scan3A_85 step %scan3A_86 iter_args(%scan3A_165 = %scan3A_82) -> (i32)  : i32 {
      %mul3A_166 = arith.constant 2 : i32
      %mul3A_167 = arith.muli %mul3A_166, %scan3A_164 : i32
      %dma_wait3A_168 = arith.constant 0 : i32
      %dma_wait3A_169 = arith.constant 0 : i32
      %dma_wait3A_170 = tpu.memref_slice %arg7[%dma_wait3A_168, %dma_wait3A_169] : memref<20x128xi32, #tpu.memory_space<vmem>> -> memref<1x128xi32, #tpu.memory_space<vmem>>
      %dma_wait3A_171 = tpu.memref_squeeze %dma_wait3A_170 : memref<1x128xi32, #tpu.memory_space<vmem>> -> memref<128xi32, #tpu.memory_space<vmem>>
      %dma_wait3A_172 = arith.constant 0 : i32
      %dma_wait3A_173 = arith.constant 0 : i32
      %dma_wait3A_174 = tpu.memref_slice %arg2[%dma_wait3A_172, %dma_wait3A_173] : memref<10000x128xf32, #tpu.memory_space<hbm>> -> memref<10000x128xf32, #tpu.memory_space<hbm>>
      tpu.wait_indirect_dma semaphore(%arg11 : memref<!tpu.dma_semaphore, #tpu.memory_space<semaphore_mem>>) src(%dma_wait3A_174 : memref<10000x128xf32, #tpu.memory_space<hbm>>) dst(%arg9 : memref<128x128xf32, #tpu.memory_space<vmem>>)
      %gt3A = arith.constant 0 : i32
      %gt3A_175 = arith.cmpi sgt, %scan3A_164, %gt3A : i32
      %convert_element_type3A = arith.extui %gt3A_175 : i1 to i32
      %cond3A = arith.constant 0 : i32
      %cond3A_176 = arith.cmpi ne, %convert_element_type3A, %cond3A : i32
      scf.if %cond3A_176 {
        %dma_wait3A_239 = arith.constant 0 : i32
        %dma_wait3A_240 = arith.constant 0 : i32
        %dma_wait3A_241 = tpu.memref_slice %arg8[%dma_wait3A_239, %dma_wait3A_240] : memref<20x128xi32, #tpu.memory_space<vmem>> -> memref<1x128xi32, #tpu.memory_space<vmem>>
        %dma_wait3A_242 = tpu.memref_squeeze %dma_wait3A_241 : memref<1x128xi32, #tpu.memory_space<vmem>> -> memref<128xi32, #tpu.memory_space<vmem>>
        %dma_wait3A_243 = arith.constant 0 : i32
        %dma_wait3A_244 = arith.constant 0 : i32
        %dma_wait3A_245 = tpu.memref_slice %arg6[%dma_wait3A_243, %dma_wait3A_244] : memref<10048x128xf32, #tpu.memory_space<vmem_shared>> -> memref<10048x128xf32, #tpu.memory_space<vmem_shared>>
        tpu.wait_indirect_dma semaphore(%arg14 : memref<!tpu.dma_semaphore, #tpu.memory_space<semaphore_mem>>) src(%arg10 : memref<128x128xf32, #tpu.memory_space<vmem>>) dst(%dma_wait3A_245 : memref<10048x128xf32, #tpu.memory_space<vmem_shared>>)
        %dma_wait3A_246 = arith.constant 0 : i32
        %dma_wait3A_247 = arith.constant 0 : i32
        %dma_wait3A_248 = tpu.memref_slice %arg8[%dma_wait3A_246, %dma_wait3A_247] : memref<20x128xi32, #tpu.memory_space<vmem>> -> memref<1x128xi32, #tpu.memory_space<vmem>>
        %dma_wait3A_249 = tpu.memref_squeeze %dma_wait3A_248 : memref<1x128xi32, #tpu.memory_space<vmem>> -> memref<128xi32, #tpu.memory_space<vmem>>
        %dma_wait3A_250 = arith.constant 0 : i32
        %dma_wait3A_251 = arith.constant 0 : i32
        %dma_wait3A_252 = tpu.memref_slice %arg16[%dma_wait3A_250, %dma_wait3A_251] : memref<10048x16xf32, #tpu.memory_space<vmem_shared>> -> memref<10048x16xf32, #tpu.memory_space<vmem_shared>>
        tpu.wait_indirect_dma semaphore(%arg14 : memref<!tpu.dma_semaphore, #tpu.memory_space<semaphore_mem>>) src(%arg15 : memref<128x16xf32, #tpu.memory_space<vmem>>) dst(%dma_wait3A_252 : memref<10048x16xf32, #tpu.memory_space<vmem_shared>>)
      } else {
      }
      %add3A_177 = arith.constant 1 : i32
      %add3A_178 = arith.addi %mul3A_167, %add3A_177 : i32
      %dma_start3A_179 = arith.constant 0 : i32
      %dma_start3A_180 = tpu.memref_slice %arg7[%add3A_178, %dma_start3A_179] : memref<20x128xi32, #tpu.memory_space<vmem>> -> memref<1x128xi32, #tpu.memory_space<vmem>>
      %dma_start3A_181 = tpu.memref_squeeze %dma_start3A_180 : memref<1x128xi32, #tpu.memory_space<vmem>> -> memref<128xi32, #tpu.memory_space<vmem>>
      %dma_start3A_182 = arith.constant 0 : i32
      %dma_start3A_183 = arith.constant 0 : i32
      %dma_start3A_184 = tpu.memref_slice %arg2[%dma_start3A_182, %dma_start3A_183] : memref<10000x128xf32, #tpu.memory_space<hbm>> -> memref<10000x128xf32, #tpu.memory_space<hbm>>
      tpu.enqueue_indirect_dma source(%dma_start3A_184 : memref<10000x128xf32, #tpu.memory_space<hbm>>) target(%arg10 : memref<128x128xf32, #tpu.memory_space<vmem>>) offsets(%dma_start3A_181 : memref<128xi32, #tpu.memory_space<vmem>>) semaphore(%arg12 : memref<!tpu.dma_semaphore, #tpu.memory_space<semaphore_mem>>)
      %dma_start3A_185 = arith.constant 0 : i32
      %dma_start3A_186 = tpu.memref_slice %arg8[%mul3A_167, %dma_start3A_185] : memref<20x128xi32, #tpu.memory_space<vmem>> -> memref<1x128xi32, #tpu.memory_space<vmem>>
      %dma_start3A_187 = tpu.memref_squeeze %dma_start3A_186 : memref<1x128xi32, #tpu.memory_space<vmem>> -> memref<128xi32, #tpu.memory_space<vmem>>
      %dma_start3A_188 = arith.constant 0 : i32
      %dma_start3A_189 = arith.constant 0 : i32
      %dma_start3A_190 = tpu.memref_slice %arg6[%dma_start3A_188, %dma_start3A_189] : memref<10048x128xf32, #tpu.memory_space<vmem_shared>> -> memref<10048x128xf32, #tpu.memory_space<vmem_shared>>
      tpu.enqueue_indirect_dma source(%arg9 : memref<128x128xf32, #tpu.memory_space<vmem>>) target(%dma_start3A_190 : memref<10048x128xf32, #tpu.memory_space<vmem_shared>>) offsets(%dma_start3A_187 : memref<128xi32, #tpu.memory_space<vmem>>) semaphore(%arg13 : memref<!tpu.dma_semaphore, #tpu.memory_space<semaphore_mem>>) {add = true}
      %dma_start3A_191 = arith.constant 0 : i32
      %dma_start3A_192 = tpu.memref_slice %arg8[%mul3A_167, %dma_start3A_191] : memref<20x128xi32, #tpu.memory_space<vmem>> -> memref<1x128xi32, #tpu.memory_space<vmem>>
      %dma_start3A_193 = tpu.memref_squeeze %dma_start3A_192 : memref<1x128xi32, #tpu.memory_space<vmem>> -> memref<128xi32, #tpu.memory_space<vmem>>
      %dma_start3A_194 = arith.constant 0 : i32
      %dma_start3A_195 = arith.constant 0 : i32
      %dma_start3A_196 = tpu.memref_slice %arg16[%dma_start3A_194, %dma_start3A_195] : memref<10048x16xf32, #tpu.memory_space<vmem_shared>> -> memref<10048x16xf32, #tpu.memory_space<vmem_shared>>
      tpu.enqueue_indirect_dma source(%arg15 : memref<128x16xf32, #tpu.memory_space<vmem>>) target(%dma_start3A_196 : memref<10048x16xf32, #tpu.memory_space<vmem_shared>>) offsets(%dma_start3A_193 : memref<128xi32, #tpu.memory_space<vmem>>) semaphore(%arg13 : memref<!tpu.dma_semaphore, #tpu.memory_space<semaphore_mem>>) {add = true}
      %dma_wait3A_197 = arith.constant 0 : i32
      %dma_wait3A_198 = arith.constant 0 : i32
      %dma_wait3A_199 = tpu.memref_slice %arg7[%dma_wait3A_197, %dma_wait3A_198] : memref<20x128xi32, #tpu.memory_space<vmem>> -> memref<1x128xi32, #tpu.memory_space<vmem>>
      %dma_wait3A_200 = tpu.memref_squeeze %dma_wait3A_199 : memref<1x128xi32, #tpu.memory_space<vmem>> -> memref<128xi32, #tpu.memory_space<vmem>>
      %dma_wait3A_201 = arith.constant 0 : i32
      %dma_wait3A_202 = arith.constant 0 : i32
      %dma_wait3A_203 = tpu.memref_slice %arg2[%dma_wait3A_201, %dma_wait3A_202] : memref<10000x128xf32, #tpu.memory_space<hbm>> -> memref<10000x128xf32, #tpu.memory_space<hbm>>
      tpu.wait_indirect_dma semaphore(%arg12 : memref<!tpu.dma_semaphore, #tpu.memory_space<semaphore_mem>>) src(%dma_wait3A_203 : memref<10000x128xf32, #tpu.memory_space<hbm>>) dst(%arg10 : memref<128x128xf32, #tpu.memory_space<vmem>>)
      %dma_wait3A_204 = arith.constant 0 : i32
      %dma_wait3A_205 = arith.constant 0 : i32
      %dma_wait3A_206 = tpu.memref_slice %arg8[%dma_wait3A_204, %dma_wait3A_205] : memref<20x128xi32, #tpu.memory_space<vmem>> -> memref<1x128xi32, #tpu.memory_space<vmem>>
      %dma_wait3A_207 = tpu.memref_squeeze %dma_wait3A_206 : memref<1x128xi32, #tpu.memory_space<vmem>> -> memref<128xi32, #tpu.memory_space<vmem>>
      %dma_wait3A_208 = arith.constant 0 : i32
      %dma_wait3A_209 = arith.constant 0 : i32
      %dma_wait3A_210 = tpu.memref_slice %arg6[%dma_wait3A_208, %dma_wait3A_209] : memref<10048x128xf32, #tpu.memory_space<vmem_shared>> -> memref<10048x128xf32, #tpu.memory_space<vmem_shared>>
      tpu.wait_indirect_dma semaphore(%arg13 : memref<!tpu.dma_semaphore, #tpu.memory_space<semaphore_mem>>) src(%arg9 : memref<128x128xf32, #tpu.memory_space<vmem>>) dst(%dma_wait3A_210 : memref<10048x128xf32, #tpu.memory_space<vmem_shared>>)
      %dma_wait3A_211 = arith.constant 0 : i32
      %dma_wait3A_212 = arith.constant 0 : i32
      %dma_wait3A_213 = tpu.memref_slice %arg8[%dma_wait3A_211, %dma_wait3A_212] : memref<20x128xi32, #tpu.memory_space<vmem>> -> memref<1x128xi32, #tpu.memory_space<vmem>>
      %dma_wait3A_214 = tpu.memref_squeeze %dma_wait3A_213 : memref<1x128xi32, #tpu.memory_space<vmem>> -> memref<128xi32, #tpu.memory_space<vmem>>
      %dma_wait3A_215 = arith.constant 0 : i32
      %dma_wait3A_216 = arith.constant 0 : i32
      %dma_wait3A_217 = tpu.memref_slice %arg16[%dma_wait3A_215, %dma_wait3A_216] : memref<10048x16xf32, #tpu.memory_space<vmem_shared>> -> memref<10048x16xf32, #tpu.memory_space<vmem_shared>>
      tpu.wait_indirect_dma semaphore(%arg13 : memref<!tpu.dma_semaphore, #tpu.memory_space<semaphore_mem>>) src(%arg15 : memref<128x16xf32, #tpu.memory_space<vmem>>) dst(%dma_wait3A_217 : memref<10048x16xf32, #tpu.memory_space<vmem_shared>>)
      %add3A_218 = arith.constant 1 : i32
      %add3A_219 = arith.addi %scan3A_164, %add3A_218 : i32
      %lt3A = arith.constant 10 : i32
      %lt3A_220 = arith.cmpi slt, %add3A_219, %lt3A : i32
      %convert_element_type3A_221 = arith.extui %lt3A_220 : i1 to i32
      %cond3A_222 = arith.constant 0 : i32
      %cond3A_223 = arith.cmpi ne, %convert_element_type3A_221, %cond3A_222 : i32
      scf.if %cond3A_223 {
        %add3A_239 = arith.constant 2 : i32
        %add3A_240 = arith.addi %mul3A_167, %add3A_239 : i32
        %dma_start3A_241 = arith.constant 0 : i32
        %dma_start3A_242 = tpu.memref_slice %arg7[%add3A_240, %dma_start3A_241] : memref<20x128xi32, #tpu.memory_space<vmem>> -> memref<1x128xi32, #tpu.memory_space<vmem>>
        %dma_start3A_243 = tpu.memref_squeeze %dma_start3A_242 : memref<1x128xi32, #tpu.memory_space<vmem>> -> memref<128xi32, #tpu.memory_space<vmem>>
        %dma_start3A_244 = arith.constant 0 : i32
        %dma_start3A_245 = arith.constant 0 : i32
        %dma_start3A_246 = tpu.memref_slice %arg2[%dma_start3A_244, %dma_start3A_245] : memref<10000x128xf32, #tpu.memory_space<hbm>> -> memref<10000x128xf32, #tpu.memory_space<hbm>>
        tpu.enqueue_indirect_dma source(%dma_start3A_246 : memref<10000x128xf32, #tpu.memory_space<hbm>>) target(%arg9 : memref<128x128xf32, #tpu.memory_space<vmem>>) offsets(%dma_start3A_243 : memref<128xi32, #tpu.memory_space<vmem>>) semaphore(%arg11 : memref<!tpu.dma_semaphore, #tpu.memory_space<semaphore_mem>>)
      } else {
      }
      %add3A_224 = arith.constant 1 : i32
      %add3A_225 = arith.addi %mul3A_167, %add3A_224 : i32
      %dma_start3A_226 = arith.constant 0 : i32
      %dma_start3A_227 = tpu.memref_slice %arg8[%add3A_225, %dma_start3A_226] : memref<20x128xi32, #tpu.memory_space<vmem>> -> memref<1x128xi32, #tpu.memory_space<vmem>>
      %dma_start3A_228 = tpu.memref_squeeze %dma_start3A_227 : memref<1x128xi32, #tpu.memory_space<vmem>> -> memref<128xi32, #tpu.memory_space<vmem>>
      %dma_start3A_229 = arith.constant 0 : i32
      %dma_start3A_230 = arith.constant 0 : i32
      %dma_start3A_231 = tpu.memref_slice %arg6[%dma_start3A_229, %dma_start3A_230] : memref<10048x128xf32, #tpu.memory_space<vmem_shared>> -> memref<10048x128xf32, #tpu.memory_space<vmem_shared>>
      tpu.enqueue_indirect_dma source(%arg10 : memref<128x128xf32, #tpu.memory_space<vmem>>) target(%dma_start3A_231 : memref<10048x128xf32, #tpu.memory_space<vmem_shared>>) offsets(%dma_start3A_228 : memref<128xi32, #tpu.memory_space<vmem>>) semaphore(%arg14 : memref<!tpu.dma_semaphore, #tpu.memory_space<semaphore_mem>>) {add = true}
      %dma_start3A_232 = arith.constant 0 : i32
      %dma_start3A_233 = tpu.memref_slice %arg8[%add3A_225, %dma_start3A_232] : memref<20x128xi32, #tpu.memory_space<vmem>> -> memref<1x128xi32, #tpu.memory_space<vmem>>
      %dma_start3A_234 = tpu.memref_squeeze %dma_start3A_233 : memref<1x128xi32, #tpu.memory_space<vmem>> -> memref<128xi32, #tpu.memory_space<vmem>>
      %dma_start3A_235 = arith.constant 0 : i32
      %dma_start3A_236 = arith.constant 0 : i32
      %dma_start3A_237 = tpu.memref_slice %arg16[%dma_start3A_235, %dma_start3A_236] : memref<10048x16xf32, #tpu.memory_space<vmem_shared>> -> memref<10048x16xf32, #tpu.memory_space<vmem_shared>>
      tpu.enqueue_indirect_dma source(%arg15 : memref<128x16xf32, #tpu.memory_space<vmem>>) target(%dma_start3A_237 : memref<10048x16xf32, #tpu.memory_space<vmem_shared>>) offsets(%dma_start3A_234 : memref<128xi32, #tpu.memory_space<vmem>>) semaphore(%arg14 : memref<!tpu.dma_semaphore, #tpu.memory_space<semaphore_mem>>) {add = true}
      %scan3A_238 = arith.constant 0 : i32
      scf.yield %scan3A_238 : i32
    }
    %scan3A_88 = arith.constant 10 : i32
    %dma_wait3A_89 = arith.constant 0 : i32
    %dma_wait3A_90 = arith.constant 0 : i32
    %dma_wait3A_91 = tpu.memref_slice %arg8[%dma_wait3A_89, %dma_wait3A_90] : memref<20x128xi32, #tpu.memory_space<vmem>> -> memref<1x128xi32, #tpu.memory_space<vmem>>
    %dma_wait3A_92 = tpu.memref_squeeze %dma_wait3A_91 : memref<1x128xi32, #tpu.memory_space<vmem>> -> memref<128xi32, #tpu.memory_space<vmem>>
    %dma_wait3A_93 = arith.constant 0 : i32
    %dma_wait3A_94 = arith.constant 0 : i32
    %dma_wait3A_95 = tpu.memref_slice %arg6[%dma_wait3A_93, %dma_wait3A_94] : memref<10048x128xf32, #tpu.memory_space<vmem_shared>> -> memref<10048x128xf32, #tpu.memory_space<vmem_shared>>
    tpu.wait_indirect_dma semaphore(%arg14 : memref<!tpu.dma_semaphore, #tpu.memory_space<semaphore_mem>>) src(%arg10 : memref<128x128xf32, #tpu.memory_space<vmem>>) dst(%dma_wait3A_95 : memref<10048x128xf32, #tpu.memory_space<vmem_shared>>)
    %dma_wait3A_96 = arith.constant 0 : i32
    %dma_wait3A_97 = arith.constant 0 : i32
    %dma_wait3A_98 = tpu.memref_slice %arg8[%dma_wait3A_96, %dma_wait3A_97] : memref<20x128xi32, #tpu.memory_space<vmem>> -> memref<1x128xi32, #tpu.memory_space<vmem>>
    %dma_wait3A_99 = tpu.memref_squeeze %dma_wait3A_98 : memref<1x128xi32, #tpu.memory_space<vmem>> -> memref<128xi32, #tpu.memory_space<vmem>>
    %dma_wait3A_100 = arith.constant 0 : i32
    %dma_wait3A_101 = arith.constant 0 : i32
    %dma_wait3A_102 = tpu.memref_slice %arg16[%dma_wait3A_100, %dma_wait3A_101] : memref<10048x16xf32, #tpu.memory_space<vmem_shared>> -> memref<10048x16xf32, #tpu.memory_space<vmem_shared>>
    tpu.wait_indirect_dma semaphore(%arg14 : memref<!tpu.dma_semaphore, #tpu.memory_space<semaphore_mem>>) src(%arg15 : memref<128x16xf32, #tpu.memory_space<vmem>>) dst(%dma_wait3A_102 : memref<10048x16xf32, #tpu.memory_space<vmem_shared>>)
    %run_scoped3A_103 = arith.constant 0 : i32
    "tpu.region"() ({
      %run_scoped3A_164 = tpu.sem_alloc : memref<!tpu.dma_semaphore, #tpu.memory_space<semaphore_mem>>
      %dma_start3A_165 = arith.constant 40 : i32
      %dma_start3A_166 = arith.constant 0 : i32
      %dma_start3A_167 = tpu.memref_slice %arg3[%run_scoped3A_103, %add3A, %dma_start3A_165, %dma_start3A_166] : memref<2x32x80x128xi32, #tpu.memory_space<hbm>> -> memref<1x1x20x128xi32, #tpu.memory_space<hbm>>
      %dma_start3A_168 = tpu.memref_squeeze %dma_start3A_167 : memref<1x1x20x128xi32, #tpu.memory_space<hbm>> -> memref<20x128xi32, #tpu.memory_space<hbm>>
      %dma_start3A_169 = arith.constant 40 : i32
      %dma_start3A_170 = arith.constant 0 : i32
      %dma_start3A_171 = tpu.memref_slice %arg3[%run_scoped3A_103, %add3A, %dma_start3A_169, %dma_start3A_170] : memref<2x32x80x128xi32, #tpu.memory_space<hbm>> -> memref<1x1x20x128xi32, #tpu.memory_space<hbm>>
      %dma_start3A_172 = tpu.memref_squeeze %dma_start3A_171 : memref<1x1x20x128xi32, #tpu.memory_space<hbm>> -> memref<20x128xi32, #tpu.memory_space<hbm>>
      tpu.enqueue_dma source(%dma_start3A_172 : memref<20x128xi32, #tpu.memory_space<hbm>>) target(%arg7 : memref<20x128xi32, #tpu.memory_space<vmem>>) target_semaphore(%run_scoped3A_164 : memref<!tpu.dma_semaphore, #tpu.memory_space<semaphore_mem>>)
      %dma_wait3A_173 = arith.constant 40 : i32
      %dma_wait3A_174 = arith.constant 0 : i32
      %dma_wait3A_175 = tpu.memref_slice %arg3[%run_scoped3A_103, %add3A, %dma_wait3A_173, %dma_wait3A_174] : memref<2x32x80x128xi32, #tpu.memory_space<hbm>> -> memref<1x1x20x128xi32, #tpu.memory_space<hbm>>
      %dma_wait3A_176 = tpu.memref_squeeze %dma_wait3A_175 : memref<1x1x20x128xi32, #tpu.memory_space<hbm>> -> memref<20x128xi32, #tpu.memory_space<hbm>>
      %dma_wait3A_177 = arith.constant 40 : i32
      %dma_wait3A_178 = arith.constant 0 : i32
      %dma_wait3A_179 = tpu.memref_slice %arg3[%run_scoped3A_103, %add3A, %dma_wait3A_177, %dma_wait3A_178] : memref<2x32x80x128xi32, #tpu.memory_space<hbm>> -> memref<1x1x20x128xi32, #tpu.memory_space<hbm>>
      %dma_wait3A_180 = tpu.memref_squeeze %dma_wait3A_179 : memref<1x1x20x128xi32, #tpu.memory_space<hbm>> -> memref<20x128xi32, #tpu.memory_space<hbm>>
      tpu.wait_dma2 semaphore(%run_scoped3A_164 : memref<!tpu.dma_semaphore, #tpu.memory_space<semaphore_mem>>) src(%dma_wait3A_180 : memref<20x128xi32, #tpu.memory_space<hbm>>) dst(%arg7 : memref<20x128xi32, #tpu.memory_space<vmem>>)
      tpu.yield
    }) : () -> ()
    %run_scoped3A_104 = arith.constant 1 : i32
    "tpu.region"() ({
      %run_scoped3A_164 = tpu.sem_alloc : memref<!tpu.dma_semaphore, #tpu.memory_space<semaphore_mem>>
      %dma_start3A_165 = arith.constant 40 : i32
      %dma_start3A_166 = arith.constant 0 : i32
      %dma_start3A_167 = tpu.memref_slice %arg3[%run_scoped3A_104, %add3A, %dma_start3A_165, %dma_start3A_166] : memref<2x32x80x128xi32, #tpu.memory_space<hbm>> -> memref<1x1x20x128xi32, #tpu.memory_space<hbm>>
      %dma_start3A_168 = tpu.memref_squeeze %dma_start3A_167 : memref<1x1x20x128xi32, #tpu.memory_space<hbm>> -> memref<20x128xi32, #tpu.memory_space<hbm>>
      %dma_start3A_169 = arith.constant 40 : i32
      %dma_start3A_170 = arith.constant 0 : i32
      %dma_start3A_171 = tpu.memref_slice %arg3[%run_scoped3A_104, %add3A, %dma_start3A_169, %dma_start3A_170] : memref<2x32x80x128xi32, #tpu.memory_space<hbm>> -> memref<1x1x20x128xi32, #tpu.memory_space<hbm>>
      %dma_start3A_172 = tpu.memref_squeeze %dma_start3A_171 : memref<1x1x20x128xi32, #tpu.memory_space<hbm>> -> memref<20x128xi32, #tpu.memory_space<hbm>>
      tpu.enqueue_dma source(%dma_start3A_172 : memref<20x128xi32, #tpu.memory_space<hbm>>) target(%arg8 : memref<20x128xi32, #tpu.memory_space<vmem>>) target_semaphore(%run_scoped3A_164 : memref<!tpu.dma_semaphore, #tpu.memory_space<semaphore_mem>>)
      %dma_wait3A_173 = arith.constant 40 : i32
      %dma_wait3A_174 = arith.constant 0 : i32
      %dma_wait3A_175 = tpu.memref_slice %arg3[%run_scoped3A_104, %add3A, %dma_wait3A_173, %dma_wait3A_174] : memref<2x32x80x128xi32, #tpu.memory_space<hbm>> -> memref<1x1x20x128xi32, #tpu.memory_space<hbm>>
      %dma_wait3A_176 = tpu.memref_squeeze %dma_wait3A_175 : memref<1x1x20x128xi32, #tpu.memory_space<hbm>> -> memref<20x128xi32, #tpu.memory_space<hbm>>
      %dma_wait3A_177 = arith.constant 40 : i32
      %dma_wait3A_178 = arith.constant 0 : i32
      %dma_wait3A_179 = tpu.memref_slice %arg3[%run_scoped3A_104, %add3A, %dma_wait3A_177, %dma_wait3A_178] : memref<2x32x80x128xi32, #tpu.memory_space<hbm>> -> memref<1x1x20x128xi32, #tpu.memory_space<hbm>>
      %dma_wait3A_180 = tpu.memref_squeeze %dma_wait3A_179 : memref<1x1x20x128xi32, #tpu.memory_space<hbm>> -> memref<20x128xi32, #tpu.memory_space<hbm>>
      tpu.wait_dma2 semaphore(%run_scoped3A_164 : memref<!tpu.dma_semaphore, #tpu.memory_space<semaphore_mem>>) src(%dma_wait3A_180 : memref<20x128xi32, #tpu.memory_space<hbm>>) dst(%arg8 : memref<20x128xi32, #tpu.memory_space<vmem>>)
      tpu.yield
    }) : () -> ()
    %dma_start3A_105 = arith.constant 0 : i32
    %dma_start3A_106 = arith.constant 0 : i32
    %dma_start3A_107 = tpu.memref_slice %arg7[%dma_start3A_105, %dma_start3A_106] : memref<20x128xi32, #tpu.memory_space<vmem>> -> memref<1x128xi32, #tpu.memory_space<vmem>>
    %dma_start3A_108 = tpu.memref_squeeze %dma_start3A_107 : memref<1x128xi32, #tpu.memory_space<vmem>> -> memref<128xi32, #tpu.memory_space<vmem>>
    %dma_start3A_109 = arith.constant 0 : i32
    %dma_start3A_110 = arith.constant 0 : i32
    %dma_start3A_111 = tpu.memref_slice %arg2[%dma_start3A_109, %dma_start3A_110] : memref<10000x128xf32, #tpu.memory_space<hbm>> -> memref<10000x128xf32, #tpu.memory_space<hbm>>
    tpu.enqueue_indirect_dma source(%dma_start3A_111 : memref<10000x128xf32, #tpu.memory_space<hbm>>) target(%arg9 : memref<128x128xf32, #tpu.memory_space<vmem>>) offsets(%dma_start3A_108 : memref<128xi32, #tpu.memory_space<vmem>>) semaphore(%arg11 : memref<!tpu.dma_semaphore, #tpu.memory_space<semaphore_mem>>)
    %scan3A_112 = arith.constant 0 : i32
    %scan3A_113 = arith.constant 0 : i32
    %scan3A_114 = arith.constant 10 : i32
    %scan3A_115 = arith.addi %scan3A_113, %scan3A_114 : i32
    %scan3A_116 = arith.constant 1 : i32
    %scan3A_117 = scf.for %scan3A_164 = %scan3A_113 to %scan3A_115 step %scan3A_116 iter_args(%scan3A_165 = %scan3A_112) -> (i32)  : i32 {
      %mul3A_166 = arith.constant 2 : i32
      %mul3A_167 = arith.muli %mul3A_166, %scan3A_164 : i32
      %dma_wait3A_168 = arith.constant 0 : i32
      %dma_wait3A_169 = arith.constant 0 : i32
      %dma_wait3A_170 = tpu.memref_slice %arg7[%dma_wait3A_168, %dma_wait3A_169] : memref<20x128xi32, #tpu.memory_space<vmem>> -> memref<1x128xi32, #tpu.memory_space<vmem>>
      %dma_wait3A_171 = tpu.memref_squeeze %dma_wait3A_170 : memref<1x128xi32, #tpu.memory_space<vmem>> -> memref<128xi32, #tpu.memory_space<vmem>>
      %dma_wait3A_172 = arith.constant 0 : i32
      %dma_wait3A_173 = arith.constant 0 : i32
      %dma_wait3A_174 = tpu.memref_slice %arg2[%dma_wait3A_172, %dma_wait3A_173] : memref<10000x128xf32, #tpu.memory_space<hbm>> -> memref<10000x128xf32, #tpu.memory_space<hbm>>
      tpu.wait_indirect_dma semaphore(%arg11 : memref<!tpu.dma_semaphore, #tpu.memory_space<semaphore_mem>>) src(%dma_wait3A_174 : memref<10000x128xf32, #tpu.memory_space<hbm>>) dst(%arg9 : memref<128x128xf32, #tpu.memory_space<vmem>>)
      %gt3A = arith.constant 0 : i32
      %gt3A_175 = arith.cmpi sgt, %scan3A_164, %gt3A : i32
      %convert_element_type3A = arith.extui %gt3A_175 : i1 to i32
      %cond3A = arith.constant 0 : i32
      %cond3A_176 = arith.cmpi ne, %convert_element_type3A, %cond3A : i32
      scf.if %cond3A_176 {
        %dma_wait3A_239 = arith.constant 0 : i32
        %dma_wait3A_240 = arith.constant 0 : i32
        %dma_wait3A_241 = tpu.memref_slice %arg8[%dma_wait3A_239, %dma_wait3A_240] : memref<20x128xi32, #tpu.memory_space<vmem>> -> memref<1x128xi32, #tpu.memory_space<vmem>>
        %dma_wait3A_242 = tpu.memref_squeeze %dma_wait3A_241 : memref<1x128xi32, #tpu.memory_space<vmem>> -> memref<128xi32, #tpu.memory_space<vmem>>
        %dma_wait3A_243 = arith.constant 0 : i32
        %dma_wait3A_244 = arith.constant 0 : i32
        %dma_wait3A_245 = tpu.memref_slice %arg6[%dma_wait3A_243, %dma_wait3A_244] : memref<10048x128xf32, #tpu.memory_space<vmem_shared>> -> memref<10048x128xf32, #tpu.memory_space<vmem_shared>>
        tpu.wait_indirect_dma semaphore(%arg14 : memref<!tpu.dma_semaphore, #tpu.memory_space<semaphore_mem>>) src(%arg10 : memref<128x128xf32, #tpu.memory_space<vmem>>) dst(%dma_wait3A_245 : memref<10048x128xf32, #tpu.memory_space<vmem_shared>>)
        %dma_wait3A_246 = arith.constant 0 : i32
        %dma_wait3A_247 = arith.constant 0 : i32
        %dma_wait3A_248 = tpu.memref_slice %arg8[%dma_wait3A_246, %dma_wait3A_247] : memref<20x128xi32, #tpu.memory_space<vmem>> -> memref<1x128xi32, #tpu.memory_space<vmem>>
        %dma_wait3A_249 = tpu.memref_squeeze %dma_wait3A_248 : memref<1x128xi32, #tpu.memory_space<vmem>> -> memref<128xi32, #tpu.memory_space<vmem>>
        %dma_wait3A_250 = arith.constant 0 : i32
        %dma_wait3A_251 = arith.constant 0 : i32
        %dma_wait3A_252 = tpu.memref_slice %arg16[%dma_wait3A_250, %dma_wait3A_251] : memref<10048x16xf32, #tpu.memory_space<vmem_shared>> -> memref<10048x16xf32, #tpu.memory_space<vmem_shared>>
        tpu.wait_indirect_dma semaphore(%arg14 : memref<!tpu.dma_semaphore, #tpu.memory_space<semaphore_mem>>) src(%arg15 : memref<128x16xf32, #tpu.memory_space<vmem>>) dst(%dma_wait3A_252 : memref<10048x16xf32, #tpu.memory_space<vmem_shared>>)
      } else {
      }
      %add3A_177 = arith.constant 1 : i32
      %add3A_178 = arith.addi %mul3A_167, %add3A_177 : i32
      %dma_start3A_179 = arith.constant 0 : i32
      %dma_start3A_180 = tpu.memref_slice %arg7[%add3A_178, %dma_start3A_179] : memref<20x128xi32, #tpu.memory_space<vmem>> -> memref<1x128xi32, #tpu.memory_space<vmem>>
      %dma_start3A_181 = tpu.memref_squeeze %dma_start3A_180 : memref<1x128xi32, #tpu.memory_space<vmem>> -> memref<128xi32, #tpu.memory_space<vmem>>
      %dma_start3A_182 = arith.constant 0 : i32
      %dma_start3A_183 = arith.constant 0 : i32
      %dma_start3A_184 = tpu.memref_slice %arg2[%dma_start3A_182, %dma_start3A_183] : memref<10000x128xf32, #tpu.memory_space<hbm>> -> memref<10000x128xf32, #tpu.memory_space<hbm>>
      tpu.enqueue_indirect_dma source(%dma_start3A_184 : memref<10000x128xf32, #tpu.memory_space<hbm>>) target(%arg10 : memref<128x128xf32, #tpu.memory_space<vmem>>) offsets(%dma_start3A_181 : memref<128xi32, #tpu.memory_space<vmem>>) semaphore(%arg12 : memref<!tpu.dma_semaphore, #tpu.memory_space<semaphore_mem>>)
      %dma_start3A_185 = arith.constant 0 : i32
      %dma_start3A_186 = tpu.memref_slice %arg8[%mul3A_167, %dma_start3A_185] : memref<20x128xi32, #tpu.memory_space<vmem>> -> memref<1x128xi32, #tpu.memory_space<vmem>>
      %dma_start3A_187 = tpu.memref_squeeze %dma_start3A_186 : memref<1x128xi32, #tpu.memory_space<vmem>> -> memref<128xi32, #tpu.memory_space<vmem>>
      %dma_start3A_188 = arith.constant 0 : i32
      %dma_start3A_189 = arith.constant 0 : i32
      %dma_start3A_190 = tpu.memref_slice %arg6[%dma_start3A_188, %dma_start3A_189] : memref<10048x128xf32, #tpu.memory_space<vmem_shared>> -> memref<10048x128xf32, #tpu.memory_space<vmem_shared>>
      tpu.enqueue_indirect_dma source(%arg9 : memref<128x128xf32, #tpu.memory_space<vmem>>) target(%dma_start3A_190 : memref<10048x128xf32, #tpu.memory_space<vmem_shared>>) offsets(%dma_start3A_187 : memref<128xi32, #tpu.memory_space<vmem>>) semaphore(%arg13 : memref<!tpu.dma_semaphore, #tpu.memory_space<semaphore_mem>>) {add = true}
      %dma_start3A_191 = arith.constant 0 : i32
      %dma_start3A_192 = tpu.memref_slice %arg8[%mul3A_167, %dma_start3A_191] : memref<20x128xi32, #tpu.memory_space<vmem>> -> memref<1x128xi32, #tpu.memory_space<vmem>>
      %dma_start3A_193 = tpu.memref_squeeze %dma_start3A_192 : memref<1x128xi32, #tpu.memory_space<vmem>> -> memref<128xi32, #tpu.memory_space<vmem>>
      %dma_start3A_194 = arith.constant 0 : i32
      %dma_start3A_195 = arith.constant 0 : i32
      %dma_start3A_196 = tpu.memref_slice %arg16[%dma_start3A_194, %dma_start3A_195] : memref<10048x16xf32, #tpu.memory_space<vmem_shared>> -> memref<10048x16xf32, #tpu.memory_space<vmem_shared>>
      tpu.enqueue_indirect_dma source(%arg15 : memref<128x16xf32, #tpu.memory_space<vmem>>) target(%dma_start3A_196 : memref<10048x16xf32, #tpu.memory_space<vmem_shared>>) offsets(%dma_start3A_193 : memref<128xi32, #tpu.memory_space<vmem>>) semaphore(%arg13 : memref<!tpu.dma_semaphore, #tpu.memory_space<semaphore_mem>>) {add = true}
      %dma_wait3A_197 = arith.constant 0 : i32
      %dma_wait3A_198 = arith.constant 0 : i32
      %dma_wait3A_199 = tpu.memref_slice %arg7[%dma_wait3A_197, %dma_wait3A_198] : memref<20x128xi32, #tpu.memory_space<vmem>> -> memref<1x128xi32, #tpu.memory_space<vmem>>
      %dma_wait3A_200 = tpu.memref_squeeze %dma_wait3A_199 : memref<1x128xi32, #tpu.memory_space<vmem>> -> memref<128xi32, #tpu.memory_space<vmem>>
      %dma_wait3A_201 = arith.constant 0 : i32
      %dma_wait3A_202 = arith.constant 0 : i32
      %dma_wait3A_203 = tpu.memref_slice %arg2[%dma_wait3A_201, %dma_wait3A_202] : memref<10000x128xf32, #tpu.memory_space<hbm>> -> memref<10000x128xf32, #tpu.memory_space<hbm>>
      tpu.wait_indirect_dma semaphore(%arg12 : memref<!tpu.dma_semaphore, #tpu.memory_space<semaphore_mem>>) src(%dma_wait3A_203 : memref<10000x128xf32, #tpu.memory_space<hbm>>) dst(%arg10 : memref<128x128xf32, #tpu.memory_space<vmem>>)
      %dma_wait3A_204 = arith.constant 0 : i32
      %dma_wait3A_205 = arith.constant 0 : i32
      %dma_wait3A_206 = tpu.memref_slice %arg8[%dma_wait3A_204, %dma_wait3A_205] : memref<20x128xi32, #tpu.memory_space<vmem>> -> memref<1x128xi32, #tpu.memory_space<vmem>>
      %dma_wait3A_207 = tpu.memref_squeeze %dma_wait3A_206 : memref<1x128xi32, #tpu.memory_space<vmem>> -> memref<128xi32, #tpu.memory_space<vmem>>
      %dma_wait3A_208 = arith.constant 0 : i32
      %dma_wait3A_209 = arith.constant 0 : i32
      %dma_wait3A_210 = tpu.memref_slice %arg6[%dma_wait3A_208, %dma_wait3A_209] : memref<10048x128xf32, #tpu.memory_space<vmem_shared>> -> memref<10048x128xf32, #tpu.memory_space<vmem_shared>>
      tpu.wait_indirect_dma semaphore(%arg13 : memref<!tpu.dma_semaphore, #tpu.memory_space<semaphore_mem>>) src(%arg9 : memref<128x128xf32, #tpu.memory_space<vmem>>) dst(%dma_wait3A_210 : memref<10048x128xf32, #tpu.memory_space<vmem_shared>>)
      %dma_wait3A_211 = arith.constant 0 : i32
      %dma_wait3A_212 = arith.constant 0 : i32
      %dma_wait3A_213 = tpu.memref_slice %arg8[%dma_wait3A_211, %dma_wait3A_212] : memref<20x128xi32, #tpu.memory_space<vmem>> -> memref<1x128xi32, #tpu.memory_space<vmem>>
      %dma_wait3A_214 = tpu.memref_squeeze %dma_wait3A_213 : memref<1x128xi32, #tpu.memory_space<vmem>> -> memref<128xi32, #tpu.memory_space<vmem>>
      %dma_wait3A_215 = arith.constant 0 : i32
      %dma_wait3A_216 = arith.constant 0 : i32
      %dma_wait3A_217 = tpu.memref_slice %arg16[%dma_wait3A_215, %dma_wait3A_216] : memref<10048x16xf32, #tpu.memory_space<vmem_shared>> -> memref<10048x16xf32, #tpu.memory_space<vmem_shared>>
      tpu.wait_indirect_dma semaphore(%arg13 : memref<!tpu.dma_semaphore, #tpu.memory_space<semaphore_mem>>) src(%arg15 : memref<128x16xf32, #tpu.memory_space<vmem>>) dst(%dma_wait3A_217 : memref<10048x16xf32, #tpu.memory_space<vmem_shared>>)
      %add3A_218 = arith.constant 1 : i32
      %add3A_219 = arith.addi %scan3A_164, %add3A_218 : i32
      %lt3A = arith.constant 10 : i32
      %lt3A_220 = arith.cmpi slt, %add3A_219, %lt3A : i32
      %convert_element_type3A_221 = arith.extui %lt3A_220 : i1 to i32
      %cond3A_222 = arith.constant 0 : i32
      %cond3A_223 = arith.cmpi ne, %convert_element_type3A_221, %cond3A_222 : i32
      scf.if %cond3A_223 {
        %add3A_239 = arith.constant 2 : i32
        %add3A_240 = arith.addi %mul3A_167, %add3A_239 : i32
        %dma_start3A_241 = arith.constant 0 : i32
        %dma_start3A_242 = tpu.memref_slice %arg7[%add3A_240, %dma_start3A_241] : memref<20x128xi32, #tpu.memory_space<vmem>> -> memref<1x128xi32, #tpu.memory_space<vmem>>
        %dma_start3A_243 = tpu.memref_squeeze %dma_start3A_242 : memref<1x128xi32, #tpu.memory_space<vmem>> -> memref<128xi32, #tpu.memory_space<vmem>>
        %dma_start3A_244 = arith.constant 0 : i32
        %dma_start3A_245 = arith.constant 0 : i32
        %dma_start3A_246 = tpu.memref_slice %arg2[%dma_start3A_244, %dma_start3A_245] : memref<10000x128xf32, #tpu.memory_space<hbm>> -> memref<10000x128xf32, #tpu.memory_space<hbm>>
        tpu.enqueue_indirect_dma source(%dma_start3A_246 : memref<10000x128xf32, #tpu.memory_space<hbm>>) target(%arg9 : memref<128x128xf32, #tpu.memory_space<vmem>>) offsets(%dma_start3A_243 : memref<128xi32, #tpu.memory_space<vmem>>) semaphore(%arg11 : memref<!tpu.dma_semaphore, #tpu.memory_space<semaphore_mem>>)
      } else {
      }
      %add3A_224 = arith.constant 1 : i32
      %add3A_225 = arith.addi %mul3A_167, %add3A_224 : i32
      %dma_start3A_226 = arith.constant 0 : i32
      %dma_start3A_227 = tpu.memref_slice %arg8[%add3A_225, %dma_start3A_226] : memref<20x128xi32, #tpu.memory_space<vmem>> -> memref<1x128xi32, #tpu.memory_space<vmem>>
      %dma_start3A_228 = tpu.memref_squeeze %dma_start3A_227 : memref<1x128xi32, #tpu.memory_space<vmem>> -> memref<128xi32, #tpu.memory_space<vmem>>
      %dma_start3A_229 = arith.constant 0 : i32
      %dma_start3A_230 = arith.constant 0 : i32
      %dma_start3A_231 = tpu.memref_slice %arg6[%dma_start3A_229, %dma_start3A_230] : memref<10048x128xf32, #tpu.memory_space<vmem_shared>> -> memref<10048x128xf32, #tpu.memory_space<vmem_shared>>
      tpu.enqueue_indirect_dma source(%arg10 : memref<128x128xf32, #tpu.memory_space<vmem>>) target(%dma_start3A_231 : memref<10048x128xf32, #tpu.memory_space<vmem_shared>>) offsets(%dma_start3A_228 : memref<128xi32, #tpu.memory_space<vmem>>) semaphore(%arg14 : memref<!tpu.dma_semaphore, #tpu.memory_space<semaphore_mem>>) {add = true}
      %dma_start3A_232 = arith.constant 0 : i32
      %dma_start3A_233 = tpu.memref_slice %arg8[%add3A_225, %dma_start3A_232] : memref<20x128xi32, #tpu.memory_space<vmem>> -> memref<1x128xi32, #tpu.memory_space<vmem>>
      %dma_start3A_234 = tpu.memref_squeeze %dma_start3A_233 : memref<1x128xi32, #tpu.memory_space<vmem>> -> memref<128xi32, #tpu.memory_space<vmem>>
      %dma_start3A_235 = arith.constant 0 : i32
      %dma_start3A_236 = arith.constant 0 : i32
      %dma_start3A_237 = tpu.memref_slice %arg16[%dma_start3A_235, %dma_start3A_236] : memref<10048x16xf32, #tpu.memory_space<vmem_shared>> -> memref<10048x16xf32, #tpu.memory_space<vmem_shared>>
      tpu.enqueue_indirect_dma source(%arg15 : memref<128x16xf32, #tpu.memory_space<vmem>>) target(%dma_start3A_237 : memref<10048x16xf32, #tpu.memory_space<vmem_shared>>) offsets(%dma_start3A_234 : memref<128xi32, #tpu.memory_space<vmem>>) semaphore(%arg14 : memref<!tpu.dma_semaphore, #tpu.memory_space<semaphore_mem>>) {add = true}
      %scan3A_238 = arith.constant 0 : i32
      scf.yield %scan3A_238 : i32
    }
    %scan3A_118 = arith.constant 10 : i32
    %dma_wait3A_119 = arith.constant 0 : i32
    %dma_wait3A_120 = arith.constant 0 : i32
    %dma_wait3A_121 = tpu.memref_slice %arg8[%dma_wait3A_119, %dma_wait3A_120] : memref<20x128xi32, #tpu.memory_space<vmem>> -> memref<1x128xi32, #tpu.memory_space<vmem>>
    %dma_wait3A_122 = tpu.memref_squeeze %dma_wait3A_121 : memref<1x128xi32, #tpu.memory_space<vmem>> -> memref<128xi32, #tpu.memory_space<vmem>>
    %dma_wait3A_123 = arith.constant 0 : i32
    %dma_wait3A_124 = arith.constant 0 : i32
    %dma_wait3A_125 = tpu.memref_slice %arg6[%dma_wait3A_123, %dma_wait3A_124] : memref<10048x128xf32, #tpu.memory_space<vmem_shared>> -> memref<10048x128xf32, #tpu.memory_space<vmem_shared>>
    tpu.wait_indirect_dma semaphore(%arg14 : memref<!tpu.dma_semaphore, #tpu.memory_space<semaphore_mem>>) src(%arg10 : memref<128x128xf32, #tpu.memory_space<vmem>>) dst(%dma_wait3A_125 : memref<10048x128xf32, #tpu.memory_space<vmem_shared>>)
    %dma_wait3A_126 = arith.constant 0 : i32
    %dma_wait3A_127 = arith.constant 0 : i32
    %dma_wait3A_128 = tpu.memref_slice %arg8[%dma_wait3A_126, %dma_wait3A_127] : memref<20x128xi32, #tpu.memory_space<vmem>> -> memref<1x128xi32, #tpu.memory_space<vmem>>
    %dma_wait3A_129 = tpu.memref_squeeze %dma_wait3A_128 : memref<1x128xi32, #tpu.memory_space<vmem>> -> memref<128xi32, #tpu.memory_space<vmem>>
    %dma_wait3A_130 = arith.constant 0 : i32
    %dma_wait3A_131 = arith.constant 0 : i32
    %dma_wait3A_132 = tpu.memref_slice %arg16[%dma_wait3A_130, %dma_wait3A_131] : memref<10048x16xf32, #tpu.memory_space<vmem_shared>> -> memref<10048x16xf32, #tpu.memory_space<vmem_shared>>
    tpu.wait_indirect_dma semaphore(%arg14 : memref<!tpu.dma_semaphore, #tpu.memory_space<semaphore_mem>>) src(%arg15 : memref<128x16xf32, #tpu.memory_space<vmem>>) dst(%dma_wait3A_132 : memref<10048x16xf32, #tpu.memory_space<vmem_shared>>)
    %run_scoped3A_133 = arith.constant 0 : i32
    "tpu.region"() ({
      %run_scoped3A_164 = tpu.sem_alloc : memref<!tpu.dma_semaphore, #tpu.memory_space<semaphore_mem>>
      %dma_start3A_165 = arith.constant 60 : i32
      %dma_start3A_166 = arith.constant 0 : i32
      %dma_start3A_167 = tpu.memref_slice %arg3[%run_scoped3A_133, %add3A, %dma_start3A_165, %dma_start3A_166] : memref<2x32x80x128xi32, #tpu.memory_space<hbm>> -> memref<1x1x20x128xi32, #tpu.memory_space<hbm>>
      %dma_start3A_168 = tpu.memref_squeeze %dma_start3A_167 : memref<1x1x20x128xi32, #tpu.memory_space<hbm>> -> memref<20x128xi32, #tpu.memory_space<hbm>>
      %dma_start3A_169 = arith.constant 60 : i32
      %dma_start3A_170 = arith.constant 0 : i32
      %dma_start3A_171 = tpu.memref_slice %arg3[%run_scoped3A_133, %add3A, %dma_start3A_169, %dma_start3A_170] : memref<2x32x80x128xi32, #tpu.memory_space<hbm>> -> memref<1x1x20x128xi32, #tpu.memory_space<hbm>>
      %dma_start3A_172 = tpu.memref_squeeze %dma_start3A_171 : memref<1x1x20x128xi32, #tpu.memory_space<hbm>> -> memref<20x128xi32, #tpu.memory_space<hbm>>
      tpu.enqueue_dma source(%dma_start3A_172 : memref<20x128xi32, #tpu.memory_space<hbm>>) target(%arg7 : memref<20x128xi32, #tpu.memory_space<vmem>>) target_semaphore(%run_scoped3A_164 : memref<!tpu.dma_semaphore, #tpu.memory_space<semaphore_mem>>)
      %dma_wait3A_173 = arith.constant 60 : i32
      %dma_wait3A_174 = arith.constant 0 : i32
      %dma_wait3A_175 = tpu.memref_slice %arg3[%run_scoped3A_133, %add3A, %dma_wait3A_173, %dma_wait3A_174] : memref<2x32x80x128xi32, #tpu.memory_space<hbm>> -> memref<1x1x20x128xi32, #tpu.memory_space<hbm>>
      %dma_wait3A_176 = tpu.memref_squeeze %dma_wait3A_175 : memref<1x1x20x128xi32, #tpu.memory_space<hbm>> -> memref<20x128xi32, #tpu.memory_space<hbm>>
      %dma_wait3A_177 = arith.constant 60 : i32
      %dma_wait3A_178 = arith.constant 0 : i32
      %dma_wait3A_179 = tpu.memref_slice %arg3[%run_scoped3A_133, %add3A, %dma_wait3A_177, %dma_wait3A_178] : memref<2x32x80x128xi32, #tpu.memory_space<hbm>> -> memref<1x1x20x128xi32, #tpu.memory_space<hbm>>
      %dma_wait3A_180 = tpu.memref_squeeze %dma_wait3A_179 : memref<1x1x20x128xi32, #tpu.memory_space<hbm>> -> memref<20x128xi32, #tpu.memory_space<hbm>>
      tpu.wait_dma2 semaphore(%run_scoped3A_164 : memref<!tpu.dma_semaphore, #tpu.memory_space<semaphore_mem>>) src(%dma_wait3A_180 : memref<20x128xi32, #tpu.memory_space<hbm>>) dst(%arg7 : memref<20x128xi32, #tpu.memory_space<vmem>>)
      tpu.yield
    }) : () -> ()
    %run_scoped3A_134 = arith.constant 1 : i32
    "tpu.region"() ({
      %run_scoped3A_164 = tpu.sem_alloc : memref<!tpu.dma_semaphore, #tpu.memory_space<semaphore_mem>>
      %dma_start3A_165 = arith.constant 60 : i32
      %dma_start3A_166 = arith.constant 0 : i32
      %dma_start3A_167 = tpu.memref_slice %arg3[%run_scoped3A_134, %add3A, %dma_start3A_165, %dma_start3A_166] : memref<2x32x80x128xi32, #tpu.memory_space<hbm>> -> memref<1x1x20x128xi32, #tpu.memory_space<hbm>>
      %dma_start3A_168 = tpu.memref_squeeze %dma_start3A_167 : memref<1x1x20x128xi32, #tpu.memory_space<hbm>> -> memref<20x128xi32, #tpu.memory_space<hbm>>
      %dma_start3A_169 = arith.constant 60 : i32
      %dma_start3A_170 = arith.constant 0 : i32
      %dma_start3A_171 = tpu.memref_slice %arg3[%run_scoped3A_134, %add3A, %dma_start3A_169, %dma_start3A_170] : memref<2x32x80x128xi32, #tpu.memory_space<hbm>> -> memref<1x1x20x128xi32, #tpu.memory_space<hbm>>
      %dma_start3A_172 = tpu.memref_squeeze %dma_start3A_171 : memref<1x1x20x128xi32, #tpu.memory_space<hbm>> -> memref<20x128xi32, #tpu.memory_space<hbm>>
      tpu.enqueue_dma source(%dma_start3A_172 : memref<20x128xi32, #tpu.memory_space<hbm>>) target(%arg8 : memref<20x128xi32, #tpu.memory_space<vmem>>) target_semaphore(%run_scoped3A_164 : memref<!tpu.dma_semaphore, #tpu.memory_space<semaphore_mem>>)
      %dma_wait3A_173 = arith.constant 60 : i32
      %dma_wait3A_174 = arith.constant 0 : i32
      %dma_wait3A_175 = tpu.memref_slice %arg3[%run_scoped3A_134, %add3A, %dma_wait3A_173, %dma_wait3A_174] : memref<2x32x80x128xi32, #tpu.memory_space<hbm>> -> memref<1x1x20x128xi32, #tpu.memory_space<hbm>>
      %dma_wait3A_176 = tpu.memref_squeeze %dma_wait3A_175 : memref<1x1x20x128xi32, #tpu.memory_space<hbm>> -> memref<20x128xi32, #tpu.memory_space<hbm>>
      %dma_wait3A_177 = arith.constant 60 : i32
      %dma_wait3A_178 = arith.constant 0 : i32
      %dma_wait3A_179 = tpu.memref_slice %arg3[%run_scoped3A_134, %add3A, %dma_wait3A_177, %dma_wait3A_178] : memref<2x32x80x128xi32, #tpu.memory_space<hbm>> -> memref<1x1x20x128xi32, #tpu.memory_space<hbm>>
      %dma_wait3A_180 = tpu.memref_squeeze %dma_wait3A_179 : memref<1x1x20x128xi32, #tpu.memory_space<hbm>> -> memref<20x128xi32, #tpu.memory_space<hbm>>
      tpu.wait_dma2 semaphore(%run_scoped3A_164 : memref<!tpu.dma_semaphore, #tpu.memory_space<semaphore_mem>>) src(%dma_wait3A_180 : memref<20x128xi32, #tpu.memory_space<hbm>>) dst(%arg8 : memref<20x128xi32, #tpu.memory_space<vmem>>)
      tpu.yield
    }) : () -> ()
    %dma_start3A_135 = arith.constant 0 : i32
    %dma_start3A_136 = arith.constant 0 : i32
    %dma_start3A_137 = tpu.memref_slice %arg7[%dma_start3A_135, %dma_start3A_136] : memref<20x128xi32, #tpu.memory_space<vmem>> -> memref<1x128xi32, #tpu.memory_space<vmem>>
    %dma_start3A_138 = tpu.memref_squeeze %dma_start3A_137 : memref<1x128xi32, #tpu.memory_space<vmem>> -> memref<128xi32, #tpu.memory_space<vmem>>
    %dma_start3A_139 = arith.constant 0 : i32
    %dma_start3A_140 = arith.constant 0 : i32
    %dma_start3A_141 = tpu.memref_slice %arg2[%dma_start3A_139, %dma_start3A_140] : memref<10000x128xf32, #tpu.memory_space<hbm>> -> memref<10000x128xf32, #tpu.memory_space<hbm>>
    tpu.enqueue_indirect_dma source(%dma_start3A_141 : memref<10000x128xf32, #tpu.memory_space<hbm>>) target(%arg9 : memref<128x128xf32, #tpu.memory_space<vmem>>) offsets(%dma_start3A_138 : memref<128xi32, #tpu.memory_space<vmem>>) semaphore(%arg11 : memref<!tpu.dma_semaphore, #tpu.memory_space<semaphore_mem>>)
    %scan3A_142 = arith.constant 0 : i32
    %scan3A_143 = arith.constant 0 : i32
    %scan3A_144 = arith.constant 10 : i32
    %scan3A_145 = arith.addi %scan3A_143, %scan3A_144 : i32
    %scan3A_146 = arith.constant 1 : i32
    %scan3A_147 = scf.for %scan3A_164 = %scan3A_143 to %scan3A_145 step %scan3A_146 iter_args(%scan3A_165 = %scan3A_142) -> (i32)  : i32 {
      %mul3A_166 = arith.constant 2 : i32
      %mul3A_167 = arith.muli %mul3A_166, %scan3A_164 : i32
      %dma_wait3A_168 = arith.constant 0 : i32
      %dma_wait3A_169 = arith.constant 0 : i32
      %dma_wait3A_170 = tpu.memref_slice %arg7[%dma_wait3A_168, %dma_wait3A_169] : memref<20x128xi32, #tpu.memory_space<vmem>> -> memref<1x128xi32, #tpu.memory_space<vmem>>
      %dma_wait3A_171 = tpu.memref_squeeze %dma_wait3A_170 : memref<1x128xi32, #tpu.memory_space<vmem>> -> memref<128xi32, #tpu.memory_space<vmem>>
      %dma_wait3A_172 = arith.constant 0 : i32
      %dma_wait3A_173 = arith.constant 0 : i32
      %dma_wait3A_174 = tpu.memref_slice %arg2[%dma_wait3A_172, %dma_wait3A_173] : memref<10000x128xf32, #tpu.memory_space<hbm>> -> memref<10000x128xf32, #tpu.memory_space<hbm>>
      tpu.wait_indirect_dma semaphore(%arg11 : memref<!tpu.dma_semaphore, #tpu.memory_space<semaphore_mem>>) src(%dma_wait3A_174 : memref<10000x128xf32, #tpu.memory_space<hbm>>) dst(%arg9 : memref<128x128xf32, #tpu.memory_space<vmem>>)
      %gt3A = arith.constant 0 : i32
      %gt3A_175 = arith.cmpi sgt, %scan3A_164, %gt3A : i32
      %convert_element_type3A = arith.extui %gt3A_175 : i1 to i32
      %cond3A = arith.constant 0 : i32
      %cond3A_176 = arith.cmpi ne, %convert_element_type3A, %cond3A : i32
      scf.if %cond3A_176 {
        %dma_wait3A_239 = arith.constant 0 : i32
        %dma_wait3A_240 = arith.constant 0 : i32
        %dma_wait3A_241 = tpu.memref_slice %arg8[%dma_wait3A_239, %dma_wait3A_240] : memref<20x128xi32, #tpu.memory_space<vmem>> -> memref<1x128xi32, #tpu.memory_space<vmem>>
        %dma_wait3A_242 = tpu.memref_squeeze %dma_wait3A_241 : memref<1x128xi32, #tpu.memory_space<vmem>> -> memref<128xi32, #tpu.memory_space<vmem>>
        %dma_wait3A_243 = arith.constant 0 : i32
        %dma_wait3A_244 = arith.constant 0 : i32
        %dma_wait3A_245 = tpu.memref_slice %arg6[%dma_wait3A_243, %dma_wait3A_244] : memref<10048x128xf32, #tpu.memory_space<vmem_shared>> -> memref<10048x128xf32, #tpu.memory_space<vmem_shared>>
        tpu.wait_indirect_dma semaphore(%arg14 : memref<!tpu.dma_semaphore, #tpu.memory_space<semaphore_mem>>) src(%arg10 : memref<128x128xf32, #tpu.memory_space<vmem>>) dst(%dma_wait3A_245 : memref<10048x128xf32, #tpu.memory_space<vmem_shared>>)
        %dma_wait3A_246 = arith.constant 0 : i32
        %dma_wait3A_247 = arith.constant 0 : i32
        %dma_wait3A_248 = tpu.memref_slice %arg8[%dma_wait3A_246, %dma_wait3A_247] : memref<20x128xi32, #tpu.memory_space<vmem>> -> memref<1x128xi32, #tpu.memory_space<vmem>>
        %dma_wait3A_249 = tpu.memref_squeeze %dma_wait3A_248 : memref<1x128xi32, #tpu.memory_space<vmem>> -> memref<128xi32, #tpu.memory_space<vmem>>
        %dma_wait3A_250 = arith.constant 0 : i32
        %dma_wait3A_251 = arith.constant 0 : i32
        %dma_wait3A_252 = tpu.memref_slice %arg16[%dma_wait3A_250, %dma_wait3A_251] : memref<10048x16xf32, #tpu.memory_space<vmem_shared>> -> memref<10048x16xf32, #tpu.memory_space<vmem_shared>>
        tpu.wait_indirect_dma semaphore(%arg14 : memref<!tpu.dma_semaphore, #tpu.memory_space<semaphore_mem>>) src(%arg15 : memref<128x16xf32, #tpu.memory_space<vmem>>) dst(%dma_wait3A_252 : memref<10048x16xf32, #tpu.memory_space<vmem_shared>>)
      } else {
      }
      %add3A_177 = arith.constant 1 : i32
      %add3A_178 = arith.addi %mul3A_167, %add3A_177 : i32
      %dma_start3A_179 = arith.constant 0 : i32
      %dma_start3A_180 = tpu.memref_slice %arg7[%add3A_178, %dma_start3A_179] : memref<20x128xi32, #tpu.memory_space<vmem>> -> memref<1x128xi32, #tpu.memory_space<vmem>>
      %dma_start3A_181 = tpu.memref_squeeze %dma_start3A_180 : memref<1x128xi32, #tpu.memory_space<vmem>> -> memref<128xi32, #tpu.memory_space<vmem>>
      %dma_start3A_182 = arith.constant 0 : i32
      %dma_start3A_183 = arith.constant 0 : i32
      %dma_start3A_184 = tpu.memref_slice %arg2[%dma_start3A_182, %dma_start3A_183] : memref<10000x128xf32, #tpu.memory_space<hbm>> -> memref<10000x128xf32, #tpu.memory_space<hbm>>
      tpu.enqueue_indirect_dma source(%dma_start3A_184 : memref<10000x128xf32, #tpu.memory_space<hbm>>) target(%arg10 : memref<128x128xf32, #tpu.memory_space<vmem>>) offsets(%dma_start3A_181 : memref<128xi32, #tpu.memory_space<vmem>>) semaphore(%arg12 : memref<!tpu.dma_semaphore, #tpu.memory_space<semaphore_mem>>)
      %dma_start3A_185 = arith.constant 0 : i32
      %dma_start3A_186 = tpu.memref_slice %arg8[%mul3A_167, %dma_start3A_185] : memref<20x128xi32, #tpu.memory_space<vmem>> -> memref<1x128xi32, #tpu.memory_space<vmem>>
      %dma_start3A_187 = tpu.memref_squeeze %dma_start3A_186 : memref<1x128xi32, #tpu.memory_space<vmem>> -> memref<128xi32, #tpu.memory_space<vmem>>
      %dma_start3A_188 = arith.constant 0 : i32
      %dma_start3A_189 = arith.constant 0 : i32
      %dma_start3A_190 = tpu.memref_slice %arg6[%dma_start3A_188, %dma_start3A_189] : memref<10048x128xf32, #tpu.memory_space<vmem_shared>> -> memref<10048x128xf32, #tpu.memory_space<vmem_shared>>
      tpu.enqueue_indirect_dma source(%arg9 : memref<128x128xf32, #tpu.memory_space<vmem>>) target(%dma_start3A_190 : memref<10048x128xf32, #tpu.memory_space<vmem_shared>>) offsets(%dma_start3A_187 : memref<128xi32, #tpu.memory_space<vmem>>) semaphore(%arg13 : memref<!tpu.dma_semaphore, #tpu.memory_space<semaphore_mem>>) {add = true}
      %dma_start3A_191 = arith.constant 0 : i32
      %dma_start3A_192 = tpu.memref_slice %arg8[%mul3A_167, %dma_start3A_191] : memref<20x128xi32, #tpu.memory_space<vmem>> -> memref<1x128xi32, #tpu.memory_space<vmem>>
      %dma_start3A_193 = tpu.memref_squeeze %dma_start3A_192 : memref<1x128xi32, #tpu.memory_space<vmem>> -> memref<128xi32, #tpu.memory_space<vmem>>
      %dma_start3A_194 = arith.constant 0 : i32
      %dma_start3A_195 = arith.constant 0 : i32
      %dma_start3A_196 = tpu.memref_slice %arg16[%dma_start3A_194, %dma_start3A_195] : memref<10048x16xf32, #tpu.memory_space<vmem_shared>> -> memref<10048x16xf32, #tpu.memory_space<vmem_shared>>
      tpu.enqueue_indirect_dma source(%arg15 : memref<128x16xf32, #tpu.memory_space<vmem>>) target(%dma_start3A_196 : memref<10048x16xf32, #tpu.memory_space<vmem_shared>>) offsets(%dma_start3A_193 : memref<128xi32, #tpu.memory_space<vmem>>) semaphore(%arg13 : memref<!tpu.dma_semaphore, #tpu.memory_space<semaphore_mem>>) {add = true}
      %dma_wait3A_197 = arith.constant 0 : i32
      %dma_wait3A_198 = arith.constant 0 : i32
      %dma_wait3A_199 = tpu.memref_slice %arg7[%dma_wait3A_197, %dma_wait3A_198] : memref<20x128xi32, #tpu.memory_space<vmem>> -> memref<1x128xi32, #tpu.memory_space<vmem>>
      %dma_wait3A_200 = tpu.memref_squeeze %dma_wait3A_199 : memref<1x128xi32, #tpu.memory_space<vmem>> -> memref<128xi32, #tpu.memory_space<vmem>>
      %dma_wait3A_201 = arith.constant 0 : i32
      %dma_wait3A_202 = arith.constant 0 : i32
      %dma_wait3A_203 = tpu.memref_slice %arg2[%dma_wait3A_201, %dma_wait3A_202] : memref<10000x128xf32, #tpu.memory_space<hbm>> -> memref<10000x128xf32, #tpu.memory_space<hbm>>
      tpu.wait_indirect_dma semaphore(%arg12 : memref<!tpu.dma_semaphore, #tpu.memory_space<semaphore_mem>>) src(%dma_wait3A_203 : memref<10000x128xf32, #tpu.memory_space<hbm>>) dst(%arg10 : memref<128x128xf32, #tpu.memory_space<vmem>>)
      %dma_wait3A_204 = arith.constant 0 : i32
      %dma_wait3A_205 = arith.constant 0 : i32
      %dma_wait3A_206 = tpu.memref_slice %arg8[%dma_wait3A_204, %dma_wait3A_205] : memref<20x128xi32, #tpu.memory_space<vmem>> -> memref<1x128xi32, #tpu.memory_space<vmem>>
      %dma_wait3A_207 = tpu.memref_squeeze %dma_wait3A_206 : memref<1x128xi32, #tpu.memory_space<vmem>> -> memref<128xi32, #tpu.memory_space<vmem>>
      %dma_wait3A_208 = arith.constant 0 : i32
      %dma_wait3A_209 = arith.constant 0 : i32
      %dma_wait3A_210 = tpu.memref_slice %arg6[%dma_wait3A_208, %dma_wait3A_209] : memref<10048x128xf32, #tpu.memory_space<vmem_shared>> -> memref<10048x128xf32, #tpu.memory_space<vmem_shared>>
      tpu.wait_indirect_dma semaphore(%arg13 : memref<!tpu.dma_semaphore, #tpu.memory_space<semaphore_mem>>) src(%arg9 : memref<128x128xf32, #tpu.memory_space<vmem>>) dst(%dma_wait3A_210 : memref<10048x128xf32, #tpu.memory_space<vmem_shared>>)
      %dma_wait3A_211 = arith.constant 0 : i32
      %dma_wait3A_212 = arith.constant 0 : i32
      %dma_wait3A_213 = tpu.memref_slice %arg8[%dma_wait3A_211, %dma_wait3A_212] : memref<20x128xi32, #tpu.memory_space<vmem>> -> memref<1x128xi32, #tpu.memory_space<vmem>>
      %dma_wait3A_214 = tpu.memref_squeeze %dma_wait3A_213 : memref<1x128xi32, #tpu.memory_space<vmem>> -> memref<128xi32, #tpu.memory_space<vmem>>
      %dma_wait3A_215 = arith.constant 0 : i32
      %dma_wait3A_216 = arith.constant 0 : i32
      %dma_wait3A_217 = tpu.memref_slice %arg16[%dma_wait3A_215, %dma_wait3A_216] : memref<10048x16xf32, #tpu.memory_space<vmem_shared>> -> memref<10048x16xf32, #tpu.memory_space<vmem_shared>>
      tpu.wait_indirect_dma semaphore(%arg13 : memref<!tpu.dma_semaphore, #tpu.memory_space<semaphore_mem>>) src(%arg15 : memref<128x16xf32, #tpu.memory_space<vmem>>) dst(%dma_wait3A_217 : memref<10048x16xf32, #tpu.memory_space<vmem_shared>>)
      %add3A_218 = arith.constant 1 : i32
      %add3A_219 = arith.addi %scan3A_164, %add3A_218 : i32
      %lt3A = arith.constant 10 : i32
      %lt3A_220 = arith.cmpi slt, %add3A_219, %lt3A : i32
      %convert_element_type3A_221 = arith.extui %lt3A_220 : i1 to i32
      %cond3A_222 = arith.constant 0 : i32
      %cond3A_223 = arith.cmpi ne, %convert_element_type3A_221, %cond3A_222 : i32
      scf.if %cond3A_223 {
        %add3A_239 = arith.constant 2 : i32
        %add3A_240 = arith.addi %mul3A_167, %add3A_239 : i32
        %dma_start3A_241 = arith.constant 0 : i32
        %dma_start3A_242 = tpu.memref_slice %arg7[%add3A_240, %dma_start3A_241] : memref<20x128xi32, #tpu.memory_space<vmem>> -> memref<1x128xi32, #tpu.memory_space<vmem>>
        %dma_start3A_243 = tpu.memref_squeeze %dma_start3A_242 : memref<1x128xi32, #tpu.memory_space<vmem>> -> memref<128xi32, #tpu.memory_space<vmem>>
        %dma_start3A_244 = arith.constant 0 : i32
        %dma_start3A_245 = arith.constant 0 : i32
        %dma_start3A_246 = tpu.memref_slice %arg2[%dma_start3A_244, %dma_start3A_245] : memref<10000x128xf32, #tpu.memory_space<hbm>> -> memref<10000x128xf32, #tpu.memory_space<hbm>>
        tpu.enqueue_indirect_dma source(%dma_start3A_246 : memref<10000x128xf32, #tpu.memory_space<hbm>>) target(%arg9 : memref<128x128xf32, #tpu.memory_space<vmem>>) offsets(%dma_start3A_243 : memref<128xi32, #tpu.memory_space<vmem>>) semaphore(%arg11 : memref<!tpu.dma_semaphore, #tpu.memory_space<semaphore_mem>>)
      } else {
      }
      %add3A_224 = arith.constant 1 : i32
      %add3A_225 = arith.addi %mul3A_167, %add3A_224 : i32
      %dma_start3A_226 = arith.constant 0 : i32
      %dma_start3A_227 = tpu.memref_slice %arg8[%add3A_225, %dma_start3A_226] : memref<20x128xi32, #tpu.memory_space<vmem>> -> memref<1x128xi32, #tpu.memory_space<vmem>>
      %dma_start3A_228 = tpu.memref_squeeze %dma_start3A_227 : memref<1x128xi32, #tpu.memory_space<vmem>> -> memref<128xi32, #tpu.memory_space<vmem>>
      %dma_start3A_229 = arith.constant 0 : i32
      %dma_start3A_230 = arith.constant 0 : i32
      %dma_start3A_231 = tpu.memref_slice %arg6[%dma_start3A_229, %dma_start3A_230] : memref<10048x128xf32, #tpu.memory_space<vmem_shared>> -> memref<10048x128xf32, #tpu.memory_space<vmem_shared>>
      tpu.enqueue_indirect_dma source(%arg10 : memref<128x128xf32, #tpu.memory_space<vmem>>) target(%dma_start3A_231 : memref<10048x128xf32, #tpu.memory_space<vmem_shared>>) offsets(%dma_start3A_228 : memref<128xi32, #tpu.memory_space<vmem>>) semaphore(%arg14 : memref<!tpu.dma_semaphore, #tpu.memory_space<semaphore_mem>>) {add = true}
      %dma_start3A_232 = arith.constant 0 : i32
      %dma_start3A_233 = tpu.memref_slice %arg8[%add3A_225, %dma_start3A_232] : memref<20x128xi32, #tpu.memory_space<vmem>> -> memref<1x128xi32, #tpu.memory_space<vmem>>
      %dma_start3A_234 = tpu.memref_squeeze %dma_start3A_233 : memref<1x128xi32, #tpu.memory_space<vmem>> -> memref<128xi32, #tpu.memory_space<vmem>>
      %dma_start3A_235 = arith.constant 0 : i32
      %dma_start3A_236 = arith.constant 0 : i32
      %dma_start3A_237 = tpu.memref_slice %arg16[%dma_start3A_235, %dma_start3A_236] : memref<10048x16xf32, #tpu.memory_space<vmem_shared>> -> memref<10048x16xf32, #tpu.memory_space<vmem_shared>>
      tpu.enqueue_indirect_dma source(%arg15 : memref<128x16xf32, #tpu.memory_space<vmem>>) target(%dma_start3A_237 : memref<10048x16xf32, #tpu.memory_space<vmem_shared>>) offsets(%dma_start3A_234 : memref<128xi32, #tpu.memory_space<vmem>>) semaphore(%arg14 : memref<!tpu.dma_semaphore, #tpu.memory_space<semaphore_mem>>) {add = true}
      %scan3A_238 = arith.constant 0 : i32
      scf.yield %scan3A_238 : i32
    }
    %scan3A_148 = arith.constant 10 : i32
    %dma_wait3A_149 = arith.constant 0 : i32
    %dma_wait3A_150 = arith.constant 0 : i32
    %dma_wait3A_151 = tpu.memref_slice %arg8[%dma_wait3A_149, %dma_wait3A_150] : memref<20x128xi32, #tpu.memory_space<vmem>> -> memref<1x128xi32, #tpu.memory_space<vmem>>
    %dma_wait3A_152 = tpu.memref_squeeze %dma_wait3A_151 : memref<1x128xi32, #tpu.memory_space<vmem>> -> memref<128xi32, #tpu.memory_space<vmem>>
    %dma_wait3A_153 = arith.constant 0 : i32
    %dma_wait3A_154 = arith.constant 0 : i32
    %dma_wait3A_155 = tpu.memref_slice %arg6[%dma_wait3A_153, %dma_wait3A_154] : memref<10048x128xf32, #tpu.memory_space<vmem_shared>> -> memref<10048x128xf32, #tpu.memory_space<vmem_shared>>
    tpu.wait_indirect_dma semaphore(%arg14 : memref<!tpu.dma_semaphore, #tpu.memory_space<semaphore_mem>>) src(%arg10 : memref<128x128xf32, #tpu.memory_space<vmem>>) dst(%dma_wait3A_155 : memref<10048x128xf32, #tpu.memory_space<vmem_shared>>)
    %dma_wait3A_156 = arith.constant 0 : i32
    %dma_wait3A_157 = arith.constant 0 : i32
    %dma_wait3A_158 = tpu.memref_slice %arg8[%dma_wait3A_156, %dma_wait3A_157] : memref<20x128xi32, #tpu.memory_space<vmem>> -> memref<1x128xi32, #tpu.memory_space<vmem>>
    %dma_wait3A_159 = tpu.memref_squeeze %dma_wait3A_158 : memref<1x128xi32, #tpu.memory_space<vmem>> -> memref<128xi32, #tpu.memory_space<vmem>>
    %dma_wait3A_160 = arith.constant 0 : i32
    %dma_wait3A_161 = arith.constant 0 : i32
    %dma_wait3A_162 = tpu.memref_slice %arg16[%dma_wait3A_160, %dma_wait3A_161] : memref<10048x16xf32, #tpu.memory_space<vmem_shared>> -> memref<10048x16xf32, #tpu.memory_space<vmem_shared>>
    tpu.wait_indirect_dma semaphore(%arg14 : memref<!tpu.dma_semaphore, #tpu.memory_space<semaphore_mem>>) src(%arg15 : memref<128x16xf32, #tpu.memory_space<vmem>>) dst(%dma_wait3A_162 : memref<10048x16xf32, #tpu.memory_space<vmem_shared>>)
    %barrier3A_163 = arith.constant 0 : index
    tpu.barrier barrier_id(%barrier3A_163)
    "tpu.region"() ({
      %run_scoped3A_164 = tpu.sem_alloc : memref<!tpu.dma_semaphore, #tpu.memory_space<semaphore_mem>>
      %dma_start3A_165 = arith.constant 0 : i32
      %dma_start3A_166 = tpu.memref_slice %arg4[%arg0, %mul3A_2, %dma_start3A_165] : memref<2x10048x128xf32, #tpu.memory_space<hbm>> -> memref<1x628x128xf32, #tpu.memory_space<hbm>>
      %dma_start3A_167 = tpu.memref_squeeze %dma_start3A_166 : memref<1x628x128xf32, #tpu.memory_space<hbm>> -> memref<628x128xf32, #tpu.memory_space<hbm>>
      %dma_start3A_168 = arith.constant 0 : i32
      %dma_start3A_169 = tpu.memref_slice %arg6[%mul3A_2, %dma_start3A_168] : memref<10048x128xf32, #tpu.memory_space<vmem_shared>> -> memref<628x128xf32, #tpu.memory_space<vmem_shared>>
      tpu.enqueue_dma source(%dma_start3A_169 : memref<628x128xf32, #tpu.memory_space<vmem_shared>>) target(%dma_start3A_167 : memref<628x128xf32, #tpu.memory_space<hbm>>) target_semaphore(%run_scoped3A_164 : memref<!tpu.dma_semaphore, #tpu.memory_space<semaphore_mem>>)
      %dma_wait3A_170 = arith.constant 0 : i32
      %dma_wait3A_171 = tpu.memref_slice %arg4[%arg0, %mul3A_2, %dma_wait3A_170] : memref<2x10048x128xf32, #tpu.memory_space<hbm>> -> memref<1x628x128xf32, #tpu.memory_space<hbm>>
      %dma_wait3A_172 = tpu.memref_squeeze %dma_wait3A_171 : memref<1x628x128xf32, #tpu.memory_space<hbm>> -> memref<628x128xf32, #tpu.memory_space<hbm>>
      %dma_wait3A_173 = arith.constant 0 : i32
      %dma_wait3A_174 = tpu.memref_slice %arg6[%mul3A_2, %dma_wait3A_173] : memref<10048x128xf32, #tpu.memory_space<vmem_shared>> -> memref<628x128xf32, #tpu.memory_space<vmem_shared>>
      tpu.wait_dma2 semaphore(%run_scoped3A_164 : memref<!tpu.dma_semaphore, #tpu.memory_space<semaphore_mem>>) src(%dma_wait3A_174 : memref<628x128xf32, #tpu.memory_space<vmem_shared>>) dst(%dma_wait3A_172 : memref<628x128xf32, #tpu.memory_space<hbm>>)
      tpu.yield
    }) : () -> ()
    "tpu.region"() ({
      %run_scoped3A_164 = tpu.sem_alloc : memref<!tpu.dma_semaphore, #tpu.memory_space<semaphore_mem>>
      %dma_start3A_165 = arith.constant 0 : i32
      %dma_start3A_166 = tpu.memref_slice %arg5[%arg0, %mul3A_2, %dma_start3A_165] : memref<2x10048x16xf32, #tpu.memory_space<hbm>> -> memref<1x628x16xf32, #tpu.memory_space<hbm>>
      %dma_start3A_167 = tpu.memref_squeeze %dma_start3A_166 : memref<1x628x16xf32, #tpu.memory_space<hbm>> -> memref<628x16xf32, #tpu.memory_space<hbm>>
      %dma_start3A_168 = arith.constant 0 : i32
      %dma_start3A_169 = tpu.memref_slice %arg16[%mul3A_2, %dma_start3A_168] : memref<10048x16xf32, #tpu.memory_space<vmem_shared>> -> memref<628x16xf32, #tpu.memory_space<vmem_shared>>
      tpu.enqueue_dma source(%dma_start3A_169 : memref<628x16xf32, #tpu.memory_space<vmem_shared>>) target(%dma_start3A_167 : memref<628x16xf32, #tpu.memory_space<hbm>>) target_semaphore(%run_scoped3A_164 : memref<!tpu.dma_semaphore, #tpu.memory_space<semaphore_mem>>)
      %dma_wait3A_170 = arith.constant 0 : i32
      %dma_wait3A_171 = tpu.memref_slice %arg5[%arg0, %mul3A_2, %dma_wait3A_170] : memref<2x10048x16xf32, #tpu.memory_space<hbm>> -> memref<1x628x16xf32, #tpu.memory_space<hbm>>
      %dma_wait3A_172 = tpu.memref_squeeze %dma_wait3A_171 : memref<1x628x16xf32, #tpu.memory_space<hbm>> -> memref<628x16xf32, #tpu.memory_space<hbm>>
      %dma_wait3A_173 = arith.constant 0 : i32
      %dma_wait3A_174 = tpu.memref_slice %arg16[%mul3A_2, %dma_wait3A_173] : memref<10048x16xf32, #tpu.memory_space<vmem_shared>> -> memref<628x16xf32, #tpu.memory_space<vmem_shared>>
      tpu.wait_dma2 semaphore(%run_scoped3A_164 : memref<!tpu.dma_semaphore, #tpu.memory_space<semaphore_mem>>) src(%dma_wait3A_174 : memref<628x16xf32, #tpu.memory_space<vmem_shared>>) dst(%dma_wait3A_172 : memref<628x16xf32, #tpu.memory_space<hbm>>)
      tpu.yield
    }) : () -> ()
    return
  }
}

#map = affine_map<(d0, d1) -> (0, 0)>
#map1 = affine_map<(d0, d1) -> (0, 0, 0, 0)>
#map2 = affine_map<(d0, d1) -> (0, 0, 0)>
module attributes {stable_mosaic.version = 14 : i64} {
  func.func @sage_seg_sum_d64(%arg0: i32, %arg1: i32, %arg2: memref<10000x64xf32, #tpu.memory_space<hbm>>, %arg3: memref<2x32x80x128xi32, #tpu.memory_space<hbm>>, %arg4: memref<2x10048x64xf32, #tpu.memory_space<hbm>>, %arg5: memref<10048x64xf32, #tpu.memory_space<vmem_shared>>, %arg6: memref<80x128xi32, #tpu.memory_space<vmem>>, %arg7: memref<80x128xi32, #tpu.memory_space<vmem>>, %arg8: memref<128x64xf32, #tpu.memory_space<vmem>>, %arg9: memref<128x64xf32, #tpu.memory_space<vmem>>, %arg10: memref<128x64xf32, #tpu.memory_space<vmem>>, %arg11: memref<128x64xf32, #tpu.memory_space<vmem>>, %arg12: memref<!tpu.dma_semaphore, #tpu.memory_space<semaphore_mem>>, %arg13: memref<!tpu.dma_semaphore, #tpu.memory_space<semaphore_mem>>, %arg14: memref<!tpu.dma_semaphore, #tpu.memory_space<semaphore_mem>>, %arg15: memref<!tpu.dma_semaphore, #tpu.memory_space<semaphore_mem>>, %arg16: memref<!tpu.dma_semaphore, #tpu.memory_space<semaphore_mem>>, %arg17: memref<!tpu.dma_semaphore, #tpu.memory_space<semaphore_mem>>, %arg18: memref<!tpu.dma_semaphore, #tpu.memory_space<semaphore_mem>>, %arg19: memref<!tpu.dma_semaphore, #tpu.memory_space<semaphore_mem>>, %arg20: memref<128x16xf32, #tpu.memory_space<vmem>>) attributes {dimension_semantics = [#tpu.dimension_semantics<core_parallel>, #tpu.dimension_semantics<subcore_parallel>], iteration_bounds = array<i64: 2, 16>, scalar_prefetch = 0 : i64, scratch_operands = 16 : i64, tpu.core_type = #tpu.core_type<sc_vector_subcore>, window_params = [{transform_indices = #map}, {transform_indices = #map1}, {transform_indices = #map2}]} {
    %mul3A = arith.constant 2 : i32
    %mul3A_0 = arith.muli %arg1, %mul3A : i32
    %add3A = arith.addi %mul3A_0, %arg0 : i32
    %mul3A_1 = arith.constant 628 : i32
    %mul3A_2 = arith.muli %arg1, %mul3A_1 : i32
    %broadcast_in_dim3A = arith.constant 0.000000e+00 : f32
    %broadcast_in_dim3A_3 = vector.broadcast %broadcast_in_dim3A : f32 to vector<16xf32>
    %scan3A = arith.constant 0 : i32
    %scan3A_4 = arith.constant 0 : i32
    %scan3A_5 = arith.constant 128 : i32
    %scan3A_6 = arith.addi %scan3A_4, %scan3A_5 : i32
    %scan3A_7 = arith.constant 1 : i32
    %scan3A_8 = scf.for %scan3A_55 = %scan3A_4 to %scan3A_6 step %scan3A_7 iter_args(%scan3A_56 = %scan3A) -> (i32)  : i32 {
      %swap3A = arith.index_cast %scan3A_55 : i32 to index
      %swap3A_57 = arith.constant 0 : index
      %swap3A_58 = tpu.vector_load %arg8[%swap3A, %swap3A_57] {strides = array<i32>} : memref<128x64xf32, #tpu.memory_space<vmem>>, vector<1x16xf32>,
      %swap3A_59 = vector.shape_cast %swap3A_58 : vector<1x16xf32> to vector<16xf32>
      %swap3A_60 = vector.shape_cast %broadcast_in_dim3A_3 : vector<16xf32> to vector<1x16xf32>
      tpu.vector_store %arg8[%swap3A, %swap3A_57], %swap3A_60 {strides = array<i32>} : memref<128x64xf32, #tpu.memory_space<vmem>>, vector<1x16xf32>,
      %swap3A_61 = arith.index_cast %scan3A_55 : i32 to index
      %swap3A_62 = arith.constant 16 : index
      %swap3A_63 = tpu.vector_load %arg8[%swap3A_61, %swap3A_62] {strides = array<i32>} : memref<128x64xf32, #tpu.memory_space<vmem>>, vector<1x16xf32>,
      %swap3A_64 = vector.shape_cast %swap3A_63 : vector<1x16xf32> to vector<16xf32>
      %swap3A_65 = vector.shape_cast %broadcast_in_dim3A_3 : vector<16xf32> to vector<1x16xf32>
      tpu.vector_store %arg8[%swap3A_61, %swap3A_62], %swap3A_65 {strides = array<i32>} : memref<128x64xf32, #tpu.memory_space<vmem>>, vector<1x16xf32>,
      %swap3A_66 = arith.index_cast %scan3A_55 : i32 to index
      %swap3A_67 = arith.constant 32 : index
      %swap3A_68 = tpu.vector_load %arg8[%swap3A_66, %swap3A_67] {strides = array<i32>} : memref<128x64xf32, #tpu.memory_space<vmem>>, vector<1x16xf32>,
      %swap3A_69 = vector.shape_cast %swap3A_68 : vector<1x16xf32> to vector<16xf32>
      %swap3A_70 = vector.shape_cast %broadcast_in_dim3A_3 : vector<16xf32> to vector<1x16xf32>
      tpu.vector_store %arg8[%swap3A_66, %swap3A_67], %swap3A_70 {strides = array<i32>} : memref<128x64xf32, #tpu.memory_space<vmem>>, vector<1x16xf32>,
      %swap3A_71 = arith.index_cast %scan3A_55 : i32 to index
      %swap3A_72 = arith.constant 48 : index
      %swap3A_73 = tpu.vector_load %arg8[%swap3A_71, %swap3A_72] {strides = array<i32>} : memref<128x64xf32, #tpu.memory_space<vmem>>, vector<1x16xf32>,
      %swap3A_74 = vector.shape_cast %swap3A_73 : vector<1x16xf32> to vector<16xf32>
      %swap3A_75 = vector.shape_cast %broadcast_in_dim3A_3 : vector<16xf32> to vector<1x16xf32>
      tpu.vector_store %arg8[%swap3A_71, %swap3A_72], %swap3A_75 {strides = array<i32>} : memref<128x64xf32, #tpu.memory_space<vmem>>, vector<1x16xf32>,
      %scan3A_76 = arith.constant 0 : i32
      scf.yield %scan3A_76 : i32
    }
    %scan3A_9 = arith.constant 128 : i32
    %add3A_10 = arith.constant 0 : i32
    %add3A_11 = arith.addi %mul3A_2, %add3A_10 : i32
    "tpu.region"() ({
      %run_scoped3A_55 = tpu.sem_alloc : memref<!tpu.dma_semaphore, #tpu.memory_space<semaphore_mem>>
      %dma_start3A_56 = arith.constant 0 : i32
      %dma_start3A_57 = tpu.memref_slice %arg5[%add3A_11, %dma_start3A_56] : memref<10048x64xf32, #tpu.memory_space<vmem_shared>> -> memref<128x64xf32, #tpu.memory_space<vmem_shared>>
      %dma_start3A_58 = arith.constant 0 : i32
      %dma_start3A_59 = tpu.memref_slice %arg5[%add3A_11, %dma_start3A_58] : memref<10048x64xf32, #tpu.memory_space<vmem_shared>> -> memref<128x64xf32, #tpu.memory_space<vmem_shared>>
      tpu.enqueue_dma source(%arg8 : memref<128x64xf32, #tpu.memory_space<vmem>>) target(%dma_start3A_59 : memref<128x64xf32, #tpu.memory_space<vmem_shared>>) target_semaphore(%run_scoped3A_55 : memref<!tpu.dma_semaphore, #tpu.memory_space<semaphore_mem>>)
      %dma_wait3A_60 = arith.constant 0 : i32
      %dma_wait3A_61 = tpu.memref_slice %arg5[%add3A_11, %dma_wait3A_60] : memref<10048x64xf32, #tpu.memory_space<vmem_shared>> -> memref<128x64xf32, #tpu.memory_space<vmem_shared>>
      %dma_wait3A_62 = arith.constant 0 : i32
      %dma_wait3A_63 = tpu.memref_slice %arg5[%add3A_11, %dma_wait3A_62] : memref<10048x64xf32, #tpu.memory_space<vmem_shared>> -> memref<128x64xf32, #tpu.memory_space<vmem_shared>>
      tpu.wait_dma2 semaphore(%run_scoped3A_55 : memref<!tpu.dma_semaphore, #tpu.memory_space<semaphore_mem>>) src(%arg8 : memref<128x64xf32, #tpu.memory_space<vmem>>) dst(%dma_wait3A_63 : memref<128x64xf32, #tpu.memory_space<vmem_shared>>)
      tpu.yield
    }) : () -> ()
    %add3A_12 = arith.constant 128 : i32
    %add3A_13 = arith.addi %mul3A_2, %add3A_12 : i32
    "tpu.region"() ({
      %run_scoped3A_55 = tpu.sem_alloc : memref<!tpu.dma_semaphore, #tpu.memory_space<semaphore_mem>>
      %dma_start3A_56 = arith.constant 0 : i32
      %dma_start3A_57 = tpu.memref_slice %arg5[%add3A_13, %dma_start3A_56] : memref<10048x64xf32, #tpu.memory_space<vmem_shared>> -> memref<128x64xf32, #tpu.memory_space<vmem_shared>>
      %dma_start3A_58 = arith.constant 0 : i32
      %dma_start3A_59 = tpu.memref_slice %arg5[%add3A_13, %dma_start3A_58] : memref<10048x64xf32, #tpu.memory_space<vmem_shared>> -> memref<128x64xf32, #tpu.memory_space<vmem_shared>>
      tpu.enqueue_dma source(%arg8 : memref<128x64xf32, #tpu.memory_space<vmem>>) target(%dma_start3A_59 : memref<128x64xf32, #tpu.memory_space<vmem_shared>>) target_semaphore(%run_scoped3A_55 : memref<!tpu.dma_semaphore, #tpu.memory_space<semaphore_mem>>)
      %dma_wait3A_60 = arith.constant 0 : i32
      %dma_wait3A_61 = tpu.memref_slice %arg5[%add3A_13, %dma_wait3A_60] : memref<10048x64xf32, #tpu.memory_space<vmem_shared>> -> memref<128x64xf32, #tpu.memory_space<vmem_shared>>
      %dma_wait3A_62 = arith.constant 0 : i32
      %dma_wait3A_63 = tpu.memref_slice %arg5[%add3A_13, %dma_wait3A_62] : memref<10048x64xf32, #tpu.memory_space<vmem_shared>> -> memref<128x64xf32, #tpu.memory_space<vmem_shared>>
      tpu.wait_dma2 semaphore(%run_scoped3A_55 : memref<!tpu.dma_semaphore, #tpu.memory_space<semaphore_mem>>) src(%arg8 : memref<128x64xf32, #tpu.memory_space<vmem>>) dst(%dma_wait3A_63 : memref<128x64xf32, #tpu.memory_space<vmem_shared>>)
      tpu.yield
    }) : () -> ()
    %add3A_14 = arith.constant 256 : i32
    %add3A_15 = arith.addi %mul3A_2, %add3A_14 : i32
    "tpu.region"() ({
      %run_scoped3A_55 = tpu.sem_alloc : memref<!tpu.dma_semaphore, #tpu.memory_space<semaphore_mem>>
      %dma_start3A_56 = arith.constant 0 : i32
      %dma_start3A_57 = tpu.memref_slice %arg5[%add3A_15, %dma_start3A_56] : memref<10048x64xf32, #tpu.memory_space<vmem_shared>> -> memref<128x64xf32, #tpu.memory_space<vmem_shared>>
      %dma_start3A_58 = arith.constant 0 : i32
      %dma_start3A_59 = tpu.memref_slice %arg5[%add3A_15, %dma_start3A_58] : memref<10048x64xf32, #tpu.memory_space<vmem_shared>> -> memref<128x64xf32, #tpu.memory_space<vmem_shared>>
      tpu.enqueue_dma source(%arg8 : memref<128x64xf32, #tpu.memory_space<vmem>>) target(%dma_start3A_59 : memref<128x64xf32, #tpu.memory_space<vmem_shared>>) target_semaphore(%run_scoped3A_55 : memref<!tpu.dma_semaphore, #tpu.memory_space<semaphore_mem>>)
      %dma_wait3A_60 = arith.constant 0 : i32
      %dma_wait3A_61 = tpu.memref_slice %arg5[%add3A_15, %dma_wait3A_60] : memref<10048x64xf32, #tpu.memory_space<vmem_shared>> -> memref<128x64xf32, #tpu.memory_space<vmem_shared>>
      %dma_wait3A_62 = arith.constant 0 : i32
      %dma_wait3A_63 = tpu.memref_slice %arg5[%add3A_15, %dma_wait3A_62] : memref<10048x64xf32, #tpu.memory_space<vmem_shared>> -> memref<128x64xf32, #tpu.memory_space<vmem_shared>>
      tpu.wait_dma2 semaphore(%run_scoped3A_55 : memref<!tpu.dma_semaphore, #tpu.memory_space<semaphore_mem>>) src(%arg8 : memref<128x64xf32, #tpu.memory_space<vmem>>) dst(%dma_wait3A_63 : memref<128x64xf32, #tpu.memory_space<vmem_shared>>)
      tpu.yield
    }) : () -> ()
    %add3A_16 = arith.constant 384 : i32
    %add3A_17 = arith.addi %mul3A_2, %add3A_16 : i32
    "tpu.region"() ({
      %run_scoped3A_55 = tpu.sem_alloc : memref<!tpu.dma_semaphore, #tpu.memory_space<semaphore_mem>>
      %dma_start3A_56 = arith.constant 0 : i32
      %dma_start3A_57 = tpu.memref_slice %arg5[%add3A_17, %dma_start3A_56] : memref<10048x64xf32, #tpu.memory_space<vmem_shared>> -> memref<128x64xf32, #tpu.memory_space<vmem_shared>>
      %dma_start3A_58 = arith.constant 0 : i32
      %dma_start3A_59 = tpu.memref_slice %arg5[%add3A_17, %dma_start3A_58] : memref<10048x64xf32, #tpu.memory_space<vmem_shared>> -> memref<128x64xf32, #tpu.memory_space<vmem_shared>>
      tpu.enqueue_dma source(%arg8 : memref<128x64xf32, #tpu.memory_space<vmem>>) target(%dma_start3A_59 : memref<128x64xf32, #tpu.memory_space<vmem_shared>>) target_semaphore(%run_scoped3A_55 : memref<!tpu.dma_semaphore, #tpu.memory_space<semaphore_mem>>)
      %dma_wait3A_60 = arith.constant 0 : i32
      %dma_wait3A_61 = tpu.memref_slice %arg5[%add3A_17, %dma_wait3A_60] : memref<10048x64xf32, #tpu.memory_space<vmem_shared>> -> memref<128x64xf32, #tpu.memory_space<vmem_shared>>
      %dma_wait3A_62 = arith.constant 0 : i32
      %dma_wait3A_63 = tpu.memref_slice %arg5[%add3A_17, %dma_wait3A_62] : memref<10048x64xf32, #tpu.memory_space<vmem_shared>> -> memref<128x64xf32, #tpu.memory_space<vmem_shared>>
      tpu.wait_dma2 semaphore(%run_scoped3A_55 : memref<!tpu.dma_semaphore, #tpu.memory_space<semaphore_mem>>) src(%arg8 : memref<128x64xf32, #tpu.memory_space<vmem>>) dst(%dma_wait3A_63 : memref<128x64xf32, #tpu.memory_space<vmem_shared>>)
      tpu.yield
    }) : () -> ()
    %add3A_18 = arith.constant 512 : i32
    %add3A_19 = arith.addi %mul3A_2, %add3A_18 : i32
    "tpu.region"() ({
      %run_scoped3A_55 = tpu.sem_alloc : memref<!tpu.dma_semaphore, #tpu.memory_space<semaphore_mem>>
      %dma_start3A_56 = arith.constant 0 : i32
      %dma_start3A_57 = arith.constant 0 : i32
      %dma_start3A_58 = tpu.memref_slice %arg8[%dma_start3A_56, %dma_start3A_57] : memref<128x64xf32, #tpu.memory_space<vmem>> -> memref<116x64xf32, #tpu.memory_space<vmem>>
      %dma_start3A_59 = arith.constant 0 : i32
      %dma_start3A_60 = tpu.memref_slice %arg5[%add3A_19, %dma_start3A_59] : memref<10048x64xf32, #tpu.memory_space<vmem_shared>> -> memref<116x64xf32, #tpu.memory_space<vmem_shared>>
      %dma_start3A_61 = arith.constant 0 : i32
      %dma_start3A_62 = tpu.memref_slice %arg5[%add3A_19, %dma_start3A_61] : memref<10048x64xf32, #tpu.memory_space<vmem_shared>> -> memref<116x64xf32, #tpu.memory_space<vmem_shared>>
      %dma_start3A_63 = arith.constant 0 : i32
      %dma_start3A_64 = arith.constant 0 : i32
      %dma_start3A_65 = tpu.memref_slice %arg8[%dma_start3A_63, %dma_start3A_64] : memref<128x64xf32, #tpu.memory_space<vmem>> -> memref<116x64xf32, #tpu.memory_space<vmem>>
      tpu.enqueue_dma source(%dma_start3A_65 : memref<116x64xf32, #tpu.memory_space<vmem>>) target(%dma_start3A_62 : memref<116x64xf32, #tpu.memory_space<vmem_shared>>) target_semaphore(%run_scoped3A_55 : memref<!tpu.dma_semaphore, #tpu.memory_space<semaphore_mem>>)
      %dma_wait3A_66 = arith.constant 0 : i32
      %dma_wait3A_67 = arith.constant 0 : i32
      %dma_wait3A_68 = tpu.memref_slice %arg8[%dma_wait3A_66, %dma_wait3A_67] : memref<128x64xf32, #tpu.memory_space<vmem>> -> memref<116x64xf32, #tpu.memory_space<vmem>>
      %dma_wait3A_69 = arith.constant 0 : i32
      %dma_wait3A_70 = tpu.memref_slice %arg5[%add3A_19, %dma_wait3A_69] : memref<10048x64xf32, #tpu.memory_space<vmem_shared>> -> memref<116x64xf32, #tpu.memory_space<vmem_shared>>
      %dma_wait3A_71 = arith.constant 0 : i32
      %dma_wait3A_72 = tpu.memref_slice %arg5[%add3A_19, %dma_wait3A_71] : memref<10048x64xf32, #tpu.memory_space<vmem_shared>> -> memref<116x64xf32, #tpu.memory_space<vmem_shared>>
      %dma_wait3A_73 = arith.constant 0 : i32
      %dma_wait3A_74 = arith.constant 0 : i32
      %dma_wait3A_75 = tpu.memref_slice %arg8[%dma_wait3A_73, %dma_wait3A_74] : memref<128x64xf32, #tpu.memory_space<vmem>> -> memref<116x64xf32, #tpu.memory_space<vmem>>
      tpu.wait_dma2 semaphore(%run_scoped3A_55 : memref<!tpu.dma_semaphore, #tpu.memory_space<semaphore_mem>>) src(%dma_wait3A_75 : memref<116x64xf32, #tpu.memory_space<vmem>>) dst(%dma_wait3A_72 : memref<116x64xf32, #tpu.memory_space<vmem_shared>>)
      tpu.yield
    }) : () -> ()
    %barrier3A = arith.constant 0 : index
    tpu.barrier barrier_id(%barrier3A)
    %run_scoped3A = arith.constant 0 : i32
    "tpu.region"() ({
      %run_scoped3A_55 = tpu.sem_alloc : memref<!tpu.dma_semaphore, #tpu.memory_space<semaphore_mem>>
      %dma_start3A_56 = arith.constant 0 : i32
      %dma_start3A_57 = arith.constant 0 : i32
      %dma_start3A_58 = tpu.memref_slice %arg3[%run_scoped3A, %add3A, %dma_start3A_56, %dma_start3A_57] : memref<2x32x80x128xi32, #tpu.memory_space<hbm>> -> memref<1x1x80x128xi32, #tpu.memory_space<hbm>>
      %dma_start3A_59 = tpu.memref_squeeze %dma_start3A_58 : memref<1x1x80x128xi32, #tpu.memory_space<hbm>> -> memref<80x128xi32, #tpu.memory_space<hbm>>
      %dma_start3A_60 = arith.constant 0 : i32
      %dma_start3A_61 = arith.constant 0 : i32
      %dma_start3A_62 = tpu.memref_slice %arg3[%run_scoped3A, %add3A, %dma_start3A_60, %dma_start3A_61] : memref<2x32x80x128xi32, #tpu.memory_space<hbm>> -> memref<1x1x80x128xi32, #tpu.memory_space<hbm>>
      %dma_start3A_63 = tpu.memref_squeeze %dma_start3A_62 : memref<1x1x80x128xi32, #tpu.memory_space<hbm>> -> memref<80x128xi32, #tpu.memory_space<hbm>>
      tpu.enqueue_dma source(%dma_start3A_63 : memref<80x128xi32, #tpu.memory_space<hbm>>) target(%arg6 : memref<80x128xi32, #tpu.memory_space<vmem>>) target_semaphore(%run_scoped3A_55 : memref<!tpu.dma_semaphore, #tpu.memory_space<semaphore_mem>>)
      %dma_wait3A_64 = arith.constant 0 : i32
      %dma_wait3A_65 = arith.constant 0 : i32
      %dma_wait3A_66 = tpu.memref_slice %arg3[%run_scoped3A, %add3A, %dma_wait3A_64, %dma_wait3A_65] : memref<2x32x80x128xi32, #tpu.memory_space<hbm>> -> memref<1x1x80x128xi32, #tpu.memory_space<hbm>>
      %dma_wait3A_67 = tpu.memref_squeeze %dma_wait3A_66 : memref<1x1x80x128xi32, #tpu.memory_space<hbm>> -> memref<80x128xi32, #tpu.memory_space<hbm>>
      %dma_wait3A_68 = arith.constant 0 : i32
      %dma_wait3A_69 = arith.constant 0 : i32
      %dma_wait3A_70 = tpu.memref_slice %arg3[%run_scoped3A, %add3A, %dma_wait3A_68, %dma_wait3A_69] : memref<2x32x80x128xi32, #tpu.memory_space<hbm>> -> memref<1x1x80x128xi32, #tpu.memory_space<hbm>>
      %dma_wait3A_71 = tpu.memref_squeeze %dma_wait3A_70 : memref<1x1x80x128xi32, #tpu.memory_space<hbm>> -> memref<80x128xi32, #tpu.memory_space<hbm>>
      tpu.wait_dma2 semaphore(%run_scoped3A_55 : memref<!tpu.dma_semaphore, #tpu.memory_space<semaphore_mem>>) src(%dma_wait3A_71 : memref<80x128xi32, #tpu.memory_space<hbm>>) dst(%arg6 : memref<80x128xi32, #tpu.memory_space<vmem>>)
      tpu.yield
    }) : () -> ()
    %run_scoped3A_20 = arith.constant 1 : i32
    "tpu.region"() ({
      %run_scoped3A_55 = tpu.sem_alloc : memref<!tpu.dma_semaphore, #tpu.memory_space<semaphore_mem>>
      %dma_start3A_56 = arith.constant 0 : i32
      %dma_start3A_57 = arith.constant 0 : i32
      %dma_start3A_58 = tpu.memref_slice %arg3[%run_scoped3A_20, %add3A, %dma_start3A_56, %dma_start3A_57] : memref<2x32x80x128xi32, #tpu.memory_space<hbm>> -> memref<1x1x80x128xi32, #tpu.memory_space<hbm>>
      %dma_start3A_59 = tpu.memref_squeeze %dma_start3A_58 : memref<1x1x80x128xi32, #tpu.memory_space<hbm>> -> memref<80x128xi32, #tpu.memory_space<hbm>>
      %dma_start3A_60 = arith.constant 0 : i32
      %dma_start3A_61 = arith.constant 0 : i32
      %dma_start3A_62 = tpu.memref_slice %arg3[%run_scoped3A_20, %add3A, %dma_start3A_60, %dma_start3A_61] : memref<2x32x80x128xi32, #tpu.memory_space<hbm>> -> memref<1x1x80x128xi32, #tpu.memory_space<hbm>>
      %dma_start3A_63 = tpu.memref_squeeze %dma_start3A_62 : memref<1x1x80x128xi32, #tpu.memory_space<hbm>> -> memref<80x128xi32, #tpu.memory_space<hbm>>
      tpu.enqueue_dma source(%dma_start3A_63 : memref<80x128xi32, #tpu.memory_space<hbm>>) target(%arg7 : memref<80x128xi32, #tpu.memory_space<vmem>>) target_semaphore(%run_scoped3A_55 : memref<!tpu.dma_semaphore, #tpu.memory_space<semaphore_mem>>)
      %dma_wait3A_64 = arith.constant 0 : i32
      %dma_wait3A_65 = arith.constant 0 : i32
      %dma_wait3A_66 = tpu.memref_slice %arg3[%run_scoped3A_20, %add3A, %dma_wait3A_64, %dma_wait3A_65] : memref<2x32x80x128xi32, #tpu.memory_space<hbm>> -> memref<1x1x80x128xi32, #tpu.memory_space<hbm>>
      %dma_wait3A_67 = tpu.memref_squeeze %dma_wait3A_66 : memref<1x1x80x128xi32, #tpu.memory_space<hbm>> -> memref<80x128xi32, #tpu.memory_space<hbm>>
      %dma_wait3A_68 = arith.constant 0 : i32
      %dma_wait3A_69 = arith.constant 0 : i32
      %dma_wait3A_70 = tpu.memref_slice %arg3[%run_scoped3A_20, %add3A, %dma_wait3A_68, %dma_wait3A_69] : memref<2x32x80x128xi32, #tpu.memory_space<hbm>> -> memref<1x1x80x128xi32, #tpu.memory_space<hbm>>
      %dma_wait3A_71 = tpu.memref_squeeze %dma_wait3A_70 : memref<1x1x80x128xi32, #tpu.memory_space<hbm>> -> memref<80x128xi32, #tpu.memory_space<hbm>>
      tpu.wait_dma2 semaphore(%run_scoped3A_55 : memref<!tpu.dma_semaphore, #tpu.memory_space<semaphore_mem>>) src(%dma_wait3A_71 : memref<80x128xi32, #tpu.memory_space<hbm>>) dst(%arg7 : memref<80x128xi32, #tpu.memory_space<vmem>>)
      tpu.yield
    }) : () -> ()
    %dma_start3A = arith.constant 0 : i32
    %dma_start3A_21 = arith.constant 0 : i32
    %dma_start3A_22 = tpu.memref_slice %arg6[%dma_start3A, %dma_start3A_21] : memref<80x128xi32, #tpu.memory_space<vmem>> -> memref<1x128xi32, #tpu.memory_space<vmem>>
    %dma_start3A_23 = tpu.memref_squeeze %dma_start3A_22 : memref<1x128xi32, #tpu.memory_space<vmem>> -> memref<128xi32, #tpu.memory_space<vmem>>
    %dma_start3A_24 = arith.constant 0 : i32
    %dma_start3A_25 = arith.constant 0 : i32
    %dma_start3A_26 = tpu.memref_slice %arg2[%dma_start3A_24, %dma_start3A_25] : memref<10000x64xf32, #tpu.memory_space<hbm>> -> memref<10000x64xf32, #tpu.memory_space<hbm>>
    tpu.enqueue_indirect_dma source(%dma_start3A_26 : memref<10000x64xf32, #tpu.memory_space<hbm>>) target(%arg8 : memref<128x64xf32, #tpu.memory_space<vmem>>) offsets(%dma_start3A_23 : memref<128xi32, #tpu.memory_space<vmem>>) semaphore(%arg12 : memref<!tpu.dma_semaphore, #tpu.memory_space<semaphore_mem>>)
    %dma_start3A_27 = arith.constant 1 : i32
    %dma_start3A_28 = arith.constant 0 : i32
    %dma_start3A_29 = tpu.memref_slice %arg6[%dma_start3A_27, %dma_start3A_28] : memref<80x128xi32, #tpu.memory_space<vmem>> -> memref<1x128xi32, #tpu.memory_space<vmem>>
    %dma_start3A_30 = tpu.memref_squeeze %dma_start3A_29 : memref<1x128xi32, #tpu.memory_space<vmem>> -> memref<128xi32, #tpu.memory_space<vmem>>
    %dma_start3A_31 = arith.constant 0 : i32
    %dma_start3A_32 = arith.constant 0 : i32
    %dma_start3A_33 = tpu.memref_slice %arg2[%dma_start3A_31, %dma_start3A_32] : memref<10000x64xf32, #tpu.memory_space<hbm>> -> memref<10000x64xf32, #tpu.memory_space<hbm>>
    tpu.enqueue_indirect_dma source(%dma_start3A_33 : memref<10000x64xf32, #tpu.memory_space<hbm>>) target(%arg9 : memref<128x64xf32, #tpu.memory_space<vmem>>) offsets(%dma_start3A_30 : memref<128xi32, #tpu.memory_space<vmem>>) semaphore(%arg13 : memref<!tpu.dma_semaphore, #tpu.memory_space<semaphore_mem>>)
    %scan3A_34 = arith.constant 0 : i32
    %scan3A_35 = arith.constant 0 : i32
    %scan3A_36 = arith.constant 20 : i32
    %scan3A_37 = arith.addi %scan3A_35, %scan3A_36 : i32
    %scan3A_38 = arith.constant 1 : i32
    %scan3A_39 = scf.for %scan3A_55 = %scan3A_35 to %scan3A_37 step %scan3A_38 iter_args(%scan3A_56 = %scan3A_34) -> (i32)  : i32 {
      %mul3A_57 = arith.constant 4 : i32
      %mul3A_58 = arith.muli %mul3A_57, %scan3A_55 : i32
      %add3A_59 = arith.constant 0 : i32
      %add3A_60 = arith.addi %mul3A_58, %add3A_59 : i32
      %dma_wait3A_61 = arith.constant 0 : i32
      %dma_wait3A_62 = arith.constant 0 : i32
      %dma_wait3A_63 = tpu.memref_slice %arg6[%dma_wait3A_61, %dma_wait3A_62] : memref<80x128xi32, #tpu.memory_space<vmem>> -> memref<1x128xi32, #tpu.memory_space<vmem>>
      %dma_wait3A_64 = tpu.memref_squeeze %dma_wait3A_63 : memref<1x128xi32, #tpu.memory_space<vmem>> -> memref<128xi32, #tpu.memory_space<vmem>>
      %dma_wait3A_65 = arith.constant 0 : i32
      %dma_wait3A_66 = arith.constant 0 : i32
      %dma_wait3A_67 = tpu.memref_slice %arg2[%dma_wait3A_65, %dma_wait3A_66] : memref<10000x64xf32, #tpu.memory_space<hbm>> -> memref<10000x64xf32, #tpu.memory_space<hbm>>
      tpu.wait_indirect_dma semaphore(%arg12 : memref<!tpu.dma_semaphore, #tpu.memory_space<semaphore_mem>>) src(%dma_wait3A_67 : memref<10000x64xf32, #tpu.memory_space<hbm>>) dst(%arg8 : memref<128x64xf32, #tpu.memory_space<vmem>>)
      %dma_start3A_68 = arith.constant 0 : i32
      %dma_start3A_69 = tpu.memref_slice %arg7[%add3A_60, %dma_start3A_68] : memref<80x128xi32, #tpu.memory_space<vmem>> -> memref<1x128xi32, #tpu.memory_space<vmem>>
      %dma_start3A_70 = tpu.memref_squeeze %dma_start3A_69 : memref<1x128xi32, #tpu.memory_space<vmem>> -> memref<128xi32, #tpu.memory_space<vmem>>
      %dma_start3A_71 = arith.constant 0 : i32
      %dma_start3A_72 = arith.constant 0 : i32
      %dma_start3A_73 = tpu.memref_slice %arg5[%dma_start3A_71, %dma_start3A_72] : memref<10048x64xf32, #tpu.memory_space<vmem_shared>> -> memref<10048x64xf32, #tpu.memory_space<vmem_shared>>
      tpu.enqueue_indirect_dma source(%arg8 : memref<128x64xf32, #tpu.memory_space<vmem>>) target(%dma_start3A_73 : memref<10048x64xf32, #tpu.memory_space<vmem_shared>>) offsets(%dma_start3A_70 : memref<128xi32, #tpu.memory_space<vmem>>) semaphore(%arg16 : memref<!tpu.dma_semaphore, #tpu.memory_space<semaphore_mem>>) {add = true}
      %ge3A = arith.constant 2 : i32
      %ge3A_74 = arith.cmpi sge, %add3A_60, %ge3A : i32
      %convert_element_type3A = arith.extui %ge3A_74 : i1 to i32
      %cond3A = arith.constant 0 : i32
      %cond3A_75 = arith.cmpi ne, %convert_element_type3A, %cond3A : i32
      scf.if %cond3A_75 {
        %dma_wait3A_170 = arith.constant 0 : i32
        %dma_wait3A_171 = arith.constant 0 : i32
        %dma_wait3A_172 = tpu.memref_slice %arg7[%dma_wait3A_170, %dma_wait3A_171] : memref<80x128xi32, #tpu.memory_space<vmem>> -> memref<1x128xi32, #tpu.memory_space<vmem>>
        %dma_wait3A_173 = tpu.memref_squeeze %dma_wait3A_172 : memref<1x128xi32, #tpu.memory_space<vmem>> -> memref<128xi32, #tpu.memory_space<vmem>>
        %dma_wait3A_174 = arith.constant 0 : i32
        %dma_wait3A_175 = arith.constant 0 : i32
        %dma_wait3A_176 = tpu.memref_slice %arg5[%dma_wait3A_174, %dma_wait3A_175] : memref<10048x64xf32, #tpu.memory_space<vmem_shared>> -> memref<10048x64xf32, #tpu.memory_space<vmem_shared>>
        tpu.wait_indirect_dma semaphore(%arg18 : memref<!tpu.dma_semaphore, #tpu.memory_space<semaphore_mem>>) src(%arg10 : memref<128x64xf32, #tpu.memory_space<vmem>>) dst(%dma_wait3A_176 : memref<10048x64xf32, #tpu.memory_space<vmem_shared>>)
      } else {
      }
      %add3A_76 = arith.constant 2 : i32
      %add3A_77 = arith.addi %add3A_60, %add3A_76 : i32
      %lt3A = arith.constant 80 : i32
      %lt3A_78 = arith.cmpi slt, %add3A_77, %lt3A : i32
      %convert_element_type3A_79 = arith.extui %lt3A_78 : i1 to i32
      %cond3A_80 = arith.constant 0 : i32
      %cond3A_81 = arith.cmpi ne, %convert_element_type3A_79, %cond3A_80 : i32
      scf.if %cond3A_81 {
        %add3A_170 = arith.constant 2 : i32
        %add3A_171 = arith.addi %add3A_60, %add3A_170 : i32
        %dma_start3A_172 = arith.constant 0 : i32
        %dma_start3A_173 = tpu.memref_slice %arg6[%add3A_171, %dma_start3A_172] : memref<80x128xi32, #tpu.memory_space<vmem>> -> memref<1x128xi32, #tpu.memory_space<vmem>>
        %dma_start3A_174 = tpu.memref_squeeze %dma_start3A_173 : memref<1x128xi32, #tpu.memory_space<vmem>> -> memref<128xi32, #tpu.memory_space<vmem>>
        %dma_start3A_175 = arith.constant 0 : i32
        %dma_start3A_176 = arith.constant 0 : i32
        %dma_start3A_177 = tpu.memref_slice %arg2[%dma_start3A_175, %dma_start3A_176] : memref<10000x64xf32, #tpu.memory_space<hbm>> -> memref<10000x64xf32, #tpu.memory_space<hbm>>
        tpu.enqueue_indirect_dma source(%dma_start3A_177 : memref<10000x64xf32, #tpu.memory_space<hbm>>) target(%arg10 : memref<128x64xf32, #tpu.memory_space<vmem>>) offsets(%dma_start3A_174 : memref<128xi32, #tpu.memory_space<vmem>>) semaphore(%arg14 : memref<!tpu.dma_semaphore, #tpu.memory_space<semaphore_mem>>)
      } else {
      }
      %mul3A_82 = arith.constant 4 : i32
      %mul3A_83 = arith.muli %mul3A_82, %scan3A_55 : i32
      %add3A_84 = arith.constant 1 : i32
      %add3A_85 = arith.addi %mul3A_83, %add3A_84 : i32
      %dma_wait3A_86 = arith.constant 0 : i32
      %dma_wait3A_87 = arith.constant 0 : i32
      %dma_wait3A_88 = tpu.memref_slice %arg6[%dma_wait3A_86, %dma_wait3A_87] : memref<80x128xi32, #tpu.memory_space<vmem>> -> memref<1x128xi32, #tpu.memory_space<vmem>>
      %dma_wait3A_89 = tpu.memref_squeeze %dma_wait3A_88 : memref<1x128xi32, #tpu.memory_space<vmem>> -> memref<128xi32, #tpu.memory_space<vmem>>
      %dma_wait3A_90 = arith.constant 0 : i32
      %dma_wait3A_91 = arith.constant 0 : i32
      %dma_wait3A_92 = tpu.memref_slice %arg2[%dma_wait3A_90, %dma_wait3A_91] : memref<10000x64xf32, #tpu.memory_space<hbm>> -> memref<10000x64xf32, #tpu.memory_space<hbm>>
      tpu.wait_indirect_dma semaphore(%arg13 : memref<!tpu.dma_semaphore, #tpu.memory_space<semaphore_mem>>) src(%dma_wait3A_92 : memref<10000x64xf32, #tpu.memory_space<hbm>>) dst(%arg9 : memref<128x64xf32, #tpu.memory_space<vmem>>)
      %dma_start3A_93 = arith.constant 0 : i32
      %dma_start3A_94 = tpu.memref_slice %arg7[%add3A_85, %dma_start3A_93] : memref<80x128xi32, #tpu.memory_space<vmem>> -> memref<1x128xi32, #tpu.memory_space<vmem>>
      %dma_start3A_95 = tpu.memref_squeeze %dma_start3A_94 : memref<1x128xi32, #tpu.memory_space<vmem>> -> memref<128xi32, #tpu.memory_space<vmem>>
      %dma_start3A_96 = arith.constant 0 : i32
      %dma_start3A_97 = arith.constant 0 : i32
      %dma_start3A_98 = tpu.memref_slice %arg5[%dma_start3A_96, %dma_start3A_97] : memref<10048x64xf32, #tpu.memory_space<vmem_shared>> -> memref<10048x64xf32, #tpu.memory_space<vmem_shared>>
      tpu.enqueue_indirect_dma source(%arg9 : memref<128x64xf32, #tpu.memory_space<vmem>>) target(%dma_start3A_98 : memref<10048x64xf32, #tpu.memory_space<vmem_shared>>) offsets(%dma_start3A_95 : memref<128xi32, #tpu.memory_space<vmem>>) semaphore(%arg17 : memref<!tpu.dma_semaphore, #tpu.memory_space<semaphore_mem>>) {add = true}
      %ge3A_99 = arith.constant 2 : i32
      %ge3A_100 = arith.cmpi sge, %add3A_85, %ge3A_99 : i32
      %convert_element_type3A_101 = arith.extui %ge3A_100 : i1 to i32
      %cond3A_102 = arith.constant 0 : i32
      %cond3A_103 = arith.cmpi ne, %convert_element_type3A_101, %cond3A_102 : i32
      scf.if %cond3A_103 {
        %dma_wait3A_170 = arith.constant 0 : i32
        %dma_wait3A_171 = arith.constant 0 : i32
        %dma_wait3A_172 = tpu.memref_slice %arg7[%dma_wait3A_170, %dma_wait3A_171] : memref<80x128xi32, #tpu.memory_space<vmem>> -> memref<1x128xi32, #tpu.memory_space<vmem>>
        %dma_wait3A_173 = tpu.memref_squeeze %dma_wait3A_172 : memref<1x128xi32, #tpu.memory_space<vmem>> -> memref<128xi32, #tpu.memory_space<vmem>>
        %dma_wait3A_174 = arith.constant 0 : i32
        %dma_wait3A_175 = arith.constant 0 : i32
        %dma_wait3A_176 = tpu.memref_slice %arg5[%dma_wait3A_174, %dma_wait3A_175] : memref<10048x64xf32, #tpu.memory_space<vmem_shared>> -> memref<10048x64xf32, #tpu.memory_space<vmem_shared>>
        tpu.wait_indirect_dma semaphore(%arg19 : memref<!tpu.dma_semaphore, #tpu.memory_space<semaphore_mem>>) src(%arg11 : memref<128x64xf32, #tpu.memory_space<vmem>>) dst(%dma_wait3A_176 : memref<10048x64xf32, #tpu.memory_space<vmem_shared>>)
      } else {
      }
      %add3A_104 = arith.constant 2 : i32
      %add3A_105 = arith.addi %add3A_85, %add3A_104 : i32
      %lt3A_106 = arith.constant 80 : i32
      %lt3A_107 = arith.cmpi slt, %add3A_105, %lt3A_106 : i32
      %convert_element_type3A_108 = arith.extui %lt3A_107 : i1 to i32
      %cond3A_109 = arith.constant 0 : i32
      %cond3A_110 = arith.cmpi ne, %convert_element_type3A_108, %cond3A_109 : i32
      scf.if %cond3A_110 {
        %add3A_170 = arith.constant 2 : i32
        %add3A_171 = arith.addi %add3A_85, %add3A_170 : i32
        %dma_start3A_172 = arith.constant 0 : i32
        %dma_start3A_173 = tpu.memref_slice %arg6[%add3A_171, %dma_start3A_172] : memref<80x128xi32, #tpu.memory_space<vmem>> -> memref<1x128xi32, #tpu.memory_space<vmem>>
        %dma_start3A_174 = tpu.memref_squeeze %dma_start3A_173 : memref<1x128xi32, #tpu.memory_space<vmem>> -> memref<128xi32, #tpu.memory_space<vmem>>
        %dma_start3A_175 = arith.constant 0 : i32
        %dma_start3A_176 = arith.constant 0 : i32
        %dma_start3A_177 = tpu.memref_slice %arg2[%dma_start3A_175, %dma_start3A_176] : memref<10000x64xf32, #tpu.memory_space<hbm>> -> memref<10000x64xf32, #tpu.memory_space<hbm>>
        tpu.enqueue_indirect_dma source(%dma_start3A_177 : memref<10000x64xf32, #tpu.memory_space<hbm>>) target(%arg11 : memref<128x64xf32, #tpu.memory_space<vmem>>) offsets(%dma_start3A_174 : memref<128xi32, #tpu.memory_space<vmem>>) semaphore(%arg15 : memref<!tpu.dma_semaphore, #tpu.memory_space<semaphore_mem>>)
      } else {
      }
      %mul3A_111 = arith.constant 4 : i32
      %mul3A_112 = arith.muli %mul3A_111, %scan3A_55 : i32
      %add3A_113 = arith.constant 2 : i32
      %add3A_114 = arith.addi %mul3A_112, %add3A_113 : i32
      %dma_wait3A_115 = arith.constant 0 : i32
      %dma_wait3A_116 = arith.constant 0 : i32
      %dma_wait3A_117 = tpu.memref_slice %arg6[%dma_wait3A_115, %dma_wait3A_116] : memref<80x128xi32, #tpu.memory_space<vmem>> -> memref<1x128xi32, #tpu.memory_space<vmem>>
      %dma_wait3A_118 = tpu.memref_squeeze %dma_wait3A_117 : memref<1x128xi32, #tpu.memory_space<vmem>> -> memref<128xi32, #tpu.memory_space<vmem>>
      %dma_wait3A_119 = arith.constant 0 : i32
      %dma_wait3A_120 = arith.constant 0 : i32
      %dma_wait3A_121 = tpu.memref_slice %arg2[%dma_wait3A_119, %dma_wait3A_120] : memref<10000x64xf32, #tpu.memory_space<hbm>> -> memref<10000x64xf32, #tpu.memory_space<hbm>>
      tpu.wait_indirect_dma semaphore(%arg14 : memref<!tpu.dma_semaphore, #tpu.memory_space<semaphore_mem>>) src(%dma_wait3A_121 : memref<10000x64xf32, #tpu.memory_space<hbm>>) dst(%arg10 : memref<128x64xf32, #tpu.memory_space<vmem>>)
      %dma_start3A_122 = arith.constant 0 : i32
      %dma_start3A_123 = tpu.memref_slice %arg7[%add3A_114, %dma_start3A_122] : memref<80x128xi32, #tpu.memory_space<vmem>> -> memref<1x128xi32, #tpu.memory_space<vmem>>
      %dma_start3A_124 = tpu.memref_squeeze %dma_start3A_123 : memref<1x128xi32, #tpu.memory_space<vmem>> -> memref<128xi32, #tpu.memory_space<vmem>>
      %dma_start3A_125 = arith.constant 0 : i32
      %dma_start3A_126 = arith.constant 0 : i32
      %dma_start3A_127 = tpu.memref_slice %arg5[%dma_start3A_125, %dma_start3A_126] : memref<10048x64xf32, #tpu.memory_space<vmem_shared>> -> memref<10048x64xf32, #tpu.memory_space<vmem_shared>>
      tpu.enqueue_indirect_dma source(%arg10 : memref<128x64xf32, #tpu.memory_space<vmem>>) target(%dma_start3A_127 : memref<10048x64xf32, #tpu.memory_space<vmem_shared>>) offsets(%dma_start3A_124 : memref<128xi32, #tpu.memory_space<vmem>>) semaphore(%arg18 : memref<!tpu.dma_semaphore, #tpu.memory_space<semaphore_mem>>) {add = true}
      %ge3A_128 = arith.constant 2 : i32
      %ge3A_129 = arith.cmpi sge, %add3A_114, %ge3A_128 : i32
      %convert_element_type3A_130 = arith.extui %ge3A_129 : i1 to i32
      %cond3A_131 = arith.constant 0 : i32
      %cond3A_132 = arith.cmpi ne, %convert_element_type3A_130, %cond3A_131 : i32
      scf.if %cond3A_132 {
        %dma_wait3A_170 = arith.constant 0 : i32
        %dma_wait3A_171 = arith.constant 0 : i32
        %dma_wait3A_172 = tpu.memref_slice %arg7[%dma_wait3A_170, %dma_wait3A_171] : memref<80x128xi32, #tpu.memory_space<vmem>> -> memref<1x128xi32, #tpu.memory_space<vmem>>
        %dma_wait3A_173 = tpu.memref_squeeze %dma_wait3A_172 : memref<1x128xi32, #tpu.memory_space<vmem>> -> memref<128xi32, #tpu.memory_space<vmem>>
        %dma_wait3A_174 = arith.constant 0 : i32
        %dma_wait3A_175 = arith.constant 0 : i32
        %dma_wait3A_176 = tpu.memref_slice %arg5[%dma_wait3A_174, %dma_wait3A_175] : memref<10048x64xf32, #tpu.memory_space<vmem_shared>> -> memref<10048x64xf32, #tpu.memory_space<vmem_shared>>
        tpu.wait_indirect_dma semaphore(%arg16 : memref<!tpu.dma_semaphore, #tpu.memory_space<semaphore_mem>>) src(%arg8 : memref<128x64xf32, #tpu.memory_space<vmem>>) dst(%dma_wait3A_176 : memref<10048x64xf32, #tpu.memory_space<vmem_shared>>)
      } else {
      }
      %add3A_133 = arith.constant 2 : i32
      %add3A_134 = arith.addi %add3A_114, %add3A_133 : i32
      %lt3A_135 = arith.constant 80 : i32
      %lt3A_136 = arith.cmpi slt, %add3A_134, %lt3A_135 : i32
      %convert_element_type3A_137 = arith.extui %lt3A_136 : i1 to i32
      %cond3A_138 = arith.constant 0 : i32
      %cond3A_139 = arith.cmpi ne, %convert_element_type3A_137, %cond3A_138 : i32
      scf.if %cond3A_139 {
        %add3A_170 = arith.constant 2 : i32
        %add3A_171 = arith.addi %add3A_114, %add3A_170 : i32
        %dma_start3A_172 = arith.constant 0 : i32
        %dma_start3A_173 = tpu.memref_slice %arg6[%add3A_171, %dma_start3A_172] : memref<80x128xi32, #tpu.memory_space<vmem>> -> memref<1x128xi32, #tpu.memory_space<vmem>>
        %dma_start3A_174 = tpu.memref_squeeze %dma_start3A_173 : memref<1x128xi32, #tpu.memory_space<vmem>> -> memref<128xi32, #tpu.memory_space<vmem>>
        %dma_start3A_175 = arith.constant 0 : i32
        %dma_start3A_176 = arith.constant 0 : i32
        %dma_start3A_177 = tpu.memref_slice %arg2[%dma_start3A_175, %dma_start3A_176] : memref<10000x64xf32, #tpu.memory_space<hbm>> -> memref<10000x64xf32, #tpu.memory_space<hbm>>
        tpu.enqueue_indirect_dma source(%dma_start3A_177 : memref<10000x64xf32, #tpu.memory_space<hbm>>) target(%arg8 : memref<128x64xf32, #tpu.memory_space<vmem>>) offsets(%dma_start3A_174 : memref<128xi32, #tpu.memory_space<vmem>>) semaphore(%arg12 : memref<!tpu.dma_semaphore, #tpu.memory_space<semaphore_mem>>)
      } else {
      }
      %mul3A_140 = arith.constant 4 : i32
      %mul3A_141 = arith.muli %mul3A_140, %scan3A_55 : i32
      %add3A_142 = arith.constant 3 : i32
      %add3A_143 = arith.addi %mul3A_141, %add3A_142 : i32
      %dma_wait3A_144 = arith.constant 0 : i32
      %dma_wait3A_145 = arith.constant 0 : i32
      %dma_wait3A_146 = tpu.memref_slice %arg6[%dma_wait3A_144, %dma_wait3A_145] : memref<80x128xi32, #tpu.memory_space<vmem>> -> memref<1x128xi32, #tpu.memory_space<vmem>>
      %dma_wait3A_147 = tpu.memref_squeeze %dma_wait3A_146 : memref<1x128xi32, #tpu.memory_space<vmem>> -> memref<128xi32, #tpu.memory_space<vmem>>
      %dma_wait3A_148 = arith.constant 0 : i32
      %dma_wait3A_149 = arith.constant 0 : i32
      %dma_wait3A_150 = tpu.memref_slice %arg2[%dma_wait3A_148, %dma_wait3A_149] : memref<10000x64xf32, #tpu.memory_space<hbm>> -> memref<10000x64xf32, #tpu.memory_space<hbm>>
      tpu.wait_indirect_dma semaphore(%arg15 : memref<!tpu.dma_semaphore, #tpu.memory_space<semaphore_mem>>) src(%dma_wait3A_150 : memref<10000x64xf32, #tpu.memory_space<hbm>>) dst(%arg11 : memref<128x64xf32, #tpu.memory_space<vmem>>)
      %dma_start3A_151 = arith.constant 0 : i32
      %dma_start3A_152 = tpu.memref_slice %arg7[%add3A_143, %dma_start3A_151] : memref<80x128xi32, #tpu.memory_space<vmem>> -> memref<1x128xi32, #tpu.memory_space<vmem>>
      %dma_start3A_153 = tpu.memref_squeeze %dma_start3A_152 : memref<1x128xi32, #tpu.memory_space<vmem>> -> memref<128xi32, #tpu.memory_space<vmem>>
      %dma_start3A_154 = arith.constant 0 : i32
      %dma_start3A_155 = arith.constant 0 : i32
      %dma_start3A_156 = tpu.memref_slice %arg5[%dma_start3A_154, %dma_start3A_155] : memref<10048x64xf32, #tpu.memory_space<vmem_shared>> -> memref<10048x64xf32, #tpu.memory_space<vmem_shared>>
      tpu.enqueue_indirect_dma source(%arg11 : memref<128x64xf32, #tpu.memory_space<vmem>>) target(%dma_start3A_156 : memref<10048x64xf32, #tpu.memory_space<vmem_shared>>) offsets(%dma_start3A_153 : memref<128xi32, #tpu.memory_space<vmem>>) semaphore(%arg19 : memref<!tpu.dma_semaphore, #tpu.memory_space<semaphore_mem>>) {add = true}
      %ge3A_157 = arith.constant 2 : i32
      %ge3A_158 = arith.cmpi sge, %add3A_143, %ge3A_157 : i32
      %convert_element_type3A_159 = arith.extui %ge3A_158 : i1 to i32
      %cond3A_160 = arith.constant 0 : i32
      %cond3A_161 = arith.cmpi ne, %convert_element_type3A_159, %cond3A_160 : i32
      scf.if %cond3A_161 {
        %dma_wait3A_170 = arith.constant 0 : i32
        %dma_wait3A_171 = arith.constant 0 : i32
        %dma_wait3A_172 = tpu.memref_slice %arg7[%dma_wait3A_170, %dma_wait3A_171] : memref<80x128xi32, #tpu.memory_space<vmem>> -> memref<1x128xi32, #tpu.memory_space<vmem>>
        %dma_wait3A_173 = tpu.memref_squeeze %dma_wait3A_172 : memref<1x128xi32, #tpu.memory_space<vmem>> -> memref<128xi32, #tpu.memory_space<vmem>>
        %dma_wait3A_174 = arith.constant 0 : i32
        %dma_wait3A_175 = arith.constant 0 : i32
        %dma_wait3A_176 = tpu.memref_slice %arg5[%dma_wait3A_174, %dma_wait3A_175] : memref<10048x64xf32, #tpu.memory_space<vmem_shared>> -> memref<10048x64xf32, #tpu.memory_space<vmem_shared>>
        tpu.wait_indirect_dma semaphore(%arg17 : memref<!tpu.dma_semaphore, #tpu.memory_space<semaphore_mem>>) src(%arg9 : memref<128x64xf32, #tpu.memory_space<vmem>>) dst(%dma_wait3A_176 : memref<10048x64xf32, #tpu.memory_space<vmem_shared>>)
      } else {
      }
      %add3A_162 = arith.constant 2 : i32
      %add3A_163 = arith.addi %add3A_143, %add3A_162 : i32
      %lt3A_164 = arith.constant 80 : i32
      %lt3A_165 = arith.cmpi slt, %add3A_163, %lt3A_164 : i32
      %convert_element_type3A_166 = arith.extui %lt3A_165 : i1 to i32
      %cond3A_167 = arith.constant 0 : i32
      %cond3A_168 = arith.cmpi ne, %convert_element_type3A_166, %cond3A_167 : i32
      scf.if %cond3A_168 {
        %add3A_170 = arith.constant 2 : i32
        %add3A_171 = arith.addi %add3A_143, %add3A_170 : i32
        %dma_start3A_172 = arith.constant 0 : i32
        %dma_start3A_173 = tpu.memref_slice %arg6[%add3A_171, %dma_start3A_172] : memref<80x128xi32, #tpu.memory_space<vmem>> -> memref<1x128xi32, #tpu.memory_space<vmem>>
        %dma_start3A_174 = tpu.memref_squeeze %dma_start3A_173 : memref<1x128xi32, #tpu.memory_space<vmem>> -> memref<128xi32, #tpu.memory_space<vmem>>
        %dma_start3A_175 = arith.constant 0 : i32
        %dma_start3A_176 = arith.constant 0 : i32
        %dma_start3A_177 = tpu.memref_slice %arg2[%dma_start3A_175, %dma_start3A_176] : memref<10000x64xf32, #tpu.memory_space<hbm>> -> memref<10000x64xf32, #tpu.memory_space<hbm>>
        tpu.enqueue_indirect_dma source(%dma_start3A_177 : memref<10000x64xf32, #tpu.memory_space<hbm>>) target(%arg9 : memref<128x64xf32, #tpu.memory_space<vmem>>) offsets(%dma_start3A_174 : memref<128xi32, #tpu.memory_space<vmem>>) semaphore(%arg13 : memref<!tpu.dma_semaphore, #tpu.memory_space<semaphore_mem>>)
      } else {
      }
      %scan3A_169 = arith.constant 0 : i32
      scf.yield %scan3A_169 : i32
    }
    %scan3A_40 = arith.constant 20 : i32
    %dma_wait3A = arith.constant 0 : i32
    %dma_wait3A_41 = arith.constant 0 : i32
    %dma_wait3A_42 = tpu.memref_slice %arg7[%dma_wait3A, %dma_wait3A_41] : memref<80x128xi32, #tpu.memory_space<vmem>> -> memref<1x128xi32, #tpu.memory_space<vmem>>
    %dma_wait3A_43 = tpu.memref_squeeze %dma_wait3A_42 : memref<1x128xi32, #tpu.memory_space<vmem>> -> memref<128xi32, #tpu.memory_space<vmem>>
    %dma_wait3A_44 = arith.constant 0 : i32
    %dma_wait3A_45 = arith.constant 0 : i32
    %dma_wait3A_46 = tpu.memref_slice %arg5[%dma_wait3A_44, %dma_wait3A_45] : memref<10048x64xf32, #tpu.memory_space<vmem_shared>> -> memref<10048x64xf32, #tpu.memory_space<vmem_shared>>
    tpu.wait_indirect_dma semaphore(%arg18 : memref<!tpu.dma_semaphore, #tpu.memory_space<semaphore_mem>>) src(%arg10 : memref<128x64xf32, #tpu.memory_space<vmem>>) dst(%dma_wait3A_46 : memref<10048x64xf32, #tpu.memory_space<vmem_shared>>)
    %dma_wait3A_47 = arith.constant 0 : i32
    %dma_wait3A_48 = arith.constant 0 : i32
    %dma_wait3A_49 = tpu.memref_slice %arg7[%dma_wait3A_47, %dma_wait3A_48] : memref<80x128xi32, #tpu.memory_space<vmem>> -> memref<1x128xi32, #tpu.memory_space<vmem>>
    %dma_wait3A_50 = tpu.memref_squeeze %dma_wait3A_49 : memref<1x128xi32, #tpu.memory_space<vmem>> -> memref<128xi32, #tpu.memory_space<vmem>>
    %dma_wait3A_51 = arith.constant 0 : i32
    %dma_wait3A_52 = arith.constant 0 : i32
    %dma_wait3A_53 = tpu.memref_slice %arg5[%dma_wait3A_51, %dma_wait3A_52] : memref<10048x64xf32, #tpu.memory_space<vmem_shared>> -> memref<10048x64xf32, #tpu.memory_space<vmem_shared>>
    tpu.wait_indirect_dma semaphore(%arg19 : memref<!tpu.dma_semaphore, #tpu.memory_space<semaphore_mem>>) src(%arg11 : memref<128x64xf32, #tpu.memory_space<vmem>>) dst(%dma_wait3A_53 : memref<10048x64xf32, #tpu.memory_space<vmem_shared>>)
    %barrier3A_54 = arith.constant 0 : index
    tpu.barrier barrier_id(%barrier3A_54)
    "tpu.region"() ({
      %run_scoped3A_55 = tpu.sem_alloc : memref<!tpu.dma_semaphore, #tpu.memory_space<semaphore_mem>>
      %dma_start3A_56 = arith.constant 0 : i32
      %dma_start3A_57 = tpu.memref_slice %arg4[%arg0, %mul3A_2, %dma_start3A_56] : memref<2x10048x64xf32, #tpu.memory_space<hbm>> -> memref<1x628x64xf32, #tpu.memory_space<hbm>>
      %dma_start3A_58 = tpu.memref_squeeze %dma_start3A_57 : memref<1x628x64xf32, #tpu.memory_space<hbm>> -> memref<628x64xf32, #tpu.memory_space<hbm>>
      %dma_start3A_59 = arith.constant 0 : i32
      %dma_start3A_60 = tpu.memref_slice %arg5[%mul3A_2, %dma_start3A_59] : memref<10048x64xf32, #tpu.memory_space<vmem_shared>> -> memref<628x64xf32, #tpu.memory_space<vmem_shared>>
      tpu.enqueue_dma source(%dma_start3A_60 : memref<628x64xf32, #tpu.memory_space<vmem_shared>>) target(%dma_start3A_58 : memref<628x64xf32, #tpu.memory_space<hbm>>) target_semaphore(%run_scoped3A_55 : memref<!tpu.dma_semaphore, #tpu.memory_space<semaphore_mem>>)
      %dma_wait3A_61 = arith.constant 0 : i32
      %dma_wait3A_62 = tpu.memref_slice %arg4[%arg0, %mul3A_2, %dma_wait3A_61] : memref<2x10048x64xf32, #tpu.memory_space<hbm>> -> memref<1x628x64xf32, #tpu.memory_space<hbm>>
      %dma_wait3A_63 = tpu.memref_squeeze %dma_wait3A_62 : memref<1x628x64xf32, #tpu.memory_space<hbm>> -> memref<628x64xf32, #tpu.memory_space<hbm>>
      %dma_wait3A_64 = arith.constant 0 : i32
      %dma_wait3A_65 = tpu.memref_slice %arg5[%mul3A_2, %dma_wait3A_64] : memref<10048x64xf32, #tpu.memory_space<vmem_shared>> -> memref<628x64xf32, #tpu.memory_space<vmem_shared>>
      tpu.wait_dma2 semaphore(%run_scoped3A_55 : memref<!tpu.dma_semaphore, #tpu.memory_space<semaphore_mem>>) src(%dma_wait3A_65 : memref<628x64xf32, #tpu.memory_space<vmem_shared>>) dst(%dma_wait3A_63 : memref<628x64xf32, #tpu.memory_space<hbm>>)
      tpu.yield
    }) : () -> ()
    return
  }
}

module attributes {stable_mosaic.version = 14 : i64} {
  func.func @sage_tc_layer(%arg0: i32, %arg1: memref<1280x128xf32, #tpu.memory_space<vmem>>, %arg2: memref<2x1280x128xf32, #tpu.memory_space<vmem>>, %arg3: memref<2x160x128xf32, #tpu.memory_space<vmem>>, %arg4: memref<128x128xf32, #tpu.memory_space<vmem>>, %arg5: memref<128x128xf32, #tpu.memory_space<vmem>>, %arg6: memref<1x128xf32, #tpu.memory_space<vmem>>, %arg7: memref<128x64xf32, #tpu.memory_space<vmem>>, %arg8: memref<128x64xf32, #tpu.memory_space<vmem>>, %arg9: memref<1x64xf32, #tpu.memory_space<vmem>>, %arg10: memref<640x128xf32, #tpu.memory_space<vmem>>, %arg11: memref<1280x128xf32, #tpu.memory_space<vmem>>) attributes {dimension_semantics = [#tpu.dimension_semantics<arbitrary>], iteration_bounds = array<i64: 8>, scalar_prefetch = 0 : i64, scratch_operands = 0 : i64, tpu.core_type = #tpu.core_type<tc>, window_params = [{transform_indices = @transform_0, window_bounds = array<i64: 1280, 128>}, {transform_indices = @transform_1, window_bounds = array<i64: 2, 1280, 128>}, {transform_indices = @transform_2, window_bounds = array<i64: 2, 160, 128>}, {pipeline_mode = #tpu.pipeline_mode<synchronous>, transform_indices = @transform_3, window_bounds = array<i64: 128, 128>}, {pipeline_mode = #tpu.pipeline_mode<synchronous>, transform_indices = @transform_4, window_bounds = array<i64: 128, 128>}, {pipeline_mode = #tpu.pipeline_mode<synchronous>, transform_indices = @transform_5, window_bounds = array<i64: 1, 128>}, {pipeline_mode = #tpu.pipeline_mode<synchronous>, transform_indices = @transform_6, window_bounds = array<i64: 128, 64>}, {pipeline_mode = #tpu.pipeline_mode<synchronous>, transform_indices = @transform_7, window_bounds = array<i64: 128, 64>}, {pipeline_mode = #tpu.pipeline_mode<synchronous>, transform_indices = @transform_8, window_bounds = array<i64: 1, 64>}, {transform_indices = @transform_9, window_bounds = array<i64: 640, 128>}, {transform_indices = @transform_10, window_bounds = array<i64: 1280, 128>}]} {
    %get3A = arith.constant 0 : index
    %get3A_0 = arith.constant 0 : index
    %get3A_1 = arith.constant 0 : index
    %get3A_2 = vector.load %arg2[%get3A, %get3A_0, %get3A_1] : memref<2x1280x128xf32, #tpu.memory_space<vmem>>, vector<1x1280x128xf32>
    %get3A_3 = vector.shape_cast %get3A_2 : vector<1x1280x128xf32> to vector<1280x128xf32>
    %get3A_4 = arith.constant 1 : index
    %get3A_5 = arith.constant 0 : index
    %get3A_6 = arith.constant 0 : index
    %get3A_7 = vector.load %arg2[%get3A_4, %get3A_5, %get3A_6] : memref<2x1280x128xf32, #tpu.memory_space<vmem>>, vector<1x1280x128xf32>
    %get3A_8 = vector.shape_cast %get3A_7 : vector<1x1280x128xf32> to vector<1280x128xf32>
    %add3A = arith.addf %get3A_3, %get3A_8 : vector<1280x128xf32>
    %get3A_9 = arith.constant 0 : index
    %get3A_10 = arith.constant 0 : index
    %get3A_11 = arith.constant 0 : index
    %get3A_12 = vector.load %arg3[%get3A_9, %get3A_10, %get3A_11] : memref<2x160x128xf32, #tpu.memory_space<vmem>>, vector<1x160x128xf32>
    %get3A_13 = vector.shape_cast %get3A_12 : vector<1x160x128xf32> to vector<160x128xf32>
    %get3A_14 = arith.constant 1 : index
    %get3A_15 = arith.constant 0 : index
    %get3A_16 = arith.constant 0 : index
    %get3A_17 = vector.load %arg3[%get3A_14, %get3A_15, %get3A_16] : memref<2x160x128xf32, #tpu.memory_space<vmem>>, vector<1x160x128xf32>
    %get3A_18 = vector.shape_cast %get3A_17 : vector<1x160x128xf32> to vector<160x128xf32>
    %add3A_19 = arith.addf %get3A_13, %get3A_18 : vector<160x128xf32>
    %iota3A = tpu.iota {dimensions = array<i32: 0>} : vector<1280x160xi32>
    %iota3A_20 = tpu.iota {dimensions = array<i32: 1>} : vector<1280x160xi32>
    %jit3A = arith.constant 8 : i32
    %div3A = vector.broadcast %jit3A : i32 to vector<1280x160xi32>
    %div3A_21 = arith.divsi %iota3A, %div3A : vector<1280x160xi32>
    %sign3A = arith.constant 0 : i32
    %sign3A_22 = vector.broadcast %sign3A : i32 to vector<1280x160xi32>
    %sign3A_23 = arith.cmpi sgt, %iota3A, %sign3A_22 : vector<1280x160xi32>
    %sign3A_24 = arith.extui %sign3A_23 : vector<1280x160xi1> to vector<1280x160xi32>
    %sign3A_25 = arith.constant 0 : i32
    %sign3A_26 = vector.broadcast %sign3A_25 : i32 to vector<1280x160xi32>
    %sign3A_27 = arith.cmpi slt, %iota3A, %sign3A_26 : vector<1280x160xi32>
    %sign3A_28 = arith.extui %sign3A_27 : vector<1280x160xi1> to vector<1280x160xi32>
    %sign3A_29 = arith.subi %sign3A_24, %sign3A_28 : vector<1280x160xi32>
    %sign3A_30 = arith.constant 0 : i32
    %sign3A_31 = arith.cmpi sgt, %jit3A, %sign3A_30 : i32
    %sign3A_32 = arith.extui %sign3A_31 : i1 to i32
    %sign3A_33 = arith.constant 0 : i32
    %sign3A_34 = arith.cmpi slt, %jit3A, %sign3A_33 : i32
    %sign3A_35 = arith.extui %sign3A_34 : i1 to i32
    %sign3A_36 = arith.subi %sign3A_32, %sign3A_35 : i32
    %ne3A = vector.broadcast %sign3A_36 : i32 to vector<1280x160xi32>
    %ne3A_37 = arith.cmpi ne, %sign3A_29, %ne3A : vector<1280x160xi32>
    %rem3A = vector.broadcast %jit3A : i32 to vector<1280x160xi32>
    %rem3A_38 = arith.remsi %iota3A, %rem3A : vector<1280x160xi32>
    %ne3A_39 = arith.constant 0 : i32
    %ne3A_40 = vector.broadcast %ne3A_39 : i32 to vector<1280x160xi32>
    %ne3A_41 = arith.cmpi ne, %rem3A_38, %ne3A_40 : vector<1280x160xi32>
    %and3A = arith.andi %ne3A_37, %ne3A_41 : vector<1280x160xi1>
    %sub3A = arith.constant 1 : i32
    %sub3A_42 = vector.broadcast %sub3A : i32 to vector<1280x160xi32>
    %sub3A_43 = arith.subi %div3A_21, %sub3A_42 : vector<1280x160xi32>
    %select_n3A = arith.select %and3A, %sub3A_43, %div3A_21 : vector<1280x160xi1>, vector<1280x160xi32>
    %eq3A = arith.cmpi eq, %iota3A_20, %select_n3A : vector<1280x160xi32>
    %convert_element_type3A = arith.extui %eq3A : vector<1280x160xi1> to vector<1280x160xi32>
    %convert_element_type3A_44 = arith.sitofp %convert_element_type3A : vector<1280x160xi32> to vector<1280x160xf32>
    %dot_general3A = arith.constant dense<0.000000e+00> : vector<1280x128xf32>
    %dot_general3A_45 = tpu.matmul %convert_element_type3A_44, %add3A_19, %dot_general3A {dimension_numbers = #tpu.dot_dimension_numbers<[1], [0], [0], [1], [0, 0, 1, 1], [], []>, transpose_lhs_hint = false} : vector<1280x160xf32>, vector<160x128xf32>, vector<1280x128xf32> -> vector<1280x128xf32>
    %iota3A_46 = tpu.iota {dimensions = array<i32: 1>} : vector<1280x128xi32>
    %iota3A_47 = tpu.iota {dimensions = array<i32: 0>} : vector<1280x128xi32>
    %jit3A_48 = arith.constant 16 : i32
    %div3A_49 = vector.broadcast %jit3A_48 : i32 to vector<1280x128xi32>
    %div3A_50 = arith.divsi %iota3A_46, %div3A_49 : vector<1280x128xi32>
    %sign3A_51 = arith.constant 0 : i32
    %sign3A_52 = vector.broadcast %sign3A_51 : i32 to vector<1280x128xi32>
    %sign3A_53 = arith.cmpi sgt, %iota3A_46, %sign3A_52 : vector<1280x128xi32>
    %sign3A_54 = arith.extui %sign3A_53 : vector<1280x128xi1> to vector<1280x128xi32>
    %sign3A_55 = arith.constant 0 : i32
    %sign3A_56 = vector.broadcast %sign3A_55 : i32 to vector<1280x128xi32>
    %sign3A_57 = arith.cmpi slt, %iota3A_46, %sign3A_56 : vector<1280x128xi32>
    %sign3A_58 = arith.extui %sign3A_57 : vector<1280x128xi1> to vector<1280x128xi32>
    %sign3A_59 = arith.subi %sign3A_54, %sign3A_58 : vector<1280x128xi32>
    %sign3A_60 = arith.constant 0 : i32
    %sign3A_61 = arith.cmpi sgt, %jit3A_48, %sign3A_60 : i32
    %sign3A_62 = arith.extui %sign3A_61 : i1 to i32
    %sign3A_63 = arith.constant 0 : i32
    %sign3A_64 = arith.cmpi slt, %jit3A_48, %sign3A_63 : i32
    %sign3A_65 = arith.extui %sign3A_64 : i1 to i32
    %sign3A_66 = arith.subi %sign3A_62, %sign3A_65 : i32
    %ne3A_67 = vector.broadcast %sign3A_66 : i32 to vector<1280x128xi32>
    %ne3A_68 = arith.cmpi ne, %sign3A_59, %ne3A_67 : vector<1280x128xi32>
    %rem3A_69 = vector.broadcast %jit3A_48 : i32 to vector<1280x128xi32>
    %rem3A_70 = arith.remsi %iota3A_46, %rem3A_69 : vector<1280x128xi32>
    %ne3A_71 = arith.constant 0 : i32
    %ne3A_72 = vector.broadcast %ne3A_71 : i32 to vector<1280x128xi32>
    %ne3A_73 = arith.cmpi ne, %rem3A_70, %ne3A_72 : vector<1280x128xi32>
    %and3A_74 = arith.andi %ne3A_68, %ne3A_73 : vector<1280x128xi1>
    %sub3A_75 = arith.constant 1 : i32
    %sub3A_76 = vector.broadcast %sub3A_75 : i32 to vector<1280x128xi32>
    %sub3A_77 = arith.subi %div3A_50, %sub3A_76 : vector<1280x128xi32>
    %select_n3A_78 = arith.select %and3A_74, %sub3A_77, %div3A_50 : vector<1280x128xi1>, vector<1280x128xi32>
    %jit3A_79 = arith.constant 8 : i32
    %eq3A_80 = arith.constant 0 : i32
    %eq3A_81 = arith.cmpi eq, %jit3A_79, %eq3A_80 : i32
    %jit3A_82 = arith.constant 1 : i32
    %select_n3A_83 = arith.select %eq3A_81, %jit3A_82, %jit3A_79 : i32
    %rem3A_84 = vector.broadcast %select_n3A_83 : i32 to vector<1280x128xi32>
    %rem3A_85 = arith.remsi %iota3A_47, %rem3A_84 : vector<1280x128xi32>
    %ne3A_86 = arith.constant 0 : i32
    %ne3A_87 = vector.broadcast %ne3A_86 : i32 to vector<1280x128xi32>
    %ne3A_88 = arith.cmpi ne, %rem3A_85, %ne3A_87 : vector<1280x128xi32>
    %lt3A = arith.constant 0 : i32
    %lt3A_89 = vector.broadcast %lt3A : i32 to vector<1280x128xi32>
    %lt3A_90 = arith.cmpi slt, %rem3A_85, %lt3A_89 : vector<1280x128xi32>
    %lt3A_91 = arith.constant 0 : i32
    %lt3A_92 = arith.cmpi slt, %select_n3A_83, %lt3A_91 : i32
    %ne3A_93 = vector.broadcast %lt3A_92 : i1 to vector<1280x128xi1>
    %ne3A_94 = vector.broadcast %ne3A_93 : vector<1280x128xi1> to vector<1280x128xi1>
    %ne3A_95 = arith.xori %lt3A_90, %ne3A_94 : vector<1280x128xi1>
    %and3A_96 = arith.andi %ne3A_95, %ne3A_88 : vector<1280x128xi1>
    %add3A_97 = vector.broadcast %select_n3A_83 : i32 to vector<1280x128xi32>
    %add3A_98 = arith.addi %rem3A_85, %add3A_97 : vector<1280x128xi32>
    %select_n3A_99 = arith.select %and3A_96, %add3A_98, %rem3A_85 : vector<1280x128xi1>, vector<1280x128xi32>
    %eq3A_100 = arith.cmpi eq, %select_n3A_78, %select_n3A_99 : vector<1280x128xi32>
    %jit3A_101 = arith.constant 0.000000e+00 : f32
    %broadcast_in_dim3A = vector.broadcast %jit3A_101 : f32 to vector<1280x128xf32>
    %select_n3A_102 = arith.select %eq3A_100, %dot_general3A_45, %broadcast_in_dim3A : vector<1280x128xi1>, vector<1280x128xf32>
    %reduce_sum3A = arith.constant dense<0.000000e+00> : vector<1280xf32>
    %reduce_sum3A_103 = vector.multi_reduction <add>, %select_n3A_102, %reduce_sum3A [1] : vector<1280x128xf32> to vector<1280xf32>
    %broadcast_in_dim3A_104 = vector.shape_cast %reduce_sum3A_103 : vector<1280xf32> to vector<1280x1xf32>
    %mul3A = arith.constant 6.250000e-02 : f32
    %mul3A_105 = vector.broadcast %mul3A : f32 to vector<1280x1xf32>
    %mul3A_106 = arith.mulf %broadcast_in_dim3A_104, %mul3A_105 : vector<1280x1xf32>
    %max3A = arith.constant 1.000000e+00 : f32
    %max3A_107 = vector.broadcast %max3A : f32 to vector<1280x1xf32>
    %max3A_108 = arith.maximumf %mul3A_106, %max3A_107 : vector<1280x1xf32>
    %div3A_109 = vector.broadcast %max3A_108 : vector<1280x1xf32> to vector<1280x128xf32>
    %div3A_110 = arith.divf %add3A, %div3A_109 : vector<1280x128xf32>
    %get3A_111 = arith.constant 0 : index
    %get3A_112 = arith.constant 0 : index
    %get3A_113 = vector.load %arg1[%get3A_111, %get3A_112] : memref<1280x128xf32, #tpu.memory_space<vmem>>, vector<1280x128xf32>
    %get3A_114 = arith.constant 0 : index
    %get3A_115 = arith.constant 0 : index
    %get3A_116 = vector.load %arg4[%get3A_114, %get3A_115] : memref<128x128xf32, #tpu.memory_space<vmem>>, vector<128x128xf32>
    %dot_general3A_117 = arith.constant dense<0.000000e+00> : vector<1280x128xf32>
    %dot_general3A_118 = tpu.matmul %get3A_113, %get3A_116, %dot_general3A_117 {dimension_numbers = #tpu.dot_dimension_numbers<[1], [0], [0], [1], [0, 0, 1, 1], [], []>, transpose_lhs_hint = false} : vector<1280x128xf32>, vector<128x128xf32>, vector<1280x128xf32> -> vector<1280x128xf32>
    %get3A_119 = arith.constant 0 : index
    %get3A_120 = arith.constant 0 : index
    %get3A_121 = vector.load %arg5[%get3A_119, %get3A_120] : memref<128x128xf32, #tpu.memory_space<vmem>>, vector<128x128xf32>
    %dot_general3A_122 = arith.constant dense<0.000000e+00> : vector<1280x128xf32>
    %dot_general3A_123 = tpu.matmul %div3A_110, %get3A_121, %dot_general3A_122 {dimension_numbers = #tpu.dot_dimension_numbers<[1], [0], [0], [1], [0, 0, 1, 1], [], []>, transpose_lhs_hint = false} : vector<1280x128xf32>, vector<128x128xf32>, vector<1280x128xf32> -> vector<1280x128xf32>
    %add3A_124 = arith.addf %dot_general3A_118, %dot_general3A_123 : vector<1280x128xf32>
    %get3A_125 = arith.constant 0 : index
    %get3A_126 = arith.constant 0 : index
    %get3A_127 = vector.load %arg6[%get3A_125, %get3A_126] : memref<1x128xf32, #tpu.memory_space<vmem>>, vector<1x128xf32>
    %add3A_128 = vector.broadcast %get3A_127 : vector<1x128xf32> to vector<1280x128xf32>
    %add3A_129 = arith.addf %add3A_124, %add3A_128 : vector<1280x128xf32>
    %max3A_130 = arith.constant 0.000000e+00 : f32
    %max3A_131 = vector.broadcast %max3A_130 : f32 to vector<1280x128xf32>
    %max3A_132 = arith.maximumf %add3A_129, %max3A_131 : vector<1280x128xf32>
    %get3A_133 = arith.constant 0 : index
    %get3A_134 = arith.constant 0 : index
    %get3A_135 = vector.load %arg8[%get3A_133, %get3A_134] : memref<128x64xf32, #tpu.memory_space<vmem>>, vector<128x64xf32>
    %dot_general3A_136 = arith.constant dense<0.000000e+00> : vector<1280x64xf32>
    %dot_general3A_137 = tpu.matmul %max3A_132, %get3A_135, %dot_general3A_136 {dimension_numbers = #tpu.dot_dimension_numbers<[1], [0], [0], [1], [0, 0, 1, 1], [], []>, transpose_lhs_hint = false} : vector<1280x128xf32>, vector<128x64xf32>, vector<1280x64xf32> -> vector<1280x64xf32>
    %iota3A_138 = tpu.iota {dimensions = array<i32: 0>} : vector<640x1280xi32>
    %iota3A_139 = tpu.iota {dimensions = array<i32: 1>} : vector<640x1280xi32>
    %mul3A_140 = arith.constant 2 : i32
    %mul3A_141 = vector.broadcast %mul3A_140 : i32 to vector<640x1280xi32>
    %mul3A_142 = arith.muli %mul3A_141, %iota3A_138 : vector<640x1280xi32>
    %eq3A_143 = arith.cmpi eq, %iota3A_139, %mul3A_142 : vector<640x1280xi32>
    %convert_element_type3A_144 = arith.extui %eq3A_143 : vector<640x1280xi1> to vector<640x1280xi32>
    %convert_element_type3A_145 = arith.sitofp %convert_element_type3A_144 : vector<640x1280xi32> to vector<640x1280xf32>
    %dot_general3A_146 = arith.constant dense<0.000000e+00> : vector<640x64xf32>
    %dot_general3A_147 = tpu.matmul %convert_element_type3A_145, %dot_general3A_137, %dot_general3A_146 {dimension_numbers = #tpu.dot_dimension_numbers<[1], [0], [0], [1], [0, 0, 1, 1], [], []>, transpose_lhs_hint = false} : vector<640x1280xf32>, vector<1280x64xf32>, vector<640x64xf32> -> vector<640x64xf32>
    %iota3A_148 = tpu.iota {dimensions = array<i32: 0>} : vector<640x1280xi32>
    %iota3A_149 = tpu.iota {dimensions = array<i32: 1>} : vector<640x1280xi32>
    %mul3A_150 = arith.constant 2 : i32
    %mul3A_151 = vector.broadcast %mul3A_150 : i32 to vector<640x1280xi32>
    %mul3A_152 = arith.muli %mul3A_151, %iota3A_148 : vector<640x1280xi32>
    %add3A_153 = arith.constant 1 : i32
    %add3A_154 = vector.broadcast %add3A_153 : i32 to vector<640x1280xi32>
    %add3A_155 = arith.addi %mul3A_152, %add3A_154 : vector<640x1280xi32>
    %eq3A_156 = arith.cmpi eq, %iota3A_149, %add3A_155 : vector<640x1280xi32>
    %convert_element_type3A_157 = arith.extui %eq3A_156 : vector<640x1280xi1> to vector<640x1280xi32>
    %convert_element_type3A_158 = arith.sitofp %convert_element_type3A_157 : vector<640x1280xi32> to vector<640x1280xf32>
    %dot_general3A_159 = arith.constant dense<0.000000e+00> : vector<640x64xf32>
    %dot_general3A_160 = tpu.matmul %convert_element_type3A_158, %dot_general3A_137, %dot_general3A_159 {dimension_numbers = #tpu.dot_dimension_numbers<[1], [0], [0], [1], [0, 0, 1, 1], [], []>, transpose_lhs_hint = false} : vector<640x1280xf32>, vector<1280x64xf32>, vector<640x64xf32> -> vector<640x64xf32>
    %concatenate3A = tpu.concatenate %dot_general3A_147, %dot_general3A_160 in 1 : vector<640x64xf32>, vector<640x64xf32> -> vector<640x128xf32>
    %swap3A = arith.constant 0 : index
    %swap3A_161 = arith.constant 0 : index
    %swap3A_162 = vector.load %arg10[%swap3A, %swap3A_161] : memref<640x128xf32, #tpu.memory_space<vmem>>, vector<640x128xf32>
    tpu.vector_store %arg10[%swap3A, %swap3A_161], %concatenate3A {strides = array<i32>} : memref<640x128xf32, #tpu.memory_space<vmem>>, vector<640x128xf32>,
    %get3A_163 = arith.constant 0 : index
    %get3A_164 = arith.constant 0 : index
    %get3A_165 = vector.load %arg7[%get3A_163, %get3A_164] : memref<128x64xf32, #tpu.memory_space<vmem>>, vector<128x64xf32>
    %dot_general3A_166 = arith.constant dense<0.000000e+00> : vector<1280x64xf32>
    %dot_general3A_167 = tpu.matmul %max3A_132, %get3A_165, %dot_general3A_166 {dimension_numbers = #tpu.dot_dimension_numbers<[1], [0], [0], [1], [0, 0, 1, 1], [], []>, transpose_lhs_hint = false} : vector<1280x128xf32>, vector<128x64xf32>, vector<1280x64xf32> -> vector<1280x64xf32>
    %get3A_168 = arith.constant 0 : index
    %get3A_169 = arith.constant 0 : index
    %get3A_170 = vector.load %arg9[%get3A_168, %get3A_169] : memref<1x64xf32, #tpu.memory_space<vmem>>, vector<1x64xf32>
    %add3A_171 = vector.broadcast %get3A_170 : vector<1x64xf32> to vector<1280x64xf32>
    %add3A_172 = arith.addf %dot_general3A_167, %add3A_171 : vector<1280x64xf32>
    %broadcast_in_dim3A_173 = vector.shape_cast %mul3A_106 : vector<1280x1xf32> to vector<1280x1xf32>
    %broadcast_in_dim3A_174 = vector.broadcast %broadcast_in_dim3A_173 : vector<1280x1xf32> to vector<1280x64xf32>
    %concatenate3A_175 = tpu.concatenate %add3A_172, %broadcast_in_dim3A_174 in 1 : vector<1280x64xf32>, vector<1280x64xf32> -> vector<1280x128xf32>
    %swap3A_176 = arith.constant 0 : index
    %swap3A_177 = arith.constant 0 : index
    %swap3A_178 = vector.load %arg11[%swap3A_176, %swap3A_177] : memref<1280x128xf32, #tpu.memory_space<vmem>>, vector<1280x128xf32>
    tpu.vector_store %arg11[%swap3A_176, %swap3A_177], %concatenate3A_175 {strides = array<i32>} : memref<1280x128xf32, #tpu.memory_space<vmem>>, vector<1280x128xf32>,
    return
  }
  func.func @transform_0(%arg0: i32) -> (i32, i32) {
    %c0_i32 = arith.constant 0 : i32
    %c0_i32_0 = arith.constant 0 : i32
    return %arg0, %c0_i32 : i32, i32
  }
  func.func @transform_1(%arg0: i32) -> (i32, i32, i32) {
    %c0_i32 = arith.constant 0 : i32
    %c0_i32_0 = arith.constant 0 : i32
    %c0_i32_1 = arith.constant 0 : i32
    return %c0_i32, %arg0, %c0_i32_0 : i32, i32, i32
  }
  func.func @transform_2(%arg0: i32) -> (i32, i32, i32) {
    %c0_i32 = arith.constant 0 : i32
    %c0_i32_0 = arith.constant 0 : i32
    %c0_i32_1 = arith.constant 0 : i32
    return %c0_i32, %arg0, %c0_i32_0 : i32, i32, i32
  }
  func.func @transform_3(%arg0: i32) -> (i32, i32) {
    %c0_i32 = arith.constant 0 : i32
    %c0_i32_0 = arith.constant 0 : i32
    %c0_i32_1 = arith.constant 0 : i32
    return %c0_i32, %c0_i32_0 : i32, i32
  }
  func.func @transform_4(%arg0: i32) -> (i32, i32) {
    %c0_i32 = arith.constant 0 : i32
    %c0_i32_0 = arith.constant 0 : i32
    %c0_i32_1 = arith.constant 0 : i32
    return %c0_i32, %c0_i32_0 : i32, i32
  }
  func.func @transform_5(%arg0: i32) -> (i32, i32) {
    %c0_i32 = arith.constant 0 : i32
    %c0_i32_0 = arith.constant 0 : i32
    %c0_i32_1 = arith.constant 0 : i32
    return %c0_i32, %c0_i32_0 : i32, i32
  }
  func.func @transform_6(%arg0: i32) -> (i32, i32) {
    %c0_i32 = arith.constant 0 : i32
    %c0_i32_0 = arith.constant 0 : i32
    %c0_i32_1 = arith.constant 0 : i32
    return %c0_i32, %c0_i32_0 : i32, i32
  }
  func.func @transform_7(%arg0: i32) -> (i32, i32) {
    %c0_i32 = arith.constant 0 : i32
    %c0_i32_0 = arith.constant 0 : i32
    %c0_i32_1 = arith.constant 0 : i32
    return %c0_i32, %c0_i32_0 : i32, i32
  }
  func.func @transform_8(%arg0: i32) -> (i32, i32) {
    %c0_i32 = arith.constant 0 : i32
    %c0_i32_0 = arith.constant 0 : i32
    %c0_i32_1 = arith.constant 0 : i32
    return %c0_i32, %c0_i32_0 : i32, i32
  }
  func.func @transform_9(%arg0: i32) -> (i32, i32) {
    %c0_i32 = arith.constant 0 : i32
    %c0_i32_0 = arith.constant 0 : i32
    return %arg0, %c0_i32 : i32, i32
  }
  func.func @transform_10(%arg0: i32) -> (i32, i32) {
    %c0_i32 = arith.constant 0 : i32
    %c0_i32_0 = arith.constant 0 : i32
    return %arg0, %c0_i32 : i32, i32
  }
}

module attributes {stable_mosaic.version = 14 : i64} {
  func.func @sage_tc_final(%arg0: i32, %arg1: memref<1280x128xf32, #tpu.memory_space<vmem>>, %arg2: memref<2x640x128xf32, #tpu.memory_space<vmem>>, %arg3: memref<1280x64xf32, #tpu.memory_space<vmem>>) attributes {dimension_semantics = [#tpu.dimension_semantics<arbitrary>], iteration_bounds = array<i64: 8>, scalar_prefetch = 0 : i64, scratch_operands = 0 : i64, tpu.core_type = #tpu.core_type<tc>, window_params = [{transform_indices = @transform_0, window_bounds = array<i64: 1280, 128>}, {transform_indices = @transform_1, window_bounds = array<i64: 2, 640, 128>}, {transform_indices = @transform_2, window_bounds = array<i64: 1280, 64>}]} {
    %get3A = arith.constant 0 : index
    %get3A_0 = arith.constant 64 : index
    %get3A_1 = vector.load %arg1[%get3A, %get3A_0] : memref<1280x128xf32, #tpu.memory_space<vmem>>, vector<1280x1xf32>
    %max3A = arith.constant 1.000000e+00 : f32
    %max3A_2 = vector.broadcast %max3A : f32 to vector<1280x1xf32>
    %max3A_3 = arith.maximumf %get3A_1, %max3A_2 : vector<1280x1xf32>
    %get3A_4 = arith.constant 0 : index
    %get3A_5 = arith.constant 0 : index
    %get3A_6 = arith.constant 0 : index
    %get3A_7 = vector.load %arg2[%get3A_4, %get3A_5, %get3A_6] : memref<2x640x128xf32, #tpu.memory_space<vmem>>, vector<1x640x128xf32>
    %get3A_8 = vector.shape_cast %get3A_7 : vector<1x640x128xf32> to vector<640x128xf32>
    %get3A_9 = arith.constant 1 : index
    %get3A_10 = arith.constant 0 : index
    %get3A_11 = arith.constant 0 : index
    %get3A_12 = vector.load %arg2[%get3A_9, %get3A_10, %get3A_11] : memref<2x640x128xf32, #tpu.memory_space<vmem>>, vector<1x640x128xf32>
    %get3A_13 = vector.shape_cast %get3A_12 : vector<1x640x128xf32> to vector<640x128xf32>
    %add3A = arith.addf %get3A_8, %get3A_13 : vector<640x128xf32>
    %iota3A = tpu.iota {dimensions = array<i32: 0>} : vector<1280x640xi32>
    %iota3A_14 = tpu.iota {dimensions = array<i32: 1>} : vector<1280x640xi32>
    %jit3A = arith.constant 2 : i32
    %eq3A = arith.constant 0 : i32
    %eq3A_15 = arith.cmpi eq, %jit3A, %eq3A : i32
    %jit3A_16 = arith.constant 1 : i32
    %select_n3A = arith.select %eq3A_15, %jit3A_16, %jit3A : i32
    %rem3A = vector.broadcast %select_n3A : i32 to vector<1280x640xi32>
    %rem3A_17 = arith.remsi %iota3A, %rem3A : vector<1280x640xi32>
    %ne3A = arith.constant 0 : i32
    %ne3A_18 = vector.broadcast %ne3A : i32 to vector<1280x640xi32>
    %ne3A_19 = arith.cmpi ne, %rem3A_17, %ne3A_18 : vector<1280x640xi32>
    %lt3A = arith.constant 0 : i32
    %lt3A_20 = vector.broadcast %lt3A : i32 to vector<1280x640xi32>
    %lt3A_21 = arith.cmpi slt, %rem3A_17, %lt3A_20 : vector<1280x640xi32>
    %lt3A_22 = arith.constant 0 : i32
    %lt3A_23 = arith.cmpi slt, %select_n3A, %lt3A_22 : i32
    %ne3A_24 = vector.broadcast %lt3A_23 : i1 to vector<1280x640xi1>
    %ne3A_25 = vector.broadcast %ne3A_24 : vector<1280x640xi1> to vector<1280x640xi1>
    %ne3A_26 = arith.xori %lt3A_21, %ne3A_25 : vector<1280x640xi1>
    %and3A = arith.andi %ne3A_26, %ne3A_19 : vector<1280x640xi1>
    %add3A_27 = vector.broadcast %select_n3A : i32 to vector<1280x640xi32>
    %add3A_28 = arith.addi %rem3A_17, %add3A_27 : vector<1280x640xi32>
    %select_n3A_29 = arith.select %and3A, %add3A_28, %rem3A_17 : vector<1280x640xi1>, vector<1280x640xi32>
    %eq3A_30 = arith.constant 0 : i32
    %eq3A_31 = vector.broadcast %eq3A_30 : i32 to vector<1280x640xi32>
    %eq3A_32 = arith.cmpi eq, %select_n3A_29, %eq3A_31 : vector<1280x640xi32>
    %jit3A_33 = arith.constant 2 : i32
    %div3A = vector.broadcast %jit3A_33 : i32 to vector<1280x640xi32>
    %div3A_34 = arith.divsi %iota3A, %div3A : vector<1280x640xi32>
    %sign3A = arith.constant 0 : i32
    %sign3A_35 = vector.broadcast %sign3A : i32 to vector<1280x640xi32>
    %sign3A_36 = arith.cmpi sgt, %iota3A, %sign3A_35 : vector<1280x640xi32>
    %sign3A_37 = arith.extui %sign3A_36 : vector<1280x640xi1> to vector<1280x640xi32>
    %sign3A_38 = arith.constant 0 : i32
    %sign3A_39 = vector.broadcast %sign3A_38 : i32 to vector<1280x640xi32>
    %sign3A_40 = arith.cmpi slt, %iota3A, %sign3A_39 : vector<1280x640xi32>
    %sign3A_41 = arith.extui %sign3A_40 : vector<1280x640xi1> to vector<1280x640xi32>
    %sign3A_42 = arith.subi %sign3A_37, %sign3A_41 : vector<1280x640xi32>
    %sign3A_43 = arith.constant 0 : i32
    %sign3A_44 = arith.cmpi sgt, %jit3A_33, %sign3A_43 : i32
    %sign3A_45 = arith.extui %sign3A_44 : i1 to i32
    %sign3A_46 = arith.constant 0 : i32
    %sign3A_47 = arith.cmpi slt, %jit3A_33, %sign3A_46 : i32
    %sign3A_48 = arith.extui %sign3A_47 : i1 to i32
    %sign3A_49 = arith.subi %sign3A_45, %sign3A_48 : i32
    %ne3A_50 = vector.broadcast %sign3A_49 : i32 to vector<1280x640xi32>
    %ne3A_51 = arith.cmpi ne, %sign3A_42, %ne3A_50 : vector<1280x640xi32>
    %rem3A_52 = vector.broadcast %jit3A_33 : i32 to vector<1280x640xi32>
    %rem3A_53 = arith.remsi %iota3A, %rem3A_52 : vector<1280x640xi32>
    %ne3A_54 = arith.constant 0 : i32
    %ne3A_55 = vector.broadcast %ne3A_54 : i32 to vector<1280x640xi32>
    %ne3A_56 = arith.cmpi ne, %rem3A_53, %ne3A_55 : vector<1280x640xi32>
    %and3A_57 = arith.andi %ne3A_51, %ne3A_56 : vector<1280x640xi1>
    %sub3A = arith.constant 1 : i32
    %sub3A_58 = vector.broadcast %sub3A : i32 to vector<1280x640xi32>
    %sub3A_59 = arith.subi %div3A_34, %sub3A_58 : vector<1280x640xi32>
    %select_n3A_60 = arith.select %and3A_57, %sub3A_59, %div3A_34 : vector<1280x640xi1>, vector<1280x640xi32>
    %eq3A_61 = arith.cmpi eq, %iota3A_14, %select_n3A_60 : vector<1280x640xi32>
    %and3A_62 = arith.andi %eq3A_32, %eq3A_61 : vector<1280x640xi1>
    %convert_element_type3A = arith.extui %and3A_62 : vector<1280x640xi1> to vector<1280x640xi32>
    %convert_element_type3A_63 = arith.sitofp %convert_element_type3A : vector<1280x640xi32> to vector<1280x640xf32>
    %jit3A_64 = arith.constant 2 : i32
    %eq3A_65 = arith.constant 0 : i32
    %eq3A_66 = arith.cmpi eq, %jit3A_64, %eq3A_65 : i32
    %jit3A_67 = arith.constant 1 : i32
    %select_n3A_68 = arith.select %eq3A_66, %jit3A_67, %jit3A_64 : i32
    %rem3A_69 = vector.broadcast %select_n3A_68 : i32 to vector<1280x640xi32>
    %rem3A_70 = arith.remsi %iota3A, %rem3A_69 : vector<1280x640xi32>
    %ne3A_71 = arith.constant 0 : i32
    %ne3A_72 = vector.broadcast %ne3A_71 : i32 to vector<1280x640xi32>
    %ne3A_73 = arith.cmpi ne, %rem3A_70, %ne3A_72 : vector<1280x640xi32>
    %lt3A_74 = arith.constant 0 : i32
    %lt3A_75 = vector.broadcast %lt3A_74 : i32 to vector<1280x640xi32>
    %lt3A_76 = arith.cmpi slt, %rem3A_70, %lt3A_75 : vector<1280x640xi32>
    %lt3A_77 = arith.constant 0 : i32
    %lt3A_78 = arith.cmpi slt, %select_n3A_68, %lt3A_77 : i32
    %ne3A_79 = vector.broadcast %lt3A_78 : i1 to vector<1280x640xi1>
    %ne3A_80 = vector.broadcast %ne3A_79 : vector<1280x640xi1> to vector<1280x640xi1>
    %ne3A_81 = arith.xori %lt3A_76, %ne3A_80 : vector<1280x640xi1>
    %and3A_82 = arith.andi %ne3A_81, %ne3A_73 : vector<1280x640xi1>
    %add3A_83 = vector.broadcast %select_n3A_68 : i32 to vector<1280x640xi32>
    %add3A_84 = arith.addi %rem3A_70, %add3A_83 : vector<1280x640xi32>
    %select_n3A_85 = arith.select %and3A_82, %add3A_84, %rem3A_70 : vector<1280x640xi1>, vector<1280x640xi32>
    %eq3A_86 = arith.constant 1 : i32
    %eq3A_87 = vector.broadcast %eq3A_86 : i32 to vector<1280x640xi32>
    %eq3A_88 = arith.cmpi eq, %select_n3A_85, %eq3A_87 : vector<1280x640xi32>
    %jit3A_89 = arith.constant 2 : i32
    %div3A_90 = vector.broadcast %jit3A_89 : i32 to vector<1280x640xi32>
    %div3A_91 = arith.divsi %iota3A, %div3A_90 : vector<1280x640xi32>
    %sign3A_92 = arith.constant 0 : i32
    %sign3A_93 = vector.broadcast %sign3A_92 : i32 to vector<1280x640xi32>
    %sign3A_94 = arith.cmpi sgt, %iota3A, %sign3A_93 : vector<1280x640xi32>
    %sign3A_95 = arith.extui %sign3A_94 : vector<1280x640xi1> to vector<1280x640xi32>
    %sign3A_96 = arith.constant 0 : i32
    %sign3A_97 = vector.broadcast %sign3A_96 : i32 to vector<1280x640xi32>
    %sign3A_98 = arith.cmpi slt, %iota3A, %sign3A_97 : vector<1280x640xi32>
    %sign3A_99 = arith.extui %sign3A_98 : vector<1280x640xi1> to vector<1280x640xi32>
    %sign3A_100 = arith.subi %sign3A_95, %sign3A_99 : vector<1280x640xi32>
    %sign3A_101 = arith.constant 0 : i32
    %sign3A_102 = arith.cmpi sgt, %jit3A_89, %sign3A_101 : i32
    %sign3A_103 = arith.extui %sign3A_102 : i1 to i32
    %sign3A_104 = arith.constant 0 : i32
    %sign3A_105 = arith.cmpi slt, %jit3A_89, %sign3A_104 : i32
    %sign3A_106 = arith.extui %sign3A_105 : i1 to i32
    %sign3A_107 = arith.subi %sign3A_103, %sign3A_106 : i32
    %ne3A_108 = vector.broadcast %sign3A_107 : i32 to vector<1280x640xi32>
    %ne3A_109 = arith.cmpi ne, %sign3A_100, %ne3A_108 : vector<1280x640xi32>
    %rem3A_110 = vector.broadcast %jit3A_89 : i32 to vector<1280x640xi32>
    %rem3A_111 = arith.remsi %iota3A, %rem3A_110 : vector<1280x640xi32>
    %ne3A_112 = arith.constant 0 : i32
    %ne3A_113 = vector.broadcast %ne3A_112 : i32 to vector<1280x640xi32>
    %ne3A_114 = arith.cmpi ne, %rem3A_111, %ne3A_113 : vector<1280x640xi32>
    %and3A_115 = arith.andi %ne3A_109, %ne3A_114 : vector<1280x640xi1>
    %sub3A_116 = arith.constant 1 : i32
    %sub3A_117 = vector.broadcast %sub3A_116 : i32 to vector<1280x640xi32>
    %sub3A_118 = arith.subi %div3A_91, %sub3A_117 : vector<1280x640xi32>
    %select_n3A_119 = arith.select %and3A_115, %sub3A_118, %div3A_91 : vector<1280x640xi1>, vector<1280x640xi32>
    %eq3A_120 = arith.cmpi eq, %iota3A_14, %select_n3A_119 : vector<1280x640xi32>
    %and3A_121 = arith.andi %eq3A_88, %eq3A_120 : vector<1280x640xi1>
    %convert_element_type3A_122 = arith.extui %and3A_121 : vector<1280x640xi1> to vector<1280x640xi32>
    %convert_element_type3A_123 = arith.sitofp %convert_element_type3A_122 : vector<1280x640xi32> to vector<1280x640xf32>
    %slice3A = vector.extract_strided_slice %add3A {offsets = [0, 0], sizes = [640, 64], strides = [1, 1]} : vector<640x128xf32> to vector<640x64xf32>
    %dot_general3A = arith.constant dense<0.000000e+00> : vector<1280x64xf32>
    %dot_general3A_124 = tpu.matmul %convert_element_type3A_63, %slice3A, %dot_general3A {dimension_numbers = #tpu.dot_dimension_numbers<[1], [0], [0], [1], [0, 0, 1, 1], [], []>, transpose_lhs_hint = false} : vector<1280x640xf32>, vector<640x64xf32>, vector<1280x64xf32> -> vector<1280x64xf32>
    %slice3A_125 = vector.extract_strided_slice %add3A {offsets = [0, 64], sizes = [640, 64], strides = [1, 1]} : vector<640x128xf32> to vector<640x64xf32>
    %dot_general3A_126 = arith.constant dense<0.000000e+00> : vector<1280x64xf32>
    %dot_general3A_127 = tpu.matmul %convert_element_type3A_123, %slice3A_125, %dot_general3A_126 {dimension_numbers = #tpu.dot_dimension_numbers<[1], [0], [0], [1], [0, 0, 1, 1], [], []>, transpose_lhs_hint = false} : vector<1280x640xf32>, vector<640x64xf32>, vector<1280x64xf32> -> vector<1280x64xf32>
    %add3A_128 = arith.addf %dot_general3A_124, %dot_general3A_127 : vector<1280x64xf32>
    %get3A_129 = arith.constant 0 : index
    %get3A_130 = arith.constant 0 : index
    %get3A_131 = vector.load %arg1[%get3A_129, %get3A_130] : memref<1280x128xf32, #tpu.memory_space<vmem>>, vector<1280x64xf32>
    %div3A_132 = vector.broadcast %max3A_3 : vector<1280x1xf32> to vector<1280x64xf32>
    %div3A_133 = arith.divf %add3A_128, %div3A_132 : vector<1280x64xf32>
    %add3A_134 = arith.addf %get3A_131, %div3A_133 : vector<1280x64xf32>
    %swap3A = arith.constant 0 : index
    %swap3A_135 = arith.constant 0 : index
    %swap3A_136 = vector.load %arg3[%swap3A, %swap3A_135] : memref<1280x64xf32, #tpu.memory_space<vmem>>, vector<1280x64xf32>
    tpu.vector_store %arg3[%swap3A, %swap3A_135], %add3A_134 {strides = array<i32>} : memref<1280x64xf32, #tpu.memory_space<vmem>>, vector<1280x64xf32>,
    return
  }
  func.func @transform_0(%arg0: i32) -> (i32, i32) {
    %c0_i32 = arith.constant 0 : i32
    %c0_i32_0 = arith.constant 0 : i32
    return %arg0, %c0_i32 : i32, i32
  }
  func.func @transform_1(%arg0: i32) -> (i32, i32, i32) {
    %c0_i32 = arith.constant 0 : i32
    %c0_i32_0 = arith.constant 0 : i32
    %c0_i32_1 = arith.constant 0 : i32
    return %c0_i32, %arg0, %c0_i32_0 : i32, i32, i32
  }
  func.func @transform_2(%arg0: i32) -> (i32, i32) {
    %c0_i32 = arith.constant 0 : i32
    %c0_i32_0 = arith.constant 0 : i32
    return %arg0, %c0_i32 : i32, i32
  }
}

</mosaic_0001>

<sc_bundles>
// kernel: sage_seg_sum_d128.3.cloned.1.call-start
scs
__scs_entry_jumppad:
0x0: {  	(pc) =	sbr.rel $0x88, $3  }
0x1: {  	(tag) =	ssettag $0x0;
	lr =	simm.s32 $0x1  }
0x2: {  	[smem:$0x3F99] =	sst lr;
	_ =	strace $0xD0000000  }
0x3: {  	_ = 	snop  }
0x4: {  	_ = 	snop  }
0x5: {  	_ = 	snop  }
0x6: {  	_ = 	snop  }
0x7: {  	_ = 	snop  }
__scs_overlays_trampoline_lowered:
0x8: {  	[smem:$0x3FA8] =	sst s0  }
0x9: {  	[smem:$0x3FA9] =	sst s1  }
0xa: {  	[smem:$0x3FAA] =	sst s2  }
0xb: {  	[smem:$0x3FAB] =	sst s3  }
0xc: {  	[smem:$0x3FAC] =	sst s4  }
0xd: {  	[smem:$0x3FAD] =	sst s5  }
0xe: {  	[smem:$0x3FAE] =	sst s6  }
0xf: {  	[smem:$0x3FAF] =	sst s7  }
0x10: {  	[smem:$0x3FB0] =	sst s8  }
0x11: {  	[smem:$0x3FB1] =	sst s9;
	s0 =	simm.s32 @!p0 $0x0  }
0x12: {  	s1 =	sld [smem:$0x3F97];
	s0 =	simm.s32 @p0 $0x1  }
0x13: {  	[smem:$0x3FB2] =	sst s0;
	s0 =	simm.s32 @!p1 $0x0  }
0x14: {  	s2 =	sld [smem:$0x3F96];
	s0 =	simm.s32 @p1 $0x1  }
0x15: {  	[smem:$0x3FB3] =	sst s0;
	s0 =	simm.s32 @!p2 $0x0  }
0x16: {  	s3 =	sld [smem:$0x3FDB];
	s0 =	simm.s32 @p2 $0x1  }
0x17: {  	s4 =	simm.s32 $0x1BF5;
	[smem:$0x3FB5] =	sst s0  }
0x18: {  	s0 =	sld [smem:$0x3F98];
	_ =	swait.ge [sflag:s4], $0x0  }
0x19: {  	s7 =	sld [smem:$0x3F99]  }
0x1a: {  	s8 =	sadd.s32 $0xFFFFE003, lr  }
0x1b: {  	s9 =	sadd.s32 $0xFFFFFEF7, lr;
	s5 =	simm.s32 $0xFFFFFFFF;
	p2 =	slt.u32 s8, $0xFFFFF086  }
0x1c: {  	p1 =	slt.u32 s9, $0xF7A;
	s5 =	simm.s32 @!p2 $0x0  }
0x1d: {  	s5 =	simm.s32 @p1 $0x1;
	p0 =	seq.s32 s7, s2  }
0x1e: {  	s7 =	smul.u32 @!p0 $0xF7A, s2;
	p2 =	seq.s32 @!p0 s5, $0x0  }
0x1f: {  	s9 =	smul.u32 $0xF7A, s1;
	s8 =	simm.s32 @!p0 $0x1BF5;
	p2 =	por !p2, p0  }
0x20: {  	[sflag:s8] =	ssyncset.s32 @!p0 $0xFFFFF086;
	s6 =	sadd.s32 @!p0 s3, s7;
	s7 =	simm.s32 @!p0 $0x108  }
0x21: {  	s3 =	sadd.s32 s3, s9;
	s6 =	sadd.s32 @!p0 $0x88, s6;
	s7 =	simm.s32 @p2 $0x1082  }
0x22: {  	[simem:s7], [sflag:s8] =	dma.local @!p0 [hbm:s6], $0xF7A  }
0x23: {  	s9 =	sor.u32 $0xD0000000, s2;
	s6 =	simm.s32 $0x108;
	_ =	swait.ge @!p0 [sflag:s8], $0x0  }
0x24: {  	s3 =	sadd.s32 $0x88, s3;
	s6 =	simm.s32 @!p1 $0x1082;
	[sflag:s4] =	ssyncset.s32 $0xFFFFF086  }
0x25: {  	[simem:s6], [sflag:s4] =	dma.local [hbm:s3], $0xF7A  }
0x26: {  	[smem:$0x3F99] =	sst s1;
	(tag) =	ssettag s2;
	_ =	strace s9  }
0x27: {  	s1 =	sld [smem:$0x3FA9]  }
0x28: {  	s2 =	sld [smem:$0x3FAA]  }
0x29: {  	s4 =	sld [smem:$0x3FAC]  }
0x2a: {  	p0 =	seq.s32 s5, $0x0;
	s5 =	sld [smem:$0x3FAD]  }
0x2b: {  	s6 =	sld [smem:$0x3FAE]  }
0x2c: {  	s7 =	sld [smem:$0x3FAF]  }
0x2d: {  	s3 =	simm.s32 $0x108;
	s8 =	sld [smem:$0x3FB0]  }
0x2e: {  	s3 =	simm.s32 @!p0 $0x1082;
	s9 =	sld [smem:$0x3FB1]  }
0x2f: {  	lr =	sadd.s32 s0, s3;
	s0 =	sld [smem:$0x3FA8]  }
0x30: {  	s3 =	sld [smem:$0x3FAB]  }
0x31: {  	[smem:$0x3FB4] =	sst s10  }
0x32: {  	s10 =	sld [smem:$0x3FB2];
	_ =	sdelay $0x3  }
0x33: {  	p0 =	seq.s32 s10, $0x1;
	s10 =	sld [smem:$0x3FB4];
	_ =	sdelay $0x3  }
0x34: {  	[smem:$0x3FB4] =	sst s10  }
0x35: {  	s10 =	sld [smem:$0x3FB3];
	_ =	sdelay $0x3  }
0x36: {  	p1 =	seq.s32 s10, $0x1;
	s10 =	sld [smem:$0x3FB4];
	_ =	sdelay $0x3  }
0x37: {  	[smem:$0x3FB4] =	sst s10  }
0x38: {  	s10 =	sld [smem:$0x3FB5]  }
0x39: {  	_ = 	snop;
	(pc) =	sbr.ind lr, $3  }
0x3a: {  	_ = 	snop  }
0x3b: {  	_ = 	snop  }
0x3c: {  	p2 =	seq.s32 s10, $0x1;
	s10 =	sld [smem:$0x3FB4]  }
0x3d: {  	_ =	shalt  }
0x3e: {  	_ =	shalt  }
0x3f: {  	_ =	shalt  }
0x40: {  	_ =	shalt  }
0x41: {  	_ =	shalt  }
0x42: {  	_ =	shalt  }
0x43: {  	_ =	shalt  }
0x44: {  	_ =	shalt  }
0x45: {  	_ =	shalt  }
0x46: {  	_ =	shalt  }
0x47: {  	_ =	shalt  }
0x48: {  	_ =	shalt  }
0x49: {  	_ =	shalt  }
0x4a: {  	_ =	shalt  }
0x4b: {  	_ =	shalt  }
0x4c: {  	_ =	shalt  }
0x4d: {  	_ =	shalt  }
0x4e: {  	_ =	shalt  }
0x4f: {  	_ =	shalt  }
0x50: {  	_ =	shalt  }
0x51: {  	_ =	shalt  }
0x52: {  	_ =	shalt  }
0x53: {  	_ =	shalt  }
0x54: {  	_ =	shalt  }
0x55: {  	_ =	shalt  }
0x56: {  	_ =	shalt  }
0x57: {  	_ =	shalt  }
0x58: {  	_ =	shalt  }
0x59: {  	_ =	shalt  }
0x5a: {  	_ =	shalt  }
0x5b: {  	_ =	shalt  }
0x5c: {  	_ =	shalt  }
0x5d: {  	_ =	shalt  }
0x5e: {  	_ =	shalt  }
0x5f: {  	_ =	shalt  }
0x60: {  	_ =	shalt  }
0x61: {  	_ =	shalt  }
0x62: {  	_ =	shalt  }
0x63: {  	_ =	shalt  }
0x64: {  	_ =	shalt  }
0x65: {  	_ =	shalt  }
0x66: {  	_ =	shalt  }
0x67: {  	_ =	shalt  }
0x68: {  	_ =	shalt  }
0x69: {  	_ =	shalt  }
0x6a: {  	_ =	shalt  }
0x6b: {  	_ =	shalt  }
0x6c: {  	_ =	shalt  }
0x6d: {  	_ =	shalt  }
0x6e: {  	_ =	shalt  }
0x6f: {  	_ =	shalt  }
0x70: {  	_ =	shalt  }
0x71: {  	_ =	shalt  }
0x72: {  	_ =	shalt  }
0x73: {  	_ =	shalt  }
0x74: {  	_ =	shalt  }
0x75: {  	_ =	shalt  }
0x76: {  	_ =	shalt  }
0x77: {  	_ =	shalt  }
0x78: {  	_ =	shalt  }
0x79: {  	_ =	shalt  }
0x7a: {  	_ =	shalt  }
0x7b: {  	_ =	shalt  }
0x7c: {  	_ =	shalt  }
0x7d: {  	_ =	shalt  }
0x7e: {  	_ =	shalt  }
0x7f: {  	_ =	shalt  }
0x80: {  	_ =	shalt  }
0x81: {  	_ =	shalt  }
0x82: {  	_ =	shalt  }
0x83: {  	_ =	shalt  }
0x84: {  	_ =	shalt  }
0x85: {  	_ =	shalt  }
0x86: {  	_ =	shalt  }
0x87: {  	_ =	shalt  }
.Lfunc_end0:
.L_simem_size_0:
called_computation_lowered:
.L_overlay_start_0:
0x88: {  	s2 =	sld [smem:$0x3FD9]  }
0x89: {  	s3 =	sld [smem:$0x3FFE];
	_ =	sdelay $0x1  }
0x8a: {  	s1 =	srdreg.scid  }
0x8b: {  	s0 =	sand.u32 $0x1, s1  }
0x8c: {  	s17 =	sshll.u32 s0, $0xA;
	s2 =	sadd.s32 s3, s2  }
0x8d: {  	s2 =	sadd.s32 s2, s17  }
0x8e: {  	[smem:$0x3FC0] =	sst s2  }
0x8f: {  	_ = 	snop  }
0x90: {  	s2 =	sld [smem:$0x3FC9]  }
0x91: {  	s18 =	sld [smem:$0x3FD0];
	(tm) =	ssettm $0x1  }
0x92: {  	s4 =	sld [smem:$0x3FFB];
	_ =	sdelay $0x3  }
0x93: {  	_ =	strace s4  }
0x94: {  	s4 =	sld [smem:$0x3FFC];
	_ =	sdelay $0x3  }
0x95: {  	_ =	strace s4  }
0x96: {  	s4 =	sld [smem:$0x3FFD];
	_ =	sdelay $0x3  }
0x97: {  	_ =	strace s4  }
0x98: {  	_ =	strace $0x8FFFFFFF  }
0x99: {  	s19 =	sld [smem:$0x3FDB];
	_ =	sdelay $0x1  }
0x9a: {  	s5 =	simm.s32 $_scs_section_size  }
0x9b: {  	s6 =	simm.s32 $_size__tile_overlayer_lowered;
	s7 =	simm.s32 $_tile_overlayer_lowered  }
0x9c: {  	s22 =	simm.s32 $0x1BFF;
	s21 =	sshll.u32 s7, $0x1;
	s4 =	sadd.s32 s5, s19  }
0x9d: {  	s8 =	simm.s32 $0x0;
	s20 =	sshll.u32 s6, $0x1;
	s6 =	sadd.s32 s21, s4  }
0x9e: {  	[timem:s8], [sflag:s22] =	dma.local [hbm:s6], s20  }
0x9f: {  	_ =	swait.ge [sflag:s22], s20  }
0xa0: {  	s5 =	ssub.s32 $0x0, s20;
	[sflag:s22] =	ssyncset.done $0x0  }
0xa1: {  	[sflag:s22] =	ssyncadd.s32 s5;
	_ =	sdelay $0x1  }
0xa2: {  	s23 =	simm.s32 $0x1B8B  }
0xa3: {  	_ =	swait.ge [sflag:s23], $0x1  }
0xa4: {  	[sflag:s23] =	ssyncset.done $0x0  }
0xa5: {  	s25 =	simm.s32 $0x1B8E;
	s24 =	sld [smem:$0x3FFE];
	[sflag:s23] =	ssyncadd.s32 $0xFFFFFFFF  }
0xa6: {  	s26 =	simm.s32 $execute0_lowered;
	[smem:$0x3FD2] =	sst s25  }
0xa7: {  	s6 =	sshll.u32 s26, $0x1;
	_ =	strace $0x80000046;
	[dreg:$0x1] =	wrdreg $0xFFFFFFFF  }
0xa8: {  	s28 =	simm.s32 $_size_execute0_lowered;
	s4 =	sadd.s32 s4, s6;
	[dreg:$0x0] =	wrdreg $0x0  }
0xa9: {  	s6 =	sshll.u32 s28, $0x1;
	[dreg:$0x2] =	wrdreg s4  }
0xaa: {  	[dreg:$0x3] =	wrdreg s6  }
0xab: {  	[dreg:$0x4] =	wrdreg $0xC0  }
0xac: {  	_ =	task [dreg:s8], $0x5FFFF  }
0xad: {  	[dreg:$0x1] =	wrdreg $0xFFFFFFFF  }
0xae: {  	[dreg:$0x0] =	wrdreg $0x60  }
0xaf: {  	[dreg:$0x2] =	wrdreg s2  }
0xb0: {  	[dreg:$0x3] =	wrdreg s24  }
0xb1: {  	[dreg:$0x4] =	wrdreg s18  }
0xb2: {  	[dreg:$0x5] =	wrdreg $0x0  }
0xb3: {  	[dreg:$0x6] =	wrdreg $0x1D6000  }
0xb4: {  	[dreg:$0x7] =	wrdreg $0x9  }
0xb5: {  	_ =	task.clear_ibuf [dreg:s8], $0x8FFFF;
	_ =	strace $0x90000046  }
0xb6: {  	s29 =	simm.s32 $0x9;
	_ =	strace $0x80000048  }
0xb7: {  	_ =	swait.ge [sflag:s29], $0x1  }
0xb8: {  	[sflag:s29] =	ssyncadd.s32 $0xFFFFFFFF  }
0xb9: {  	_ =	strace $0x90000048  }
0xba: {  	_ =	sfence  }
0xbb: {  	s30 =	sld [smem:$0x0];
	_ =	sdelay $0x2  }
0xbc: {  	s31 =	sshll.u32 s1, $0xD;
	s1 =	sshrl.u32 s1, $0x2  }
0xbd: {  	s3 =	sand.u32 $0x4000, s31;
	s1 =	sadd.s32 s1, s30  }
0xbe: {  	s0 =	sor.u32 s3, s0;
	s1 =	sshll.u32 s1, $0x11  }
0xbf: {  	s0 =	sor.u32 s1, s0  }
0xc0: {  	s0 =	sadd.s32 $0x8F2B, s0  }
0xc1: {  	[sflag:s0] =	ssyncadd.remote.s32 $0x1  }
0xc2: {  	_ =	sfence.sel $0xFFFF  }
0xc3: {  	[dreg:$0x0] =	wrdreg $0xFFFFFFFF;
	(pc) =	sbr.abs _section_cstart, $3  }
0xc4: {  	[dreg:$0x1] =	wrdreg $0xFFFFFFFF  }
0xc5: {  	_ =	task.clear_ibuf [dreg:s8], $0x2FFFF;
	_ =	strace $0x9FFFFFFF  }
0xc6: {  	(tm) =	ssettm $0x7FFFFFFF  }
0xc7: {  	_ =	shalt  }
tec
execute0_lowered:
.L_overlay_start_1:
0x0: {  	(tag) =	ssettag $0x1  }
0x1: {  	s1 =	rddreg [dreg:$0x0]  }
0x2: {  	s0 =	rddreg [dreg:$0x1];
	s2 =	srdreg.scid  }
0x3: {  	s16 =	stileid.u32;
	s7 =	rddreg [dreg:$0x2]  }
0x4: {  	s3 =	rddreg [dreg:$0x3];
	s8 =	smul.u32 $0x13A00, s16  }
0x5: {  	s28 =	simm.s32 $0x14E00;
	s29 =	simm.s32 $0x5;
	s10 =	smul.u32 $0x274, s16  }
0x6: {  	s2 =	sand.u32 $0x1, s2;
	s4 =	sshll.u32 s16, $0x1;
	s16 =	smul.u32 $0x2740, s16  }
0x7: {  	s30 =	simm.s32 $0x1CE00;
	s31 =	simm.s32 $0x13A00;
	s9 =	smul.u32 $0x13A000, s2  }
0x8: {  	s5 =	sor.u32 s2, s4;
	s13 =	ssub.s32 $0x2, s2;
	s2 =	smul.u32 $0x27400, s2  }
0x9: {  	s4 =	rddreg [dreg:$0x4];
	s6 =	smul.u32 $0x2800, s5;
	s5 =	simm.s32 $0x0  }
0xa: {  	s14 =	sshrl.u32 s13, $0x1;
	s18 =	sadd.s32 $0x180, s10;
	[smem:$0x7FF] =	sst s5  }
0xb: {  	s9 =	sadd.s32 s8, s9;
	s19 =	sshll.u32 s18, $0x7;
	s2 =	sadd.s32 s16, s2  }
0xc: {  	_ =	strace $0x80000047;
	s6 =	sshrl.u32 s6, $0x3;
	s11 =	sshrl.u32 s9, $0x3  }
0xd: {  	s9 =	ssub.s32 s13, s14;
	s14 =	sadd.s32 $0x100, s10;
	s2 =	sshrl.u32 s2, $0x3  }
0xe: {  	s12 =	sadd.s32 s6, s0;
	s0 =	sadd.s32 s11, s0;
	s11 =	sadd.s32 $0x80, s10  }
0xf: {  	s6 =	sadd.s32 s8, s3;
	s17 =	sshll.u32 s14, $0x7;
	s10 =	sadd.s32 $0x200, s10  }
0x10: {  	s22 =	sshll.u32 s14, $0x4;
	s14 =	simm.s32 $0x14480;
	s13 =	sshll.u32 s11, $0x7  }
0x11: {  	s8 =	sadd.s32 s17, s3;
	s21 =	sshll.u32 s11, $0x4;
	s11 =	sadd.s32 s16, s4  }
0x12: {  	s24 =	sadd.s32 $0x2A00, s12;
	s25 =	sadd.s32 $0xCA00, s12;
	[dreg:$0x7] =	wrdreg s8  }
0x13: {  	s26 =	sadd.s32 $0x2B40, s12;
	s15 =	sadd.s32 s13, s3;
	[dreg:$0xe] =	wrdreg s24  }
0x14: {  	s13 =	sadd.s32 s19, s3;
	s8 =	sshll.u32 s18, $0x4;
	[dreg:$0xf] =	wrdreg s25  }
0x15: {  	[dreg:$0x10] =	wrdreg s26;
	s19 =	sadd.s32 $0xCB40, s12;
	s24 =	sadd.s32 $0xCDC0, s12  }
0x16: {  	s25 =	sadd.s32 $0x16A00, s0;
	s26 =	smax.u32 s9, $0x1;
	s0 =	simm.s32 $0x80  }
0x17: {  	s9 =	simm.s32 $0x18E00;
	[dreg:$0x6] =	wrdreg s15;
	s15 =	sshll.u32 s10, $0x7  }
0x18: {  	[dreg:$0x8] =	wrdreg s13;
	s13 =	sadd.s32 s21, s4;
	s10 =	sshll.u32 s10, $0x4  }
0x19: {  	s8 =	sadd.s32 s8, s4;
	s21 =	sadd.s32 s7, s2;
	s2 =	simm.s32 $0x14400  }
0x1a: {  	s7 =	simm.s32 $0x1;
	s20 =	sadd.s32 s15, s3;
	[dreg:$0xa] =	wrdreg s13  }
.Ltmp0:
0x1b: {  	s13 =	sadd.s32 s22, s4;
	[dreg:$0xc] =	wrdreg s8;
	(pc) =	sbr.rel .LBB2_1-.Ltmp0, $4  }
0x1c: {  	s23 =	sadd.s32 s10, s4;
	s22 =	sadd.s32 $0xCC80, s12;
	[dreg:$0x9] =	wrdreg s20  }
0x1d: {  	s8 =	simm.s32 $0x13A80;
	s10 =	simm.s32 $0x2;
	[dreg:$0xb] =	wrdreg s13  }
0x1e: {  	s15 =	simm.s32 $0x4;
	[dreg:$0xd] =	wrdreg s23;
	s20 =	sadd.s32 $0x2C80, s12  }
0x1f: {  	v0 =	vimm.f32 $0.0e+00;
	v1 =	vimm.f32 $1.000000000e+00;
	s23 =	sadd.s32 $0x2DC0, s12;
	s12 =	simm.s32 $0x3;
	s13 =	simm.s32 $0x13B00  }
.LBB2_21:
0x20: {  	s16 =	sadd.s32 $0x14580, s17  }
0x21: {  	[spmem:s3] =	stream.indirect.scatter.add.f32 [tilespmem:s9], [sflag:$0x4], $0x80, s16, s0, $0xb8;
	[tilespmem:$0x1FD40] =	vst v63  }
0x22: {  	_ = 	snop  }
0x23: {  	[spmem:s4] =	stream.indirect.scatter.add.f32 [tilespmem:s30], [sflag:$0x4], $0x10, s16, s0, $0xb8;
	[tilespmem:$0x1FD40] =	vst v63  }
.LBB2_23:
0x24: {  	_ =	swait.ge [sflag:s15], $0x4000  }
0x25: {  	[sflag:s15] =	ssyncset.done $0x0  }
0x26: {  	[sflag:s15] =	ssyncadd.s32 $0xFFFFC000  }
0x27: {  	_ =	swait.ge [sflag:s15], $0x800  }
0x28: {  	s16 =	stileid.u32;
	[sflag:s15] =	ssyncset.done $0x0  }
0x29: {  	s16 =	sshll.u32 s16, $0x6;
	[sflag:s15] =	ssyncadd.s32 $0xFFFFF800  }
0x2a: {  	s17 =	sshrl.u32 s6, $0x3;
	s16 =	sor.u32 $0x1C05, s16;
	[bflag:$0x0] =	sbarrier.arrive $0xFFFF  }
0x2b: {  	[hbm:s25], [sflag:s16] =	dma.local [spmem:s17], $0x2740  }
0x2c: {  	s5 =	sadd.s32 $0x1, s5;
	_ =	swait.ge [sflag:s29], $0x2740  }
0x2d: {  	p0 =	sne.s32 s5, s26;
	[sflag:s29] =	ssyncset.done $0x0  }
.Ltmp1:
0x2e: {  	s18 =	sshrl.u32 s11, $0x3;
	[sflag:s29] =	ssyncadd.s32 $0xFFFFD8C0;
	(pc) =	sbr.rel @!p0 .LBB2_24-.Ltmp1, $4  }
0x2f: {  	[hbm:s21], [sflag:s16] =	dma.local [spmem:s18], $0x4E8  }
0x30: {  	_ =	swait.ge [sflag:s29], $0x4E8  }
0x31: {  	[sflag:s29] =	ssyncset.done $0x0  }
0x32: {  	[sflag:s29] =	ssyncadd.s32 $0xFFFFFB18  }
.LBB2_1:
0x33: {  	s16 =	simm.s32 $0x0;
	s17 =	simm.s32 $0x200  }
.LBB2_2:
0x34: {  	p0 =	sne.s32 s17, $0xFE00;
	[tilespmem:s16+$0x14E70] =	vst v0  }
0x35: {  	[tilespmem:s16+$0x14E00] =	vst v0  }
0x36: {  	[tilespmem:s16+$0x14E10] =	vst v0  }
.Ltmp2:
0x37: {  	[tilespmem:s16+$0x14E20] =	vst v0;
	(pc) =	sbr.rel @p0 .LBB2_2-.Ltmp2, $4  }
0x38: {  	[tilespmem:s16+$0x14E30] =	vst v0  }
0x39: {  	[tilespmem:s16+$0x14E40] =	vst v0  }
0x3a: {  	[tilespmem:s16+$0x14E50] =	vst v0  }
0x3b: {  	[tilespmem:s16+$0x14E60] =	vst v0;
	s16 =	sshra.s32 s17, $0x2;
	s17 =	sadd.s32 $0x200, s17  }
0x3c: {  	[tilespmem:s16+$0x14E70] =	vst v0  }
0x3d: {  	[tilespmem:s16+$0x14E00] =	vst v0  }
0x3e: {  	[tilespmem:s16+$0x14E10] =	vst v0  }
0x3f: {  	[tilespmem:s16+$0x14E20] =	vst v0  }
0x40: {  	[tilespmem:s16+$0x14E30] =	vst v0  }
0x41: {  	[tilespmem:s16+$0x14E40] =	vst v0  }
0x42: {  	[tilespmem:s16+$0x14E50] =	vst v0  }
0x43: {  	[tilespmem:s16+$0x14E60] =	vst v0  }
0x44: {  	[spmem:s6] =	stream.linear.scatter [tilespmem:s28], [sflag:$0x5], $0x4000, $0x38;
	[tilespmem:$0x1FD40] =	vst v63  }
0x45: {  	_ =	swait.ge [sflag:s29], $0x4000  }
0x46: {  	[sflag:s29] =	ssyncset.done $0x0  }
0x47: {  	s17 =	rddreg [dreg:$0x6];
	[sflag:s29] =	ssyncadd.s32 $0xFFFFC000  }
0x48: {  	[spmem:s17] =	stream.linear.scatter [tilespmem:s28], [sflag:$0x5], $0x4000, $0x38;
	[tilespmem:$0x1FD40] =	vst v63  }
0x49: {  	_ =	swait.ge [sflag:s29], $0x4000  }
0x4a: {  	[sflag:s29] =	ssyncset.done $0x0  }
0x4b: {  	s18 =	rddreg [dreg:$0x7];
	[sflag:s29] =	ssyncadd.s32 $0xFFFFC000  }
0x4c: {  	[spmem:s18] =	stream.linear.scatter [tilespmem:s28], [sflag:$0x5], $0x4000, $0x38;
	[tilespmem:$0x1FD40] =	vst v63  }
0x4d: {  	_ =	swait.ge [sflag:s29], $0x4000  }
0x4e: {  	[sflag:s29] =	ssyncset.done $0x0  }
0x4f: {  	s17 =	rddreg [dreg:$0x8];
	[sflag:s29] =	ssyncadd.s32 $0xFFFFC000  }
0x50: {  	[spmem:s17] =	stream.linear.scatter [tilespmem:s28], [sflag:$0x5], $0x4000, $0x38;
	[tilespmem:$0x1FD40] =	vst v63  }
0x51: {  	_ =	swait.ge [sflag:s29], $0x4000  }
0x52: {  	[sflag:s29] =	ssyncset.done $0x0  }
0x53: {  	s18 =	rddreg [dreg:$0x9];
	[sflag:s29] =	ssyncadd.s32 $0xFFFFC000  }
0x54: {  	[spmem:s18] =	stream.linear.scatter [tilespmem:s28], [sflag:$0x5], $0x3A00, $0x38;
	[tilespmem:$0x1FD40] =	vst v63  }
0x55: {  	_ =	swait.ge [sflag:s29], $0x3A00  }
0x56: {  	[sflag:s29] =	ssyncset.done $0x0  }
0x57: {  	s16 =	simm.s32 $0x40;
	s17 =	simm.s32 $0x0;
	[sflag:s29] =	ssyncadd.s32 $0xFFFFC600  }
.LBB2_4:
0x58: {  	p0 =	sne.s32 s16, $0x1FC0;
	[tilespmem:s17+$0x1CE00] =	vst v0;
	s17 =	smov.u32 s16;
	s16 =	sadd.s32 $0x40, s16  }
.Ltmp3:
0x59: {  	(pc) =	sbr.rel @p0 .LBB2_4-.Ltmp3, $2  }
0x5a: {  	_ =	sdelay $0x2  }
0x5b: {  	s17 =	sshra.s32 s17, $0x2  }
0x5c: {  	[tilespmem:s17+$0x1CE00] =	vst v0  }
0x5d: {  	[spmem:s11] =	stream.linear.scatter [tilespmem:s30], [sflag:$0x5], $0x800, $0x38;
	[tilespmem:$0x1FD40] =	vst v63  }
0x5e: {  	_ =	swait.ge [sflag:s29], $0x800  }
0x5f: {  	[sflag:s29] =	ssyncset.done $0x0  }
0x60: {  	s16 =	rddreg [dreg:$0xa];
	[sflag:s29] =	ssyncadd.s32 $0xFFFFF800  }
0x61: {  	[spmem:s16] =	stream.linear.scatter [tilespmem:s30], [sflag:$0x5], $0x800, $0x38;
	[tilespmem:$0x1FD40] =	vst v63  }
0x62: {  	_ =	swait.ge [sflag:s29], $0x800  }
0x63: {  	[sflag:s29] =	ssyncset.done $0x0  }
0x64: {  	s18 =	rddreg [dreg:$0xb];
	[sflag:s29] =	ssyncadd.s32 $0xFFFFF800  }
0x65: {  	[spmem:s18] =	stream.linear.scatter [tilespmem:s30], [sflag:$0x5], $0x800, $0x38;
	[tilespmem:$0x1FD40] =	vst v63  }
0x66: {  	_ =	swait.ge [sflag:s29], $0x800  }
0x67: {  	[sflag:s29] =	ssyncset.done $0x0  }
0x68: {  	s17 =	rddreg [dreg:$0xc];
	[sflag:s29] =	ssyncadd.s32 $0xFFFFF800  }
0x69: {  	[spmem:s17] =	stream.linear.scatter [tilespmem:s30], [sflag:$0x5], $0x800, $0x38;
	[tilespmem:$0x1FD40] =	vst v63  }
0x6a: {  	_ =	swait.ge [sflag:s29], $0x800  }
0x6b: {  	[sflag:s29] =	ssyncset.done $0x0  }
0x6c: {  	s18 =	rddreg [dreg:$0xd];
	[sflag:s29] =	ssyncadd.s32 $0xFFFFF800  }
0x6d: {  	[spmem:s18] =	stream.linear.scatter [tilespmem:s30], [sflag:$0x5], $0x740, $0x38;
	[tilespmem:$0x1FD40] =	vst v63  }
0x6e: {  	_ =	swait.ge [sflag:s29], $0x740  }
0x6f: {  	[sflag:s29] =	ssyncset.done $0x0  }
0x70: {  	s16 =	simm.s32 $0x40;
	s17 =	simm.s32 $0x0;
	[sflag:s29] =	ssyncadd.s32 $0xFFFFF8C0  }
.LBB2_6:
0x71: {  	p0 =	sne.s32 s16, $0x1FC0;
	[tilespmem:s17+$0x1CE00] =	vst v1;
	s17 =	smov.u32 s16;
	s16 =	sadd.s32 $0x40, s16  }
.Ltmp4:
0x72: {  	(pc) =	sbr.rel @p0 .LBB2_6-.Ltmp4, $2  }
0x73: {  	_ =	sdelay $0x2  }
0x74: {  	s17 =	sshra.s32 s17, $0x2  }
0x75: {  	[tilespmem:s17+$0x1CE00] =	vst v1  }
0x76: {  	[bflag:$0x0] =	sbarrier.arrive $0xFFFF  }
0x77: {  	s16 =	simm.s32 $0x0;
	s18 =	rddreg [dreg:$0xe]  }
0x78: {  	[tilespmem:s31], [sflag:$0x5] =	stream.linear.gather [hbm4b:s18+s16], $0xA00, $0x38;
	[tilespmem:$0x1FD40] =	vst v63  }
0x79: {  	_ =	swait.ge [sflag:s29], $0xA00  }
0x7a: {  	[sflag:s29] =	ssyncset.done $0x0  }
0x7b: {  	s18 =	rddreg [dreg:$0xf];
	[sflag:s29] =	ssyncadd.s32 $0xFFFFF600  }
0x7c: {  	[tilespmem:s2], [sflag:$0x5] =	stream.linear.gather [hbm4b:s18+s16], $0xA00, $0x38;
	[tilespmem:$0x1FD40] =	vst v63  }
0x7d: {  	_ =	swait.ge [sflag:s29], $0xA00  }
0x7e: {  	[sflag:s29] =	ssyncset.done $0x0  }
0x7f: {  	[sflag:s29] =	ssyncadd.s32 $0xFFFFF600  }
0x80: {  	[tilespmem:s28], [sflag:$0x1] =	stream.indirect.gather [hbm4b:s1+s0], $0x80, s31, s0, $0xb8;
	[tilespmem:$0x1FD40] =	vst v63  }
0x81: {  	_ =	swait.ge [sflag:s7], $0x4000  }
0x82: {  	[sflag:s7] =	ssyncset.done $0x0  }
0x83: {  	[sflag:s7] =	ssyncadd.s32 $0xFFFFC000  }
0x84: {  	[tilespmem:s9], [sflag:$0x2] =	stream.indirect.gather [hbm4b:s1+s0], $0x80, s8, s0, $0xb8;
	[tilespmem:$0x1FD40] =	vst v63  }
0x85: {  	_ = 	snop  }
0x86: {  	[spmem:s3] =	stream.indirect.scatter.add.f32 [tilespmem:s28], [sflag:$0x3], $0x80, s2, s0, $0xb8;
	[tilespmem:$0x1FD40] =	vst v63  }
0x87: {  	_ = 	snop  }
0x88: {  	[spmem:s4] =	stream.indirect.scatter.add.f32 [tilespmem:s30], [sflag:$0x3], $0x10, s2, s0, $0xb8;
	[tilespmem:$0x1FD40] =	vst v63  }
0x89: {  	_ =	swait.ge [sflag:s10], $0x4000  }
0x8a: {  	[sflag:s10] =	ssyncset.done $0x0  }
0x8b: {  	[sflag:s10] =	ssyncadd.s32 $0xFFFFC000  }
0x8c: {  	_ =	swait.ge [sflag:s12], $0x4000  }
0x8d: {  	[sflag:s12] =	ssyncset.done $0x0  }
0x8e: {  	[sflag:s12] =	ssyncadd.s32 $0xFFFFC000  }
0x8f: {  	_ =	swait.ge [sflag:s12], $0x800  }
0x90: {  	[sflag:s12] =	ssyncset.done $0x0  }
0x91: {  	[sflag:s12] =	ssyncadd.s32 $0xFFFFF800  }
0x92: {  	[tilespmem:s28], [sflag:$0x1] =	stream.indirect.gather [hbm4b:s1+s0], $0x80, s13, s0, $0xb8;
	[tilespmem:$0x1FD40] =	vst v63  }
0x93: {  	_ = 	snop  }
0x94: {  	[spmem:s3] =	stream.indirect.scatter.add.f32 [tilespmem:s9], [sflag:$0x4], $0x80, s14, s0, $0xb8;
	[tilespmem:$0x1FD40] =	vst v63  }
0x95: {  	_ = 	snop  }
0x96: {  	[spmem:s4] =	stream.indirect.scatter.add.f32 [tilespmem:s30], [sflag:$0x4], $0x10, s14, s0, $0xb8;
	[tilespmem:$0x1FD40] =	vst v63  }
.LBB2_8:
0x97: {  	_ =	swait.ge [sflag:s7], $0x4000  }
0x98: {  	[sflag:s7] =	ssyncset.done $0x0  }
0x99: {  	[sflag:s7] =	ssyncadd.s32 $0xFFFFC000  }
0x9a: {  	_ =	swait.ge [sflag:s15], $0x4000  }
0x9b: {  	[sflag:s15] =	ssyncset.done $0x0  }
0x9c: {  	[sflag:s15] =	ssyncadd.s32 $0xFFFFC000  }
0x9d: {  	_ =	swait.ge [sflag:s15], $0x800  }
0x9e: {  	s17 =	sshra.s32 s16, $0x2;
	[sflag:s15] =	ssyncset.done $0x0  }
0x9f: {  	s18 =	sadd.s32 $0x13B80, s17;
	[sflag:s15] =	ssyncadd.s32 $0xFFFFF800  }
0xa0: {  	[tilespmem:s9], [sflag:$0x2] =	stream.indirect.gather [hbm4b:s1+s0], $0x80, s18, s0, $0xb8;
	[tilespmem:$0x1FD40] =	vst v63  }
0xa1: {  	s18 =	sadd.s32 $0x14500, s17  }
0xa2: {  	[spmem:s3] =	stream.indirect.scatter.add.f32 [tilespmem:s28], [sflag:$0x3], $0x80, s18, s0, $0xb8;
	[tilespmem:$0x1FD40] =	vst v63  }
0xa3: {  	_ = 	snop  }
0xa4: {  	[spmem:s4] =	stream.indirect.scatter.add.f32 [tilespmem:s30], [sflag:$0x3], $0x10, s18, s0, $0xb8;
	[tilespmem:$0x1FD40] =	vst v63  }
0xa5: {  	_ =	swait.ge [sflag:s10], $0x4000  }
0xa6: {  	[sflag:s10] =	ssyncset.done $0x0  }
0xa7: {  	[sflag:s10] =	ssyncadd.s32 $0xFFFFC000  }
0xa8: {  	p0 =	sne.s32 s16, $0x2000;
	_ =	swait.ge [sflag:s12], $0x4000  }
.Ltmp5:
0xa9: {  	[sflag:s12] =	ssyncset.done $0x0;
	(pc) =	sbr.rel @!p0 .LBB2_9-.Ltmp5, $4  }
0xaa: {  	[sflag:s12] =	ssyncadd.s32 $0xFFFFC000  }
0xab: {  	_ =	swait.ge [sflag:s12], $0x800  }
0xac: {  	[sflag:s12] =	ssyncset.done $0x0  }
0xad: {  	[sflag:s12] =	ssyncadd.s32 $0xFFFFF800  }
0xae: {  	s18 =	sadd.s32 $0x13C00, s17;
	s16 =	sadd.s32 $0x400, s16  }
0xaf: {  	[tilespmem:s28], [sflag:$0x1] =	stream.indirect.gather [hbm4b:s1+s0], $0x80, s18, s0, $0xb8;
	[tilespmem:$0x1FD40] =	vst v63  }
0xb0: {  	p0 =	sne.s32 s16, $0x2400  }
.Ltmp6:
0xb1: {  	_ = 	snop;
	(pc) =	sbr.rel @p0 .LBB2_8-.Ltmp6, $4  }
.Ltmp7:
0xb2: {  	s18 =	sadd.s32 $0x14580, s17;
	(pc) =	sbr.rel @!p0 .LBB2_11-.Ltmp7, $4  }
0xb3: {  	[spmem:s3] =	stream.indirect.scatter.add.f32 [tilespmem:s9], [sflag:$0x4], $0x80, s18, s0, $0xb8;
	[tilespmem:$0x1FD40] =	vst v63  }
0xb4: {  	_ = 	snop  }
0xb5: {  	[spmem:s4] =	stream.indirect.scatter.add.f32 [tilespmem:s30], [sflag:$0x4], $0x10, s18, s0, $0xb8;
	[tilespmem:$0x1FD40] =	vst v63  }
0xb6: {  	_ = 	snop  }
.LBB2_9:
0xb7: {  	s16 =	sadd.s32 $0x14580, s17  }
0xb8: {  	[spmem:s3] =	stream.indirect.scatter.add.f32 [tilespmem:s9], [sflag:$0x4], $0x80, s16, s0, $0xb8;
	[tilespmem:$0x1FD40] =	vst v63  }
0xb9: {  	_ = 	snop  }
0xba: {  	[spmem:s4] =	stream.indirect.scatter.add.f32 [tilespmem:s30], [sflag:$0x4], $0x10, s16, s0, $0xb8;
	[tilespmem:$0x1FD40] =	vst v63  }
.LBB2_11:
0xbb: {  	_ =	swait.ge [sflag:s15], $0x4000  }
0xbc: {  	[sflag:s15] =	ssyncset.done $0x0  }
0xbd: {  	[sflag:s15] =	ssyncadd.s32 $0xFFFFC000  }
0xbe: {  	_ =	swait.ge [sflag:s15], $0x800  }
0xbf: {  	[sflag:s15] =	ssyncset.done $0x0  }
0xc0: {  	s16 =	simm.s32 $0x0;
	s17 =	rddreg [dreg:$0x10];
	[sflag:s15] =	ssyncadd.s32 $0xFFFFF800  }
0xc1: {  	[tilespmem:s31], [sflag:$0x5] =	stream.linear.gather [hbm4b:s17+s16], $0xA00, $0x38;
	[tilespmem:$0x1FD40] =	vst v63  }
0xc2: {  	_ =	swait.ge [sflag:s29], $0xA00  }
0xc3: {  	[sflag:s29] =	ssyncset.done $0x0  }
0xc4: {  	[sflag:s29] =	ssyncadd.s32 $0xFFFFF600  }
0xc5: {  	[tilespmem:s2], [sflag:$0x5] =	stream.linear.gather [hbm4b:s19+s16], $0xA00, $0x38;
	[tilespmem:$0x1FD40] =	vst v63  }
0xc6: {  	_ =	swait.ge [sflag:s29], $0xA00  }
0xc7: {  	[sflag:s29] =	ssyncset.done $0x0  }
0xc8: {  	[sflag:s29] =	ssyncadd.s32 $0xFFFFF600  }
0xc9: {  	[tilespmem:s28], [sflag:$0x1] =	stream.indirect.gather [hbm4b:s1+s0], $0x80, s31, s0, $0xb8;
	[tilespmem:$0x1FD40] =	vst v63  }
0xca: {  	_ =	swait.ge [sflag:s7], $0x4000  }
0xcb: {  	[sflag:s7] =	ssyncset.done $0x0  }
0xcc: {  	[sflag:s7] =	ssyncadd.s32 $0xFFFFC000  }
0xcd: {  	[tilespmem:s9], [sflag:$0x2] =	stream.indirect.gather [hbm4b:s1+s0], $0x80, s8, s0, $0xb8;
	[tilespmem:$0x1FD40] =	vst v63  }
0xce: {  	_ = 	snop  }
0xcf: {  	[spmem:s3] =	stream.indirect.scatter.add.f32 [tilespmem:s28], [sflag:$0x3], $0x80, s2, s0, $0xb8;
	[tilespmem:$0x1FD40] =	vst v63  }
0xd0: {  	_ = 	snop  }
0xd1: {  	[spmem:s4] =	stream.indirect.scatter.add.f32 [tilespmem:s30], [sflag:$0x3], $0x10, s2, s0, $0xb8;
	[tilespmem:$0x1FD40] =	vst v63  }
0xd2: {  	_ =	swait.ge [sflag:s10], $0x4000  }
0xd3: {  	[sflag:s10] =	ssyncset.done $0x0  }
0xd4: {  	[sflag:s10] =	ssyncadd.s32 $0xFFFFC000  }
0xd5: {  	_ =	swait.ge [sflag:s12], $0x4000  }
0xd6: {  	[sflag:s12] =	ssyncset.done $0x0  }
0xd7: {  	[sflag:s12] =	ssyncadd.s32 $0xFFFFC000  }
0xd8: {  	_ =	swait.ge [sflag:s12], $0x800  }
0xd9: {  	[sflag:s12] =	ssyncset.done $0x0  }
0xda: {  	[sflag:s12] =	ssyncadd.s32 $0xFFFFF800  }
0xdb: {  	[tilespmem:s28], [sflag:$0x1] =	stream.indirect.gather [hbm4b:s1+s0], $0x80, s13, s0, $0xb8;
	[tilespmem:$0x1FD40] =	vst v63  }
0xdc: {  	_ = 	snop  }
0xdd: {  	[spmem:s3] =	stream.indirect.scatter.add.f32 [tilespmem:s9], [sflag:$0x4], $0x80, s14, s0, $0xb8;
	[tilespmem:$0x1FD40] =	vst v63  }
0xde: {  	_ = 	snop  }
0xdf: {  	[spmem:s4] =	stream.indirect.scatter.add.f32 [tilespmem:s30], [sflag:$0x4], $0x10, s14, s0, $0xb8;
	[tilespmem:$0x1FD40] =	vst v63  }
.LBB2_12:
0xe0: {  	_ =	swait.ge [sflag:s7], $0x4000  }
0xe1: {  	[sflag:s7] =	ssyncset.done $0x0  }
0xe2: {  	[sflag:s7] =	ssyncadd.s32 $0xFFFFC000  }
0xe3: {  	_ =	swait.ge [sflag:s15], $0x4000  }
0xe4: {  	[sflag:s15] =	ssyncset.done $0x0  }
0xe5: {  	[sflag:s15] =	ssyncadd.s32 $0xFFFFC000  }
0xe6: {  	_ =	swait.ge [sflag:s15], $0x800  }
0xe7: {  	s17 =	sshra.s32 s16, $0x2;
	[sflag:s15] =	ssyncset.done $0x0  }
0xe8: {  	s18 =	sadd.s32 $0x13B80, s17;
	[sflag:s15] =	ssyncadd.s32 $0xFFFFF800  }
0xe9: {  	[tilespmem:s9], [sflag:$0x2] =	stream.indirect.gather [hbm4b:s1+s0], $0x80, s18, s0, $0xb8;
	[tilespmem:$0x1FD40] =	vst v63  }
0xea: {  	s18 =	sadd.s32 $0x14500, s17  }
0xeb: {  	[spmem:s3] =	stream.indirect.scatter.add.f32 [tilespmem:s28], [sflag:$0x3], $0x80, s18, s0, $0xb8;
	[tilespmem:$0x1FD40] =	vst v63  }
0xec: {  	_ = 	snop  }
0xed: {  	[spmem:s4] =	stream.indirect.scatter.add.f32 [tilespmem:s30], [sflag:$0x3], $0x10, s18, s0, $0xb8;
	[tilespmem:$0x1FD40] =	vst v63  }
0xee: {  	_ =	swait.ge [sflag:s10], $0x4000  }
0xef: {  	[sflag:s10] =	ssyncset.done $0x0  }
0xf0: {  	[sflag:s10] =	ssyncadd.s32 $0xFFFFC000  }
0xf1: {  	p0 =	sne.s32 s16, $0x2000;
	_ =	swait.ge [sflag:s12], $0x4000  }
.Ltmp8:
0xf2: {  	[sflag:s12] =	ssyncset.done $0x0;
	(pc) =	sbr.rel @!p0 .LBB2_13-.Ltmp8, $4  }
0xf3: {  	[sflag:s12] =	ssyncadd.s32 $0xFFFFC000  }
0xf4: {  	_ =	swait.ge [sflag:s12], $0x800  }
0xf5: {  	[sflag:s12] =	ssyncset.done $0x0  }
0xf6: {  	[sflag:s12] =	ssyncadd.s32 $0xFFFFF800  }
0xf7: {  	s18 =	sadd.s32 $0x13C00, s17;
	s16 =	sadd.s32 $0x400, s16  }
0xf8: {  	[tilespmem:s28], [sflag:$0x1] =	stream.indirect.gather [hbm4b:s1+s0], $0x80, s18, s0, $0xb8;
	[tilespmem:$0x1FD40] =	vst v63  }
0xf9: {  	p0 =	sne.s32 s16, $0x2400  }
.Ltmp9:
0xfa: {  	_ = 	snop;
	(pc) =	sbr.rel @p0 .LBB2_12-.Ltmp9, $4  }
.Ltmp10:
0xfb: {  	s18 =	sadd.s32 $0x14580, s17;
	(pc) =	sbr.rel @!p0 .LBB2_15-.Ltmp10, $4  }
0xfc: {  	[spmem:s3] =	stream.indirect.scatter.add.f32 [tilespmem:s9], [sflag:$0x4], $0x80, s18, s0, $0xb8;
	[tilespmem:$0x1FD40] =	vst v63  }
0xfd: {  	_ = 	snop  }
0xfe: {  	[spmem:s4] =	stream.indirect.scatter.add.f32 [tilespmem:s30], [sflag:$0x4], $0x10, s18, s0, $0xb8;
	[tilespmem:$0x1FD40] =	vst v63  }
0xff: {  	_ = 	snop  }
.LBB2_13:
0x100: {  	s16 =	sadd.s32 $0x14580, s17  }
0x101: {  	[spmem:s3] =	stream.indirect.scatter.add.f32 [tilespmem:s9], [sflag:$0x4], $0x80, s16, s0, $0xb8;
	[tilespmem:$0x1FD40] =	vst v63  }
0x102: {  	_ = 	snop  }
0x103: {  	[spmem:s4] =	stream.indirect.scatter.add.f32 [tilespmem:s30], [sflag:$0x4], $0x10, s16, s0, $0xb8;
	[tilespmem:$0x1FD40] =	vst v63  }
.LBB2_15:
0x104: {  	_ =	swait.ge [sflag:s15], $0x4000  }
0x105: {  	[sflag:s15] =	ssyncset.done $0x0  }
0x106: {  	[sflag:s15] =	ssyncadd.s32 $0xFFFFC000  }
0x107: {  	_ =	swait.ge [sflag:s15], $0x800  }
0x108: {  	[sflag:s15] =	ssyncset.done $0x0  }
0x109: {  	s16 =	simm.s32 $0x0;
	[sflag:s15] =	ssyncadd.s32 $0xFFFFF800  }
0x10a: {  	[tilespmem:s31], [sflag:$0x5] =	stream.linear.gather [hbm4b:s20+s16], $0xA00, $0x38;
	[tilespmem:$0x1FD40] =	vst v63  }
0x10b: {  	_ =	swait.ge [sflag:s29], $0xA00  }
0x10c: {  	[sflag:s29] =	ssyncset.done $0x0  }
0x10d: {  	[sflag:s29] =	ssyncadd.s32 $0xFFFFF600  }
0x10e: {  	[tilespmem:s2], [sflag:$0x5] =	stream.linear.gather [hbm4b:s22+s16], $0xA00, $0x38;
	[tilespmem:$0x1FD40] =	vst v63  }
0x10f: {  	_ =	swait.ge [sflag:s29], $0xA00  }
0x110: {  	[sflag:s29] =	ssyncset.done $0x0  }
0x111: {  	[sflag:s29] =	ssyncadd.s32 $0xFFFFF600  }
0x112: {  	[tilespmem:s28], [sflag:$0x1] =	stream.indirect.gather [hbm4b:s1+s0], $0x80, s31, s0, $0xb8;
	[tilespmem:$0x1FD40] =	vst v63  }
0x113: {  	_ =	swait.ge [sflag:s7], $0x4000  }
0x114: {  	[sflag:s7] =	ssyncset.done $0x0  }
0x115: {  	[sflag:s7] =	ssyncadd.s32 $0xFFFFC000  }
0x116: {  	[tilespmem:s9], [sflag:$0x2] =	stream.indirect.gather [hbm4b:s1+s0], $0x80, s8, s0, $0xb8;
	[tilespmem:$0x1FD40] =	vst v63  }
0x117: {  	_ = 	snop  }
0x118: {  	[spmem:s3] =	stream.indirect.scatter.add.f32 [tilespmem:s28], [sflag:$0x3], $0x80, s2, s0, $0xb8;
	[tilespmem:$0x1FD40] =	vst v63  }
0x119: {  	_ = 	snop  }
0x11a: {  	[spmem:s4] =	stream.indirect.scatter.add.f32 [tilespmem:s30], [sflag:$0x3], $0x10, s2, s0, $0xb8;
	[tilespmem:$0x1FD40] =	vst v63  }
0x11b: {  	_ =	swait.ge [sflag:s10], $0x4000  }
0x11c: {  	[sflag:s10] =	ssyncset.done $0x0  }
0x11d: {  	[sflag:s10] =	ssyncadd.s32 $0xFFFFC000  }
0x11e: {  	_ =	swait.ge [sflag:s12], $0x4000  }
0x11f: {  	[sflag:s12] =	ssyncset.done $0x0  }
0x120: {  	[sflag:s12] =	ssyncadd.s32 $0xFFFFC000  }
0x121: {  	_ =	swait.ge [sflag:s12], $0x800  }
0x122: {  	[sflag:s12] =	ssyncset.done $0x0  }
0x123: {  	[sflag:s12] =	ssyncadd.s32 $0xFFFFF800  }
0x124: {  	[tilespmem:s28], [sflag:$0x1] =	stream.indirect.gather [hbm4b:s1+s0], $0x80, s13, s0, $0xb8;
	[tilespmem:$0x1FD40] =	vst v63  }
0x125: {  	_ = 	snop  }
0x126: {  	[spmem:s3] =	stream.indirect.scatter.add.f32 [tilespmem:s9], [sflag:$0x4], $0x80, s14, s0, $0xb8;
	[tilespmem:$0x1FD40] =	vst v63  }
0x127: {  	_ = 	snop  }
0x128: {  	[spmem:s4] =	stream.indirect.scatter.add.f32 [tilespmem:s30], [sflag:$0x4], $0x10, s14, s0, $0xb8;
	[tilespmem:$0x1FD40] =	vst v63  }
.LBB2_16:
0x129: {  	_ =	swait.ge [sflag:s7], $0x4000  }
0x12a: {  	[sflag:s7] =	ssyncset.done $0x0  }
0x12b: {  	[sflag:s7] =	ssyncadd.s32 $0xFFFFC000  }
0x12c: {  	_ =	swait.ge [sflag:s15], $0x4000  }
0x12d: {  	[sflag:s15] =	ssyncset.done $0x0  }
0x12e: {  	[sflag:s15] =	ssyncadd.s32 $0xFFFFC000  }
0x12f: {  	_ =	swait.ge [sflag:s15], $0x800  }
0x130: {  	s17 =	sshra.s32 s16, $0x2;
	[sflag:s15] =	ssyncset.done $0x0  }
0x131: {  	s18 =	sadd.s32 $0x13B80, s17;
	[sflag:s15] =	ssyncadd.s32 $0xFFFFF800  }
0x132: {  	[tilespmem:s9], [sflag:$0x2] =	stream.indirect.gather [hbm4b:s1+s0], $0x80, s18, s0, $0xb8;
	[tilespmem:$0x1FD40] =	vst v63  }
0x133: {  	s18 =	sadd.s32 $0x14500, s17  }
0x134: {  	[spmem:s3] =	stream.indirect.scatter.add.f32 [tilespmem:s28], [sflag:$0x3], $0x80, s18, s0, $0xb8;
	[tilespmem:$0x1FD40] =	vst v63  }
0x135: {  	_ = 	snop  }
0x136: {  	[spmem:s4] =	stream.indirect.scatter.add.f32 [tilespmem:s30], [sflag:$0x3], $0x10, s18, s0, $0xb8;
	[tilespmem:$0x1FD40] =	vst v63  }
0x137: {  	_ =	swait.ge [sflag:s10], $0x4000  }
0x138: {  	[sflag:s10] =	ssyncset.done $0x0  }
0x139: {  	[sflag:s10] =	ssyncadd.s32 $0xFFFFC000  }
0x13a: {  	p0 =	sne.s32 s16, $0x2000;
	_ =	swait.ge [sflag:s12], $0x4000  }
.Ltmp11:
0x13b: {  	[sflag:s12] =	ssyncset.done $0x0;
	(pc) =	sbr.rel @!p0 .LBB2_17-.Ltmp11, $4  }
0x13c: {  	[sflag:s12] =	ssyncadd.s32 $0xFFFFC000  }
0x13d: {  	_ =	swait.ge [sflag:s12], $0x800  }
0x13e: {  	[sflag:s12] =	ssyncset.done $0x0  }
0x13f: {  	[sflag:s12] =	ssyncadd.s32 $0xFFFFF800  }
0x140: {  	s18 =	sadd.s32 $0x13C00, s17;
	s16 =	sadd.s32 $0x400, s16  }
0x141: {  	[tilespmem:s28], [sflag:$0x1] =	stream.indirect.gather [hbm4b:s1+s0], $0x80, s18, s0, $0xb8;
	[tilespmem:$0x1FD40] =	vst v63  }
0x142: {  	p0 =	sne.s32 s16, $0x2400  }
.Ltmp12:
0x143: {  	_ = 	snop;
	(pc) =	sbr.rel @p0 .LBB2_16-.Ltmp12, $4  }
.Ltmp13:
0x144: {  	s18 =	sadd.s32 $0x14580, s17;
	(pc) =	sbr.rel @!p0 .LBB2_19-.Ltmp13, $4  }
0x145: {  	[spmem:s3] =	stream.indirect.scatter.add.f32 [tilespmem:s9], [sflag:$0x4], $0x80, s18, s0, $0xb8;
	[tilespmem:$0x1FD40] =	vst v63  }
0x146: {  	_ = 	snop  }
0x147: {  	[spmem:s4] =	stream.indirect.scatter.add.f32 [tilespmem:s30], [sflag:$0x4], $0x10, s18, s0, $0xb8;
	[tilespmem:$0x1FD40] =	vst v63  }
0x148: {  	_ = 	snop  }
.LBB2_17:
0x149: {  	s16 =	sadd.s32 $0x14580, s17  }
0x14a: {  	[spmem:s3] =	stream.indirect.scatter.add.f32 [tilespmem:s9], [sflag:$0x4], $0x80, s16, s0, $0xb8;
	[tilespmem:$0x1FD40] =	vst v63  }
0x14b: {  	_ = 	snop  }
0x14c: {  	[spmem:s4] =	stream.indirect.scatter.add.f32 [tilespmem:s30], [sflag:$0x4], $0x10, s16, s0, $0xb8;
	[tilespmem:$0x1FD40] =	vst v63  }
.LBB2_19:
0x14d: {  	_ =	swait.ge [sflag:s15], $0x4000  }
0x14e: {  	[sflag:s15] =	ssyncset.done $0x0  }
0x14f: {  	[sflag:s15] =	ssyncadd.s32 $0xFFFFC000  }
0x150: {  	_ =	swait.ge [sflag:s15], $0x800  }
0x151: {  	[sflag:s15] =	ssyncset.done $0x0  }
0x152: {  	s16 =	simm.s32 $0x0;
	[sflag:s15] =	ssyncadd.s32 $0xFFFFF800  }
0x153: {  	[tilespmem:s31], [sflag:$0x5] =	stream.linear.gather [hbm4b:s23+s16], $0xA00, $0x38;
	[tilespmem:$0x1FD40] =	vst v63  }
0x154: {  	_ =	swait.ge [sflag:s29], $0xA00  }
0x155: {  	[sflag:s29] =	ssyncset.done $0x0  }
0x156: {  	[sflag:s29] =	ssyncadd.s32 $0xFFFFF600  }
0x157: {  	[tilespmem:s2], [sflag:$0x5] =	stream.linear.gather [hbm4b:s24+s16], $0xA00, $0x38;
	[tilespmem:$0x1FD40] =	vst v63  }
0x158: {  	_ =	swait.ge [sflag:s29], $0xA00  }
0x159: {  	[sflag:s29] =	ssyncset.done $0x0  }
0x15a: {  	[sflag:s29] =	ssyncadd.s32 $0xFFFFF600  }
0x15b: {  	[tilespmem:s28], [sflag:$0x1] =	stream.indirect.gather [hbm4b:s1+s0], $0x80, s31, s0, $0xb8;
	[tilespmem:$0x1FD40] =	vst v63  }
0x15c: {  	_ =	swait.ge [sflag:s7], $0x4000  }
0x15d: {  	[sflag:s7] =	ssyncset.done $0x0  }
0x15e: {  	[sflag:s7] =	ssyncadd.s32 $0xFFFFC000  }
0x15f: {  	[tilespmem:s9], [sflag:$0x2] =	stream.indirect.gather [hbm4b:s1+s0], $0x80, s8, s0, $0xb8;
	[tilespmem:$0x1FD40] =	vst v63  }
0x160: {  	_ = 	snop  }
0x161: {  	[spmem:s3] =	stream.indirect.scatter.add.f32 [tilespmem:s28], [sflag:$0x3], $0x80, s2, s0, $0xb8;
	[tilespmem:$0x1FD40] =	vst v63  }
0x162: {  	_ = 	snop  }
0x163: {  	[spmem:s4] =	stream.indirect.scatter.add.f32 [tilespmem:s30], [sflag:$0x3], $0x10, s2, s0, $0xb8;
	[tilespmem:$0x1FD40] =	vst v63  }
0x164: {  	_ =	swait.ge [sflag:s10], $0x4000  }
0x165: {  	[sflag:s10] =	ssyncset.done $0x0  }
0x166: {  	[sflag:s10] =	ssyncadd.s32 $0xFFFFC000  }
0x167: {  	_ =	swait.ge [sflag:s12], $0x4000  }
0x168: {  	[sflag:s12] =	ssyncset.done $0x0  }
0x169: {  	[sflag:s12] =	ssyncadd.s32 $0xFFFFC000  }
0x16a: {  	_ =	swait.ge [sflag:s12], $0x800  }
0x16b: {  	[sflag:s12] =	ssyncset.done $0x0  }
0x16c: {  	[sflag:s12] =	ssyncadd.s32 $0xFFFFF800  }
0x16d: {  	[tilespmem:s28], [sflag:$0x1] =	stream.indirect.gather [hbm4b:s1+s0], $0x80, s13, s0, $0xb8;
	[tilespmem:$0x1FD40] =	vst v63  }
0x16e: {  	_ = 	snop  }
0x16f: {  	[spmem:s3] =	stream.indirect.scatter.add.f32 [tilespmem:s9], [sflag:$0x4], $0x80, s14, s0, $0xb8;
	[tilespmem:$0x1FD40] =	vst v63  }
0x170: {  	_ = 	snop  }
0x171: {  	[spmem:s4] =	stream.indirect.scatter.add.f32 [tilespmem:s30], [sflag:$0x4], $0x10, s14, s0, $0xb8;
	[tilespmem:$0x1FD40] =	vst v63  }
.LBB2_20:
0x172: {  	_ =	swait.ge [sflag:s7], $0x4000  }
0x173: {  	[sflag:s7] =	ssyncset.done $0x0  }
0x174: {  	[sflag:s7] =	ssyncadd.s32 $0xFFFFC000  }
0x175: {  	_ =	swait.ge [sflag:s15], $0x4000  }
0x176: {  	[sflag:s15] =	ssyncset.done $0x0  }
0x177: {  	[sflag:s15] =	ssyncadd.s32 $0xFFFFC000  }
0x178: {  	_ =	swait.ge [sflag:s15], $0x800  }
0x179: {  	s17 =	sshra.s32 s16, $0x2;
	[sflag:s15] =	ssyncset.done $0x0  }
0x17a: {  	s18 =	sadd.s32 $0x13B80, s17;
	[sflag:s15] =	ssyncadd.s32 $0xFFFFF800  }
0x17b: {  	[tilespmem:s9], [sflag:$0x2] =	stream.indirect.gather [hbm4b:s1+s0], $0x80, s18, s0, $0xb8;
	[tilespmem:$0x1FD40] =	vst v63  }
0x17c: {  	s18 =	sadd.s32 $0x14500, s17  }
0x17d: {  	[spmem:s3] =	stream.indirect.scatter.add.f32 [tilespmem:s28], [sflag:$0x3], $0x80, s18, s0, $0xb8;
	[tilespmem:$0x1FD40] =	vst v63  }
0x17e: {  	_ = 	snop  }
0x17f: {  	[spmem:s4] =	stream.indirect.scatter.add.f32 [tilespmem:s30], [sflag:$0x3], $0x10, s18, s0, $0xb8;
	[tilespmem:$0x1FD40] =	vst v63  }
0x180: {  	_ =	swait.ge [sflag:s10], $0x4000  }
0x181: {  	[sflag:s10] =	ssyncset.done $0x0  }
0x182: {  	[sflag:s10] =	ssyncadd.s32 $0xFFFFC000  }
0x183: {  	p0 =	sne.s32 s16, $0x2000;
	_ =	swait.ge [sflag:s12], $0x4000  }
.Ltmp14:
0x184: {  	[sflag:s12] =	ssyncset.done $0x0;
	(pc) =	sbr.rel @!p0 .LBB2_21-.Ltmp14, $4  }
0x185: {  	[sflag:s12] =	ssyncadd.s32 $0xFFFFC000  }
0x186: {  	_ =	swait.ge [sflag:s12], $0x800  }
0x187: {  	[sflag:s12] =	ssyncset.done $0x0  }
0x188: {  	[sflag:s12] =	ssyncadd.s32 $0xFFFFF800  }
0x189: {  	s18 =	sadd.s32 $0x13C00, s17;
	s16 =	sadd.s32 $0x400, s16  }
0x18a: {  	[tilespmem:s28], [sflag:$0x1] =	stream.indirect.gather [hbm4b:s1+s0], $0x80, s18, s0, $0xb8;
	[tilespmem:$0x1FD40] =	vst v63  }
0x18b: {  	p0 =	sne.s32 s16, $0x2400  }
.Ltmp15:
0x18c: {  	_ = 	snop;
	(pc) =	sbr.rel @p0 .LBB2_20-.Ltmp15, $4  }
.Ltmp16:
0x18d: {  	s18 =	sadd.s32 $0x14580, s17;
	(pc) =	sbr.rel @!p0 .LBB2_23-.Ltmp16, $4  }
0x18e: {  	[spmem:s3] =	stream.indirect.scatter.add.f32 [tilespmem:s9], [sflag:$0x4], $0x80, s18, s0, $0xb8;
	[tilespmem:$0x1FD40] =	vst v63  }
0x18f: {  	_ = 	snop  }
0x190: {  	[spmem:s4] =	stream.indirect.scatter.add.f32 [tilespmem:s30], [sflag:$0x4], $0x10, s18, s0, $0xb8;
	[tilespmem:$0x1FD40] =	vst v63  }
0x191: {  	_ = 	snop  }
.LBB2_24:
0x192: {  	_ =	sfence.sel $0x180000  }
0x193: {  	[bflag:$0x0] =	sbarrier.arrive $0xFFFF  }
0x194: {  	_ =	strace $0x90000047  }
0x195: {  	s0 =	stileid.u32;
	[bflag:$0x2] =	sbarrier.arrive $0xFFFF  }
0x196: {  	p0 =	sne.s32 s0, $0x0;
	s0 =	rddreg [dreg:$0x5]  }
0x197: {  	s0 =	sadd.s32 @!p0 $0x100000, s0  }
0x198: {  	[sflag:s0] =	ssyncadd.tile.s32 @!p0 $0x1;
	_ =	shalt  }
.Lfunc_end2:
_tile_overlayer_lowered:
.L_overlay_start_2:
0x199: {  	(tag) =	ssettag $0x2  }
0x19a: {  	s0 =	rddreg [dreg:$0x0];
	s2 =	stileid.u32  }
0x19b: {  	s1 =	rddreg [dreg:$0x1];
	p0 =	sne.s32 s2, $0x0  }
0x19c: {  	s3 =	rddreg [dreg:$0x2];
	[bflag:$0x3] =	sbarrier.arrive $0xFFFF;
	s2 =	simm.s32 @!p0 $0x1C05  }
0x19d: {  	[timem:s3], [sflag:s2] =	dma.local @!p0 [hbm:s0], s1  }
0x19e: {  	s0 =	simm.s32 @!p0 $0x5  }
0x19f: {  	_ =	swait.ge @!p0 [sflag:s0], s1  }
0x1a0: {  	s1 =	ssub.s32 @!p0 $0x0, s1;
	[sflag:s0] =	ssyncset.done @!p0 $0x0  }
0x1a1: {  	[sflag:s0] =	ssyncadd.s32 @!p0 s1  }
0x1a2: {  	[bflag:$0x3] =	sbarrier.arrive $0xFFFF  }
0x1a3: {  	_ =	shalt  }

// kernel: sage_seg_sum_d64.3.cloned.1.call-start
scs
__scs_entry_jumppad:
0x0: {  	(pc) =	sbr.rel $0x88, $3  }
0x1: {  	(tag) =	ssettag $0x0;
	lr =	simm.s32 $0x1  }
0x2: {  	[smem:$0x3F99] =	sst lr;
	_ =	strace $0xD0000000  }
0x3: {  	_ = 	snop  }
0x4: {  	_ = 	snop  }
0x5: {  	_ = 	snop  }
0x6: {  	_ = 	snop  }
0x7: {  	_ = 	snop  }
__scs_overlays_trampoline_lowered:
0x8: {  	[smem:$0x3FA8] =	sst s0  }
0x9: {  	[smem:$0x3FA9] =	sst s1  }
0xa: {  	[smem:$0x3FAA] =	sst s2  }
0xb: {  	[smem:$0x3FAB] =	sst s3  }
0xc: {  	[smem:$0x3FAC] =	sst s4  }
0xd: {  	[smem:$0x3FAD] =	sst s5  }
0xe: {  	[smem:$0x3FAE] =	sst s6  }
0xf: {  	[smem:$0x3FAF] =	sst s7  }
0x10: {  	[smem:$0x3FB0] =	sst s8  }
0x11: {  	[smem:$0x3FB1] =	sst s9;
	s0 =	simm.s32 @!p0 $0x0  }
0x12: {  	s1 =	sld [smem:$0x3F97];
	s0 =	simm.s32 @p0 $0x1  }
0x13: {  	[smem:$0x3FB2] =	sst s0;
	s0 =	simm.s32 @!p1 $0x0  }
0x14: {  	s2 =	sld [smem:$0x3F96];
	s0 =	simm.s32 @p1 $0x1  }
0x15: {  	[smem:$0x3FB3] =	sst s0;
	s0 =	simm.s32 @!p2 $0x0  }
0x16: {  	s3 =	sld [smem:$0x3FDB];
	s0 =	simm.s32 @p2 $0x1  }
0x17: {  	s4 =	simm.s32 $0x1BF5;
	[smem:$0x3FB5] =	sst s0  }
0x18: {  	s0 =	sld [smem:$0x3F98];
	_ =	swait.ge [sflag:s4], $0x0  }
0x19: {  	s7 =	sld [smem:$0x3F99]  }
0x1a: {  	s8 =	sadd.s32 $0xFFFFE003, lr  }
0x1b: {  	s9 =	sadd.s32 $0xFFFFFEF7, lr;
	s5 =	simm.s32 $0xFFFFFFFF;
	p2 =	slt.u32 s8, $0xFFFFF086  }
0x1c: {  	p1 =	slt.u32 s9, $0xF7A;
	s5 =	simm.s32 @!p2 $0x0  }
0x1d: {  	s5 =	simm.s32 @p1 $0x1;
	p0 =	seq.s32 s7, s2  }
0x1e: {  	s7 =	smul.u32 @!p0 $0xF7A, s2;
	p2 =	seq.s32 @!p0 s5, $0x0  }
0x1f: {  	s9 =	smul.u32 $0xF7A, s1;
	s8 =	simm.s32 @!p0 $0x1BF5;
	p2 =	por !p2, p0  }
0x20: {  	[sflag:s8] =	ssyncset.s32 @!p0 $0xFFFFF086;
	s6 =	sadd.s32 @!p0 s3, s7;
	s7 =	simm.s32 @!p0 $0x108  }
0x21: {  	s3 =	sadd.s32 s3, s9;
	s6 =	sadd.s32 @!p0 $0x88, s6;
	s7 =	simm.s32 @p2 $0x1082  }
0x22: {  	[simem:s7], [sflag:s8] =	dma.local @!p0 [hbm:s6], $0xF7A  }
0x23: {  	s9 =	sor.u32 $0xD0000000, s2;
	s6 =	simm.s32 $0x108;
	_ =	swait.ge @!p0 [sflag:s8], $0x0  }
0x24: {  	s3 =	sadd.s32 $0x88, s3;
	s6 =	simm.s32 @!p1 $0x1082;
	[sflag:s4] =	ssyncset.s32 $0xFFFFF086  }
0x25: {  	[simem:s6], [sflag:s4] =	dma.local [hbm:s3], $0xF7A  }
0x26: {  	[smem:$0x3F99] =	sst s1;
	(tag) =	ssettag s2;
	_ =	strace s9  }
0x27: {  	s1 =	sld [smem:$0x3FA9]  }
0x28: {  	s2 =	sld [smem:$0x3FAA]  }
0x29: {  	s4 =	sld [smem:$0x3FAC]  }
0x2a: {  	p0 =	seq.s32 s5, $0x0;
	s5 =	sld [smem:$0x3FAD]  }
0x2b: {  	s6 =	sld [smem:$0x3FAE]  }
0x2c: {  	s7 =	sld [smem:$0x3FAF]  }
0x2d: {  	s3 =	simm.s32 $0x108;
	s8 =	sld [smem:$0x3FB0]  }
0x2e: {  	s3 =	simm.s32 @!p0 $0x1082;
	s9 =	sld [smem:$0x3FB1]  }
0x2f: {  	lr =	sadd.s32 s0, s3;
	s0 =	sld [smem:$0x3FA8]  }
0x30: {  	s3 =	sld [smem:$0x3FAB]  }
0x31: {  	[smem:$0x3FB4] =	sst s10  }
0x32: {  	s10 =	sld [smem:$0x3FB2];
	_ =	sdelay $0x3  }
0x33: {  	p0 =	seq.s32 s10, $0x1;
	s10 =	sld [smem:$0x3FB4];
	_ =	sdelay $0x3  }
0x34: {  	[smem:$0x3FB4] =	sst s10  }
0x35: {  	s10 =	sld [smem:$0x3FB3];
	_ =	sdelay $0x3  }
0x36: {  	p1 =	seq.s32 s10, $0x1;
	s10 =	sld [smem:$0x3FB4];
	_ =	sdelay $0x3  }
0x37: {  	[smem:$0x3FB4] =	sst s10  }
0x38: {  	s10 =	sld [smem:$0x3FB5]  }
0x39: {  	_ = 	snop;
	(pc) =	sbr.ind lr, $3  }
0x3a: {  	_ = 	snop  }
0x3b: {  	_ = 	snop  }
0x3c: {  	p2 =	seq.s32 s10, $0x1;
	s10 =	sld [smem:$0x3FB4]  }
0x3d: {  	_ =	shalt  }
0x3e: {  	_ =	shalt  }
0x3f: {  	_ =	shalt  }
0x40: {  	_ =	shalt  }
0x41: {  	_ =	shalt  }
0x42: {  	_ =	shalt  }
0x43: {  	_ =	shalt  }
0x44: {  	_ =	shalt  }
0x45: {  	_ =	shalt  }
0x46: {  	_ =	shalt  }
0x47: {  	_ =	shalt  }
0x48: {  	_ =	shalt  }
0x49: {  	_ =	shalt  }
0x4a: {  	_ =	shalt  }
0x4b: {  	_ =	shalt  }
0x4c: {  	_ =	shalt  }
0x4d: {  	_ =	shalt  }
0x4e: {  	_ =	shalt  }
0x4f: {  	_ =	shalt  }
0x50: {  	_ =	shalt  }
0x51: {  	_ =	shalt  }
0x52: {  	_ =	shalt  }
0x53: {  	_ =	shalt  }
0x54: {  	_ =	shalt  }
0x55: {  	_ =	shalt  }
0x56: {  	_ =	shalt  }
0x57: {  	_ =	shalt  }
0x58: {  	_ =	shalt  }
0x59: {  	_ =	shalt  }
0x5a: {  	_ =	shalt  }
0x5b: {  	_ =	shalt  }
0x5c: {  	_ =	shalt  }
0x5d: {  	_ =	shalt  }
0x5e: {  	_ =	shalt  }
0x5f: {  	_ =	shalt  }
0x60: {  	_ =	shalt  }
0x61: {  	_ =	shalt  }
0x62: {  	_ =	shalt  }
0x63: {  	_ =	shalt  }
0x64: {  	_ =	shalt  }
0x65: {  	_ =	shalt  }
0x66: {  	_ =	shalt  }
0x67: {  	_ =	shalt  }
0x68: {  	_ =	shalt  }
0x69: {  	_ =	shalt  }
0x6a: {  	_ =	shalt  }
0x6b: {  	_ =	shalt  }
0x6c: {  	_ =	shalt  }
0x6d: {  	_ =	shalt  }
0x6e: {  	_ =	shalt  }
0x6f: {  	_ =	shalt  }
0x70: {  	_ =	shalt  }
0x71: {  	_ =	shalt  }
0x72: {  	_ =	shalt  }
0x73: {  	_ =	shalt  }
0x74: {  	_ =	shalt  }
0x75: {  	_ =	shalt  }
0x76: {  	_ =	shalt  }
0x77: {  	_ =	shalt  }
0x78: {  	_ =	shalt  }
0x79: {  	_ =	shalt  }
0x7a: {  	_ =	shalt  }
0x7b: {  	_ =	shalt  }
0x7c: {  	_ =	shalt  }
0x7d: {  	_ =	shalt  }
0x7e: {  	_ =	shalt  }
0x7f: {  	_ =	shalt  }
0x80: {  	_ =	shalt  }
0x81: {  	_ =	shalt  }
0x82: {  	_ =	shalt  }
0x83: {  	_ =	shalt  }
0x84: {  	_ =	shalt  }
0x85: {  	_ =	shalt  }
0x86: {  	_ =	shalt  }
0x87: {  	_ =	shalt  }
.Lfunc_end0:
.L_simem_size_0:
called_computation.1_lowered:
.L_overlay_start_0:
0x88: {  	s2 =	sld [smem:$0x3FD9]  }
0x89: {  	s3 =	sld [smem:$0x3FFE];
	_ =	sdelay $0x1  }
0x8a: {  	s1 =	srdreg.scid  }
0x8b: {  	s0 =	sand.u32 $0x1, s1  }
0x8c: {  	s17 =	sshll.u32 s0, $0xA;
	s2 =	sadd.s32 s3, s2  }
0x8d: {  	s2 =	sadd.s32 s2, s17  }
0x8e: {  	[smem:$0x3FC0] =	sst s2  }
0x8f: {  	_ = 	snop  }
0x90: {  	s2 =	sld [smem:$0x3FD0];
	(tm) =	ssettm $0x1  }
0x91: {  	s18 =	sld [smem:$0x3FFB];
	_ =	sdelay $0x3  }
0x92: {  	_ =	strace s18  }
0x93: {  	s3 =	sld [smem:$0x3FFC];
	_ =	sdelay $0x3  }
0x94: {  	_ =	strace s3  }
0x95: {  	s3 =	sld [smem:$0x3FFD];
	_ =	sdelay $0x3  }
0x96: {  	_ =	strace s3  }
0x97: {  	_ =	strace $0x8FFFFFFF  }
0x98: {  	s19 =	sld [smem:$0x3FDB];
	_ =	sdelay $0x1  }
0x99: {  	s4 =	simm.s32 $_scs_section_size  }
0x9a: {  	s5 =	simm.s32 $_size__tile_overlayer_lowered;
	s6 =	simm.s32 $_tile_overlayer_lowered  }
0x9b: {  	s22 =	simm.s32 $0x1BFF;
	s21 =	sshll.u32 s6, $0x1;
	s3 =	sadd.s32 s4, s19  }
0x9c: {  	s7 =	simm.s32 $0x0;
	s20 =	sshll.u32 s5, $0x1;
	s5 =	sadd.s32 s21, s3  }
0x9d: {  	[timem:s7], [sflag:s22] =	dma.local [hbm:s5], s20  }
0x9e: {  	_ =	swait.ge [sflag:s22], s20  }
0x9f: {  	s4 =	ssub.s32 $0x0, s20;
	[sflag:s22] =	ssyncset.done $0x0  }
0xa0: {  	[sflag:s22] =	ssyncadd.s32 s4;
	_ =	sdelay $0x1  }
0xa1: {  	s23 =	simm.s32 $0x1B8B  }
0xa2: {  	_ =	swait.ge [sflag:s23], $0x1  }
0xa3: {  	[sflag:s23] =	ssyncset.done $0x0  }
0xa4: {  	s25 =	simm.s32 $0x1B8E;
	s24 =	sld [smem:$0x3FFE];
	[sflag:s23] =	ssyncadd.s32 $0xFFFFFFFF  }
0xa5: {  	s26 =	simm.s32 $execute0_lowered;
	[smem:$0x3FD2] =	sst s25  }
0xa6: {  	s5 =	sshll.u32 s26, $0x1;
	_ =	strace $0x80000049;
	[dreg:$0x1] =	wrdreg $0xFFFFFFFF  }
0xa7: {  	s28 =	simm.s32 $_size_execute0_lowered;
	s3 =	sadd.s32 s3, s5;
	[dreg:$0x0] =	wrdreg $0x0  }
0xa8: {  	s5 =	sshll.u32 s28, $0x1;
	[dreg:$0x2] =	wrdreg s3  }
0xa9: {  	[dreg:$0x3] =	wrdreg s5  }
0xaa: {  	[dreg:$0x4] =	wrdreg $0xC0  }
0xab: {  	_ =	task [dreg:s7], $0x5FFFF  }
0xac: {  	[dreg:$0x1] =	wrdreg $0xFFFFFFFF  }
0xad: {  	[dreg:$0x0] =	wrdreg $0x60  }
0xae: {  	[dreg:$0x2] =	wrdreg s2  }
0xaf: {  	[dreg:$0x3] =	wrdreg s24  }
0xb0: {  	[dreg:$0x4] =	wrdreg $0x0  }
0xb1: {  	[dreg:$0x5] =	wrdreg $0x9  }
0xb2: {  	_ =	task.clear_ibuf [dreg:s7], $0x6FFFF;
	_ =	strace $0x90000049  }
0xb3: {  	s29 =	simm.s32 $0x9;
	_ =	strace $0x8000004B  }
0xb4: {  	_ =	swait.ge [sflag:s29], $0x1  }
0xb5: {  	[sflag:s29] =	ssyncadd.s32 $0xFFFFFFFF  }
0xb6: {  	_ =	strace $0x9000004B  }
0xb7: {  	_ =	sfence  }
0xb8: {  	s30 =	sld [smem:$0x0];
	_ =	sdelay $0x2  }
0xb9: {  	s31 =	sshll.u32 s1, $0xD;
	s1 =	sshrl.u32 s1, $0x2  }
0xba: {  	s3 =	sand.u32 $0x4000, s31;
	s1 =	sadd.s32 s1, s30  }
0xbb: {  	s0 =	sor.u32 s3, s0;
	s1 =	sshll.u32 s1, $0x11  }
0xbc: {  	s0 =	sor.u32 s1, s0  }
0xbd: {  	s0 =	sadd.s32 $0x8F2B, s0  }
0xbe: {  	[sflag:s0] =	ssyncadd.remote.s32 $0x1  }
0xbf: {  	_ =	sfence.sel $0xFFFF  }
0xc0: {  	[dreg:$0x0] =	wrdreg $0xFFFFFFFF;
	(pc) =	sbr.abs _section_cstart, $3  }
0xc1: {  	[dreg:$0x1] =	wrdreg $0xFFFFFFFF  }
0xc2: {  	_ =	task.clear_ibuf [dreg:s7], $0x2FFFF;
	_ =	strace $0x9FFFFFFF  }
0xc3: {  	(tm) =	ssettm $0x7FFFFFFF  }
tec
execute0_lowered:
.L_overlay_start_1:
0x0: {  	(tag) =	ssettag $0x1  }
0x1: {  	s0 =	srdreg.scid;
	s1 =	rddreg [dreg:$0x0]  }
0x2: {  	s8 =	stileid.u32;
	s5 =	rddreg [dreg:$0x1]  }
0x3: {  	s3 =	rddreg [dreg:$0x2];
	s4 =	simm.s32 $0x0;
	s14 =	simm.s32 $0xED00  }
0x4: {  	s15 =	simm.s32 $0x9;
	s16 =	simm.s32 $0x9D00;
	s17 =	simm.s32 $0xC500  }
0x5: {  	s18 =	simm.s32 $0x80;
	s20 =	simm.s32 $0x10D00;
	s21 =	simm.s32 $0x1  }
0x6: {  	s23 =	simm.s32 $0x12D00;
	s24 =	simm.s32 $0x2;
	s28 =	simm.s32 $0x14D00  }
0x7: {  	s29 =	simm.s32 $0x3;
	s31 =	simm.s32 $0x5;
	s22 =	simm.s32 $0x6  }
0x8: {  	s30 =	simm.s32 $0x8;
	s0 =	sand.u32 $0x1, s0;
	s6 =	smul.u32 $0x9D00, s8  }
0x9: {  	s2 =	sshll.u32 s8, $0x1;
	[smem:$0x7FF] =	sst s4;
	s8 =	smul.u32 $0x27400, s8  }
0xa: {  	s2 =	sor.u32 s0, s2;
	s7 =	smul.u32 $0x9D000, s0;
	s0 =	ssub.s32 $0x2, s0  }
0xb: {  	_ =	strace $0x8000004A;
	s2 =	smul.u32 $0x2800, s2;
	s9 =	sshrl.u32 s0, $0x1  }
0xc: {  	s8 =	sshrl.u32 s8, $0x2;
	s7 =	sadd.s32 s6, s7;
	s0 =	ssub.s32 s0, s9  }
0xd: {  	s25 =	sadd.s32 s8, s3;
	s2 =	sshrl.u32 s2, $0x3;
	s7 =	sshrl.u32 s7, $0x3  }
.Ltmp0:
0xe: {  	s26 =	sadd.s32 $0x2000, s25;
	s8 =	sadd.s32 $0x6000, s25;
	(pc) =	sbr.rel .LBB2_1-.Ltmp0, $4  }
0xf: {  	s9 =	sadd.s32 $0x8000, s25;
	s13 =	smax.u32 s0, $0x1;
	s0 =	simm.s32 $0x4  }
0x10: {  	s2 =	sadd.s32 s2, s5;
	s12 =	sadd.s32 s7, s5;
	s5 =	sadd.s32 s6, s3  }
0x11: {  	[dreg:$0x4] =	wrdreg s26;
	s7 =	sadd.s32 $0x4000, s25;
	s26 =	simm.s32 $0x7  }
0x12: {  	v0 =	vimm.f32 $0.0e+00;
	s10 =	sadd.s32 $0x2A00, s2;
	s11 =	sadd.s32 $0xCA00, s2;
	s12 =	sadd.s32 $0x16A00, s12  }
.LBB2_6:
0x13: {  	_ =	swait.ge [sflag:s0], $0x2000  }
0x14: {  	[sflag:s0] =	ssyncset.done $0x0  }
0x15: {  	[sflag:s0] =	ssyncadd.s32 $0xFFFFE000  }
0x16: {  	[spmem:s3] =	stream.indirect.scatter.add.f32 [tilespmem:s28], [sflag:$0x8], $0x40, s25, s18, $0xb8;
	[tilespmem:$0x16D00] =	vst v63  }
0x17: {  	_ =	swait.ge [sflag:s22], $0x2000  }
0x18: {  	[sflag:s22] =	ssyncset.done $0x0  }
0x19: {  	[sflag:s22] =	ssyncadd.s32 $0xFFFFE000  }
0x1a: {  	_ =	swait.ge [sflag:s26], $0x2000  }
0x1b: {  	[sflag:s26] =	ssyncset.done $0x0  }
0x1c: {  	[sflag:s26] =	ssyncadd.s32 $0xFFFFE000  }
0x1d: {  	s2 =	stileid.u32;
	_ =	swait.ge [sflag:s30], $0x2000  }
0x1e: {  	s6 =	sshrl.u32 s5, $0x3;
	s4 =	sadd.s32 $0x1, s4;
	[sflag:s30] =	ssyncset.done $0x0  }
0x1f: {  	s2 =	sshll.u32 s2, $0x6;
	p0 =	sne.s32 s4, s13;
	[sflag:s30] =	ssyncadd.s32 $0xFFFFE000  }
.Ltmp1:
0x20: {  	s2 =	sor.u32 $0x1C09, s2;
	[bflag:$0x0] =	sbarrier.arrive $0xFFFF;
	(pc) =	sbr.rel @!p0 .LBB2_7-.Ltmp1, $4  }
0x21: {  	[hbm:s12], [sflag:s2] =	dma.local [spmem:s6], $0x13A0  }
0x22: {  	_ =	swait.ge [sflag:s15], $0x13A0  }
0x23: {  	[sflag:s15] =	ssyncset.done $0x0  }
0x24: {  	[sflag:s15] =	ssyncadd.s32 $0xFFFFEC60  }
.LBB2_1:
0x25: {  	s19 =	simm.s32 $0x100;
	s2 =	simm.s32 $0x0  }
.LBB2_2:
0x26: {  	p0 =	sne.s32 s19, $0x7F00;
	[tilespmem:s2+$0xED30] =	vst v0;
	s25 =	smov.u32 s19;
	s19 =	sadd.s32 $0x100, s19  }
.Ltmp2:
0x27: {  	[tilespmem:s2+$0xED20] =	vst v0;
	(pc) =	sbr.rel @p0 .LBB2_2-.Ltmp2, $3  }
0x28: {  	[tilespmem:s2+$0xED00] =	vst v0  }
0x29: {  	[tilespmem:s2+$0xED10] =	vst v0;
	_ =	sdelay $0x1  }
0x2a: {  	s2 =	sshra.s32 s25, $0x2  }
0x2b: {  	[tilespmem:s2+$0xED30] =	vst v0  }
0x2c: {  	[tilespmem:s2+$0xED20] =	vst v0  }
0x2d: {  	[tilespmem:s2+$0xED00] =	vst v0  }
0x2e: {  	[tilespmem:s2+$0xED10] =	vst v0  }
0x2f: {  	[spmem:s5] =	stream.linear.scatter [tilespmem:s14], [sflag:$0x9], $0x2000, $0x38;
	[tilespmem:$0x16D00] =	vst v63  }
0x30: {  	_ =	swait.ge [sflag:s15], $0x2000  }
0x31: {  	[sflag:s15] =	ssyncset.done $0x0  }
0x32: {  	s19 =	rddreg [dreg:$0x4];
	[sflag:s15] =	ssyncadd.s32 $0xFFFFE000  }
0x33: {  	[spmem:s19] =	stream.linear.scatter [tilespmem:s14], [sflag:$0x9], $0x2000, $0x38;
	[tilespmem:$0x16D00] =	vst v63  }
0x34: {  	_ =	swait.ge [sflag:s15], $0x2000  }
0x35: {  	[sflag:s15] =	ssyncset.done $0x0  }
0x36: {  	[sflag:s15] =	ssyncadd.s32 $0xFFFFE000  }
0x37: {  	[spmem:s7] =	stream.linear.scatter [tilespmem:s14], [sflag:$0x9], $0x2000, $0x38;
	[tilespmem:$0x16D00] =	vst v63  }
0x38: {  	_ =	swait.ge [sflag:s15], $0x2000  }
0x39: {  	[sflag:s15] =	ssyncset.done $0x0  }
0x3a: {  	[sflag:s15] =	ssyncadd.s32 $0xFFFFE000  }
0x3b: {  	[spmem:s8] =	stream.linear.scatter [tilespmem:s14], [sflag:$0x9], $0x2000, $0x38;
	[tilespmem:$0x16D00] =	vst v63  }
0x3c: {  	_ =	swait.ge [sflag:s15], $0x2000  }
0x3d: {  	[sflag:s15] =	ssyncset.done $0x0  }
0x3e: {  	[sflag:s15] =	ssyncadd.s32 $0xFFFFE000  }
0x3f: {  	[spmem:s9] =	stream.linear.scatter [tilespmem:s14], [sflag:$0x9], $0x1D00, $0x38;
	[tilespmem:$0x16D00] =	vst v63  }
0x40: {  	_ =	swait.ge [sflag:s15], $0x1D00  }
0x41: {  	[sflag:s15] =	ssyncset.done $0x0  }
0x42: {  	[sflag:s15] =	ssyncadd.s32 $0xFFFFE300  }
0x43: {  	s2 =	simm.s32 $0x0;
	[bflag:$0x0] =	sbarrier.arrive $0xFFFF  }
0x44: {  	[tilespmem:s16], [sflag:$0x9] =	stream.linear.gather [hbm4b:s10+s2], $0x2800, $0x38;
	[tilespmem:$0x16D00] =	vst v63  }
0x45: {  	_ =	swait.ge [sflag:s15], $0x2800  }
0x46: {  	[sflag:s15] =	ssyncset.done $0x0  }
0x47: {  	[sflag:s15] =	ssyncadd.s32 $0xFFFFD800  }
0x48: {  	[tilespmem:s17], [sflag:$0x9] =	stream.linear.gather [hbm4b:s11+s2], $0x2800, $0x38;
	[tilespmem:$0x16D00] =	vst v63  }
0x49: {  	_ =	swait.ge [sflag:s15], $0x2800  }
0x4a: {  	[sflag:s15] =	ssyncset.done $0x0  }
0x4b: {  	[sflag:s15] =	ssyncadd.s32 $0xFFFFD800  }
0x4c: {  	[tilespmem:s14], [sflag:$0x1] =	stream.indirect.gather [hbm4b:s1+s18], $0x40, s16, s18, $0xb8;
	[tilespmem:$0x16D00] =	vst v63  }
0x4d: {  	s6 =	simm.s32 $0x9D80  }
0x4e: {  	[tilespmem:s20], [sflag:$0x2] =	stream.indirect.gather [hbm4b:s1+s18], $0x40, s6, s18, $0xb8;
	[tilespmem:$0x16D00] =	vst v63  }
0x4f: {  	_ =	swait.ge [sflag:s21], $0x2000  }
0x50: {  	[sflag:s21] =	ssyncset.done $0x0  }
0x51: {  	[sflag:s21] =	ssyncadd.s32 $0xFFFFE000  }
0x52: {  	[spmem:s3] =	stream.indirect.scatter.add.f32 [tilespmem:s14], [sflag:$0x5], $0x40, s17, s18, $0xb8;
	[tilespmem:$0x16D00] =	vst v63  }
0x53: {  	s25 =	simm.s32 $0x9E00  }
0x54: {  	[tilespmem:s23], [sflag:$0x3] =	stream.indirect.gather [hbm4b:s1+s18], $0x40, s25, s18, $0xb8;
	[tilespmem:$0x16D00] =	vst v63  }
0x55: {  	_ =	swait.ge [sflag:s24], $0x2000  }
0x56: {  	[sflag:s24] =	ssyncset.done $0x0  }
0x57: {  	s19 =	simm.s32 $0xC580;
	[sflag:s24] =	ssyncadd.s32 $0xFFFFE000  }
0x58: {  	[spmem:s3] =	stream.indirect.scatter.add.f32 [tilespmem:s20], [sflag:$0x6], $0x40, s19, s18, $0xb8;
	[tilespmem:$0x16D00] =	vst v63  }
0x59: {  	s25 =	simm.s32 $0x9E80  }
0x5a: {  	[tilespmem:s28], [sflag:$0x4] =	stream.indirect.gather [hbm4b:s1+s18], $0x40, s25, s18, $0xb8;
	[tilespmem:$0x16D00] =	vst v63  }
0x5b: {  	_ =	swait.ge [sflag:s29], $0x2000  }
0x5c: {  	[sflag:s29] =	ssyncset.done $0x0  }
0x5d: {  	s19 =	simm.s32 $0xC600;
	[sflag:s29] =	ssyncadd.s32 $0xFFFFE000  }
0x5e: {  	[spmem:s3] =	stream.indirect.scatter.add.f32 [tilespmem:s23], [sflag:$0x7], $0x40, s19, s18, $0xb8;
	[tilespmem:$0x16D00] =	vst v63  }
0x5f: {  	_ =	swait.ge [sflag:s31], $0x2000  }
0x60: {  	[sflag:s31] =	ssyncset.done $0x0  }
0x61: {  	s25 =	simm.s32 $0x9F00;
	[sflag:s31] =	ssyncadd.s32 $0xFFFFE000  }
0x62: {  	[tilespmem:s14], [sflag:$0x1] =	stream.indirect.gather [hbm4b:s1+s18], $0x40, s25, s18, $0xb8;
	[tilespmem:$0x16D00] =	vst v63  }
0x63: {  	_ =	swait.ge [sflag:s0], $0x2000  }
0x64: {  	[sflag:s0] =	ssyncset.done $0x0  }
0x65: {  	s19 =	simm.s32 $0xC680;
	[sflag:s0] =	ssyncadd.s32 $0xFFFFE000  }
0x66: {  	[spmem:s3] =	stream.indirect.scatter.add.f32 [tilespmem:s28], [sflag:$0x8], $0x40, s19, s18, $0xb8;
	[tilespmem:$0x16D00] =	vst v63  }
0x67: {  	_ =	swait.ge [sflag:s22], $0x2000  }
0x68: {  	[sflag:s22] =	ssyncset.done $0x0  }
0x69: {  	s25 =	simm.s32 $0x9F80;
	[sflag:s22] =	ssyncadd.s32 $0xFFFFE000  }
0x6a: {  	[tilespmem:s20], [sflag:$0x2] =	stream.indirect.gather [hbm4b:s1+s18], $0x40, s25, s18, $0xb8;
	[tilespmem:$0x16D00] =	vst v63  }
.LBB2_4:
0x6b: {  	_ =	swait.ge [sflag:s21], $0x2000  }
0x6c: {  	s19 =	sshra.s32 s2, $0x2;
	[sflag:s21] =	ssyncset.done $0x0  }
0x6d: {  	s25 =	sadd.s32 $0xC700, s19;
	[sflag:s21] =	ssyncadd.s32 $0xFFFFE000  }
0x6e: {  	[spmem:s3] =	stream.indirect.scatter.add.f32 [tilespmem:s14], [sflag:$0x5], $0x40, s25, s18, $0xb8;
	[tilespmem:$0x16D00] =	vst v63  }
0x6f: {  	_ =	swait.ge [sflag:s26], $0x2000  }
0x70: {  	[sflag:s26] =	ssyncset.done $0x0  }
0x71: {  	s6 =	sadd.s32 $0xA000, s19;
	[sflag:s26] =	ssyncadd.s32 $0xFFFFE000  }
0x72: {  	[tilespmem:s23], [sflag:$0x3] =	stream.indirect.gather [hbm4b:s1+s18], $0x40, s6, s18, $0xb8;
	[tilespmem:$0x16D00] =	vst v63  }
0x73: {  	_ =	swait.ge [sflag:s24], $0x2000  }
0x74: {  	[sflag:s24] =	ssyncset.done $0x0  }
0x75: {  	s6 =	sadd.s32 $0xC780, s19;
	[sflag:s24] =	ssyncadd.s32 $0xFFFFE000  }
0x76: {  	[spmem:s3] =	stream.indirect.scatter.add.f32 [tilespmem:s20], [sflag:$0x6], $0x40, s6, s18, $0xb8;
	[tilespmem:$0x16D00] =	vst v63  }
0x77: {  	_ =	swait.ge [sflag:s30], $0x2000  }
0x78: {  	[sflag:s30] =	ssyncset.done $0x0  }
0x79: {  	s6 =	sadd.s32 $0xA080, s19;
	[sflag:s30] =	ssyncadd.s32 $0xFFFFE000  }
0x7a: {  	[tilespmem:s28], [sflag:$0x4] =	stream.indirect.gather [hbm4b:s1+s18], $0x40, s6, s18, $0xb8;
	[tilespmem:$0x16D00] =	vst v63  }
0x7b: {  	_ =	swait.ge [sflag:s29], $0x2000  }
0x7c: {  	p0 =	seq.s32 s2, $0x9000;
	[sflag:s29] =	ssyncset.done $0x0  }
.Ltmp3:
0x7d: {  	s6 =	sadd.s32 $0xC800, s19;
	[sflag:s29] =	ssyncadd.s32 $0xFFFFE000;
	(pc) =	sbr.rel @p0 .LBB2_6-.Ltmp3, $4  }
0x7e: {  	[spmem:s3] =	stream.indirect.scatter.add.f32 [tilespmem:s23], [sflag:$0x7], $0x40, s6, s18, $0xb8;
	[tilespmem:$0x16D00] =	vst v63  }
0x7f: {  	_ =	swait.ge [sflag:s31], $0x2000  }
0x80: {  	[sflag:s31] =	ssyncset.done $0x0  }
0x81: {  	s25 =	sadd.s32 $0xC880, s19;
	[sflag:s31] =	ssyncadd.s32 $0xFFFFE000  }
0x82: {  	s6 =	sadd.s32 $0xA100, s19  }
0x83: {  	[tilespmem:s14], [sflag:$0x1] =	stream.indirect.gather [hbm4b:s1+s18], $0x40, s6, s18, $0xb8;
	[tilespmem:$0x16D00] =	vst v63  }
0x84: {  	_ =	swait.ge [sflag:s0], $0x2000  }
0x85: {  	[sflag:s0] =	ssyncset.done $0x0  }
0x86: {  	[sflag:s0] =	ssyncadd.s32 $0xFFFFE000  }
0x87: {  	[spmem:s3] =	stream.indirect.scatter.add.f32 [tilespmem:s28], [sflag:$0x8], $0x40, s25, s18, $0xb8;
	[tilespmem:$0x16D00] =	vst v63  }
.Ltmp4:
0x88: {  	_ = 	snop;
	(pc) =	sbr.rel .LBB2_4-.Ltmp4, $4  }
0x89: {  	_ =	swait.ge [sflag:s22], $0x2000  }
0x8a: {  	[sflag:s22] =	ssyncset.done $0x0  }
0x8b: {  	s2 =	sadd.s32 $0x800, s2;
	s25 =	sadd.s32 $0xA180, s19;
	[sflag:s22] =	ssyncadd.s32 $0xFFFFE000  }
0x8c: {  	[tilespmem:s20], [sflag:$0x2] =	stream.indirect.gather [hbm4b:s1+s18], $0x40, s25, s18, $0xb8;
	[tilespmem:$0x16D00] =	vst v63  }
.LBB2_7:
0x8d: {  	_ =	sfence.sel $0x180000  }
0x8e: {  	[bflag:$0x0] =	sbarrier.arrive $0xFFFF  }
0x8f: {  	_ =	strace $0x9000004A  }
0x90: {  	s0 =	stileid.u32;
	[bflag:$0x2] =	sbarrier.arrive $0xFFFF  }
0x91: {  	p0 =	sne.s32 s0, $0x0;
	s0 =	rddreg [dreg:$0x3]  }
0x92: {  	s0 =	sadd.s32 @!p0 $0x100000, s0  }
0x93: {  	[sflag:s0] =	ssyncadd.tile.s32 @!p0 $0x1;
	_ =	shalt  }
.Lfunc_end2:
_tile_overlayer_lowered:
.L_overlay_start_2:
0x94: {  	(tag) =	ssettag $0x2  }
0x95: {  	s0 =	rddreg [dreg:$0x0];
	s2 =	stileid.u32  }
0x96: {  	s1 =	rddreg [dreg:$0x1];
	p0 =	sne.s32 s2, $0x0  }
0x97: {  	s3 =	rddreg [dreg:$0x2];
	[bflag:$0x3] =	sbarrier.arrive $0xFFFF;
	s2 =	simm.s32 @!p0 $0x1C09  }
0x98: {  	[timem:s3], [sflag:s2] =	dma.local @!p0 [hbm:s0], s1  }
0x99: {  	s0 =	simm.s32 @!p0 $0x9  }
0x9a: {  	_ =	swait.ge @!p0 [sflag:s0], s1  }
0x9b: {  	s1 =	ssub.s32 @!p0 $0x0, s1;
	[sflag:s0] =	ssyncset.done @!p0 $0x0  }
0x9c: {  	[sflag:s0] =	ssyncadd.s32 @!p0 s1  }
0x9d: {  	[bflag:$0x3] =	sbarrier.arrive $0xFFFF  }
0x9e: {  	_ =	shalt  }

</sc_bundles>
